<compile_context>
chip_gen: v7x
topology: tpu7x:2x2x1
jax: 0.10.2.dev20260603
libtpu: 0.0.44.dev20260713+nightly
codegen_flags: <defaults>
</compile_context>

<pallas_src>
import functools

import jax
import jax.numpy as jnp
from jax import lax
from jax.experimental import pallas as pl
from jax.experimental.pallas import tpu as pltpu
from jax.experimental.pallas import tpu_sc as plsc

N_SEG = 16384
NNZ = 268435
D = 64
EPS = 1e-16

NC = 2
NS = 16
LANES = 16
DH = D // NC

BLK = 1024
SB = 1024
RC = 128
JB = SB // BLK
NSB = -(-NNZ // SB)
TAIL = NNZ - (NSB - 1) * SB
ITERS = -(-NSB // NS)
NPAD = ITERS * NS * SB
TROWS = N_SEG
NCHUNK = TROWS // RC
SEG_PT = N_SEG // NS


def _body(seg_hbm, vals_hbm, out_hbm,
          table_sh, counts_sh, idx_all, vbuf, cbuf, tbuf, zflat, ones_b,
          ones_t, vsem0, vsem1):
    cid = lax.axis_index("c")
    sid = lax.axis_index("s")
    dcol = cid * DH

    z16 = jnp.zeros((LANES,), jnp.float32)
    one16 = jnp.ones((LANES,), jnp.float32)
    lane = jnp.arange(LANES, dtype=jnp.int32)

    def _ones(k, c):
        ones_b[pl.ds(k * LANES, LANES)] = one16
        tv = jnp.where(lane + k * LANES < TAIL, 1.0, 0.0).astype(jnp.float32)
        ones_t[pl.ds(k * LANES, LANES)] = tv
        return c
    lax.fori_loop(0, BLK // LANES, _ones, 0)

    def _zrow(r, c):
        tbuf[r, pl.ds(0, LANES)] = z16
        tbuf[r, pl.ds(LANES, LANES)] = z16
        return c
    lax.fori_loop(0, RC, _zrow, 0)
    for k in range(RC // LANES):
        zflat[pl.ds(k * LANES, LANES)] = z16

    for i in range(-(-NCHUNK // NS)):
        c = sid + NS * i

        @pl.when(c < NCHUNK)
        def _():
            pltpu.sync_copy(tbuf, table_sh.at[pl.ds(c * RC, RC)])
            pltpu.sync_copy(zflat, counts_sh.at[pl.ds(c * RC, RC)])

    plsc.subcore_barrier()

    vsem = (vsem0, vsem1)

    def _vals_args(i, b, tail):
        s = sid + NS * i
        if tail:
            src = vals_hbm.at[pl.ds((NSB - 1) * SB, TAIL), pl.ds(dcol, DH)]
            dst = vbuf.at[b, pl.ds(0, TAIL)]
        else:
            src = vals_hbm.at[pl.ds(s * SB, SB), pl.ds(dcol, DH)]
            dst = vbuf.at[b]
        return (src, dst, vsem[b])

    def _fire_vals(i, b):
        s = sid + NS * i

        @pl.when(s < NSB - 1)
        def _():
            pltpu.async_copy(*_vals_args(i, b, False))

        @pl.when(s == NSB - 1)
        def _():
            pltpu.async_copy(*_vals_args(i, b, True))

    def _wait_vals(i, b):
        s = sid + NS * i

        @pl.when(s < NSB - 1)
        def _():
            pltpu.make_async_copy(*_vals_args(i, b, False)).wait()

        @pl.when(s == NSB - 1)
        def _():
            pltpu.make_async_copy(*_vals_args(i, b, True)).wait()

    def _load_idx(i):
        s = sid + NS * i

        @pl.when(s < NSB)
        def _():
            pltpu.sync_copy(seg_hbm.at[pl.ds(s * JB, JB)],
                            idx_all.at[pl.ds(i * JB, JB)])

    def _scatter(i, b):
        s = sid + NS * i

        @pl.when(s < NSB)
        def _():
            @pl.when(s == NSB - 1)
            def _():
                def _ztail(r, c2):
                    vbuf[b, TAIL + r, pl.ds(0, LANES)] = z16
                    vbuf[b, TAIL + r, pl.ds(LANES, LANES)] = z16
                    return c2
                lax.fori_loop(0, SB - TAIL, _ztail, 0)

            idx_row = idx_all.at[i]
            pltpu.sync_copy(vbuf.at[b], table_sh.at[idx_row], add=True)

            @pl.when(s < NSB - 1)
            def _():
                pltpu.sync_copy(ones_b, counts_sh.at[idx_row], add=True)

            @pl.when(s == NSB - 1)
            def _():
                pltpu.sync_copy(ones_t, counts_sh.at[idx_row], add=True)

    _fire_vals(0, 0)

    def _p1(k, carry):
        i0 = 2 * k
        _load_idx(i0)
        _wait_vals(i0, 0)
        _fire_vals(i0 + 1, 1)
        _scatter(i0, 0)
        _load_idx(i0 + 1)
        _wait_vals(i0 + 1, 1)
        _fire_vals(i0 + 2, 0)
        _scatter(i0 + 1, 1)
        return carry
    lax.fori_loop(0, (ITERS + 1) // 2, _p1, 0)

    plsc.subcore_barrier()

    r0 = sid * SEG_PT
    pltpu.sync_copy(counts_sh.at[pl.ds(r0, SEG_PT)], cbuf)

    def _inv(k, carry):
        v = cbuf[pl.ds(k * LANES, LANES)]
        cbuf[pl.ds(k * LANES, LANES)] = 1.0 / (v + EPS)
        return carry
    lax.fori_loop(0, SEG_PT // LANES, _inv, 0)

    def _chunk(c, carry):
        pltpu.sync_copy(table_sh.at[pl.ds(r0 + c * RC, RC)], tbuf)

        def _grp(g, carry2):
            ivec = cbuf[pl.ds(c * RC + g * LANES, LANES)]
            for r16 in range(LANES):
                bv = jnp.full((LANES,), ivec[r16], jnp.float32)
                r = g * LANES + r16
                tbuf[r, pl.ds(0, LANES)] = tbuf[r, pl.ds(0, LANES)] * bv
                tbuf[r, pl.ds(LANES, LANES)] = (
                    tbuf[r, pl.ds(LANES, LANES)] * bv)
            return carry2
        lax.fori_loop(0, RC // LANES, _grp, 0)
        pltpu.sync_copy(tbuf, table_sh.at[pl.ds(r0 + c * RC, RC)])
        return carry
    lax.fori_loop(0, SEG_PT // RC, _chunk, 0)

    plsc.subcore_barrier()

    def _out_args(i, b, tail):
        s = sid + NS * i
        if tail:
            src = vbuf.at[b, pl.ds(0, TAIL)]
            dst = out_hbm.at[pl.ds((NSB - 1) * SB, TAIL), pl.ds(dcol, DH)]
        else:
            src = vbuf.at[b]
            dst = out_hbm.at[pl.ds(s * SB, SB), pl.ds(dcol, DH)]
        return (src, dst, vsem[b])

    def _wait_out(i, b):
        s = sid + NS * i

        @pl.when(s < NSB - 1)
        def _():
            pltpu.make_async_copy(*_out_args(i, b, False)).wait()

        @pl.when(s == NSB - 1)
        def _():
            pltpu.make_async_copy(*_out_args(i, b, True)).wait()

    def _gather_store(i, b):
        s = sid + NS * i

        @pl.when(s < NSB)
        def _():
            idx_row = idx_all.at[i]
            pltpu.sync_copy(table_sh.at[idx_row], vbuf.at[b])

            @pl.when(s < NSB - 1)
            def _():
                pltpu.async_copy(*_out_args(i, b, False))

            @pl.when(s == NSB - 1)
            def _():
                pltpu.async_copy(*_out_args(i, b, True))

    def _p2(k, carry):
        i0 = 2 * k
        _gather_store(i0, 0)

        @pl.when(i0 >= 1)
        def _():
            _wait_out(i0 - 1, 1)
        _gather_store(i0 + 1, 1)
        _wait_out(i0, 0)
        return carry
    lax.fori_loop(0, (ITERS + 1) // 2, _p2, 0)


@jax.jit
def _pool(seg2d, vals):
    mesh = plsc.VectorSubcoreMesh(core_axis_name="c", subcore_axis_name="s")
    run = pl.kernel(
        _body,
        out_type=jax.ShapeDtypeStruct((NNZ, D), jnp.float32),
        mesh=mesh,
        compiler_params=pltpu.CompilerParams(use_tc_tiling_on_sc=False),
        scratch_types=[
            pltpu.VMEM_SHARED((TROWS, DH), jnp.float32),
            pltpu.VMEM_SHARED((TROWS,), jnp.float32),
            pltpu.VMEM((ITERS * JB, BLK), jnp.int32),
            pltpu.VMEM((2, SB, DH), jnp.float32),
            pltpu.VMEM((SEG_PT,), jnp.float32),
            pltpu.VMEM((RC, DH), jnp.float32),
            pltpu.VMEM((RC,), jnp.float32),
            pltpu.VMEM((BLK,), jnp.float32),
            pltpu.VMEM((BLK,), jnp.float32),
            pltpu.SemaphoreType.DMA,
            pltpu.SemaphoreType.DMA,
        ],
    )
    return run(seg2d, vals)


def kernel(tens_indices, tens_values):
    seg = tens_indices[1].astype(jnp.int32)
    seg_pad = jnp.zeros((NPAD,), jnp.int32).at[:NNZ].set(seg)
    seg2d = seg_pad.reshape(NPAD // BLK, BLK)
    return _pool(seg2d, tens_values)

# --- scband reference (transcript-rebuilt; emitter-appended) ---
"""Pipeline reference for scband-pool-25503515803828 (READ-ONLY COPY).

The authoritative reference and input builder live on the scoring server;
editing this copy changes nothing except your own understanding.
"""

import jax, jax.numpy as jnp
import numpy as np

AXIS = 0
N = 16384
NNZ = 268435
D = 64
EPS = 1e-16

def setup_inputs(seed: int = 0) -> dict:
    key = jax.random.key(seed)
    k1, k2 = jax.random.split(key)
    tens_indices = jax.random.randint(k1, (2, NNZ), 0, N, dtype=jnp.int32)
    tens_values = jax.random.normal(k2, (NNZ, D), dtype=jnp.float32)
    return {"tens_indices": tens_indices, "tens_values": tens_values}

def reference(tens_indices, tens_values):
    # torch module: pool (mean) across rows (axis=0) of a hybrid sparse COO tensor
    # [N, N] with dense value dim D, then map pooled column representation back
    # to each nonzero entry.
    seg = tens_indices[1 - AXIS].astype(jnp.int32)  # column index of each nnz
    # output = torch.sparse.sum(tens, dim=(0,)).to_dense() -> [N, D]
    output = jax.ops.segment_sum(tens_values, seg, num_segments=N)
    # n = per-column nonzero counts (+eps)
    ones = jnp.ones((NNZ,), dtype=jnp.float32)
    n = jax.ops.segment_sum(ones, seg, num_segments=N) + EPS
    pooled = output / n[:, None]
    # index_select back to nnz entries
    return jnp.take(pooled, seg, axis=0)

if __name__ == "__main__":
    import jax
    _d = setup_inputs()
    print(jax.jit(kernel)(*tuple(_d.values())))

</pallas_src>

<mosaic_0001>
#map = affine_map<(d0, d1) -> (0, 0)>
module attributes {stable_mosaic.version = 14 : i64} {
  func.func @_body(%arg0: i32, %arg1: i32, %arg2: memref<272x1024xi32, #tpu.memory_space<hbm>>, %arg3: memref<268435x64xf32, #tpu.memory_space<hbm>>, %arg4: memref<268435x64xf32, #tpu.memory_space<hbm>>, %arg5: memref<16384x32xf32, #tpu.memory_space<vmem_shared>>, %arg6: memref<16384xf32, #tpu.memory_space<vmem_shared>>, %arg7: memref<17x1024xi32, #tpu.memory_space<vmem>>, %arg8: memref<2x1024x32xf32, #tpu.memory_space<vmem>>, %arg9: memref<1024xf32, #tpu.memory_space<vmem>>, %arg10: memref<128x32xf32, #tpu.memory_space<vmem>>, %arg11: memref<128xf32, #tpu.memory_space<vmem>>, %arg12: memref<1024xf32, #tpu.memory_space<vmem>>, %arg13: memref<1024xf32, #tpu.memory_space<vmem>>, %arg14: memref<!tpu.dma_semaphore, #tpu.memory_space<semaphore_mem>>, %arg15: memref<!tpu.dma_semaphore, #tpu.memory_space<semaphore_mem>>) attributes {dimension_semantics = [#tpu.dimension_semantics<core_parallel>, #tpu.dimension_semantics<subcore_parallel>], iteration_bounds = array<i64: 2, 16>, scalar_prefetch = 0 : i64, scratch_operands = 11 : i64, tpu.core_type = #tpu.core_type<sc_vector_subcore>, window_params = [{transform_indices = #map}, {transform_indices = #map}, {transform_indices = #map}]} {
    %mul3A = arith.constant 32 : i32
    %mul3A_0 = arith.muli %arg0, %mul3A : i32
    %broadcast_in_dim3A = arith.constant 0.000000e+00 : f32
    %broadcast_in_dim3A_1 = vector.broadcast %broadcast_in_dim3A : f32 to vector<16xf32>
    %broadcast_in_dim3A_2 = arith.constant 1.000000e+00 : f32
    %broadcast_in_dim3A_3 = vector.broadcast %broadcast_in_dim3A_2 : f32 to vector<16xf32>
    %iota3A = tpu.iota {dimensions = array<i32: 0>} : vector<16xi32>
    %scan3A = arith.constant 0 : i32
    %scan3A_4 = arith.constant 0 : i32
    %scan3A_5 = arith.constant 64 : i32
    %scan3A_6 = arith.addi %scan3A_4, %scan3A_5 : i32
    %scan3A_7 = arith.constant 1 : i32
    scf.for %scan3A_137 = %scan3A_4 to %scan3A_6 step %scan3A_7  : i32 {
      %mul3A_138 = arith.constant 16 : i32
      %mul3A_139 = arith.muli %scan3A_137, %mul3A_138 : i32
      %swap3A_140 = arith.index_cast %mul3A_139 : i32 to index
      %swap3A_141 = tpu.vector_load %arg12[%swap3A_140] {strides = array<i32>} : memref<1024xf32, #tpu.memory_space<vmem>>, vector<16xf32>,
      %swap3A_142 = vector.shape_cast %swap3A_141 : vector<16xf32> to vector<16xf32>
      %swap3A_143 = vector.shape_cast %broadcast_in_dim3A_3 : vector<16xf32> to vector<16xf32>
      tpu.vector_store %arg12[%swap3A_140], %swap3A_143 {strides = array<i32>} : memref<1024xf32, #tpu.memory_space<vmem>>, vector<16xf32>,
      %mul3A_144 = arith.constant 16 : i32
      %mul3A_145 = arith.muli %scan3A_137, %mul3A_144 : i32
      %add3A_146 = vector.broadcast %mul3A_145 : i32 to vector<16xi32>
      %add3A_147 = arith.addi %iota3A, %add3A_146 : vector<16xi32>
      %lt3A_148 = arith.constant 147 : i32
      %lt3A_149 = vector.broadcast %lt3A_148 : i32 to vector<16xi32>
      %lt3A_150 = arith.cmpi slt, %add3A_147, %lt3A_149 : vector<16xi32>
      %jit3A = arith.constant 1.000000e+00 : f32
      %jit3A_151 = arith.constant 0.000000e+00 : f32
      %broadcast_in_dim3A_152 = vector.broadcast %jit3A : f32 to vector<16xf32>
      %broadcast_in_dim3A_153 = vector.broadcast %jit3A_151 : f32 to vector<16xf32>
      %select_n3A = arith.select %lt3A_150, %broadcast_in_dim3A_152, %broadcast_in_dim3A_153 : vector<16xi1>, vector<16xf32>
      %mul3A_154 = arith.constant 16 : i32
      %mul3A_155 = arith.muli %scan3A_137, %mul3A_154 : i32
      %swap3A_156 = arith.index_cast %mul3A_155 : i32 to index
      %swap3A_157 = tpu.vector_load %arg13[%swap3A_156] {strides = array<i32>} : memref<1024xf32, #tpu.memory_space<vmem>>, vector<16xf32>,
      %swap3A_158 = vector.shape_cast %swap3A_157 : vector<16xf32> to vector<16xf32>
      %swap3A_159 = vector.shape_cast %select_n3A : vector<16xf32> to vector<16xf32>
      tpu.vector_store %arg13[%swap3A_156], %swap3A_159 {strides = array<i32>} : memref<1024xf32, #tpu.memory_space<vmem>>, vector<16xf32>,
    }
    %scan3A_8 = arith.constant 64 : i32
    %scan3A_9 = arith.constant 0 : i32
    %scan3A_10 = arith.constant 0 : i32
    %scan3A_11 = arith.constant 128 : i32
    %scan3A_12 = arith.addi %scan3A_10, %scan3A_11 : i32
    %scan3A_13 = arith.constant 1 : i32
    scf.for %scan3A_137 = %scan3A_10 to %scan3A_12 step %scan3A_13  : i32 {
      %swap3A_138 = arith.index_cast %scan3A_137 : i32 to index
      %swap3A_139 = arith.constant 0 : index
      %swap3A_140 = tpu.vector_load %arg10[%swap3A_138, %swap3A_139] {strides = array<i32>} : memref<128x32xf32, #tpu.memory_space<vmem>>, vector<1x16xf32>,
      %swap3A_141 = vector.shape_cast %swap3A_140 : vector<1x16xf32> to vector<16xf32>
      %swap3A_142 = vector.shape_cast %broadcast_in_dim3A_1 : vector<16xf32> to vector<1x16xf32>
      tpu.vector_store %arg10[%swap3A_138, %swap3A_139], %swap3A_142 {strides = array<i32>} : memref<128x32xf32, #tpu.memory_space<vmem>>, vector<1x16xf32>,
      %swap3A_143 = arith.index_cast %scan3A_137 : i32 to index
      %swap3A_144 = arith.constant 16 : index
      %swap3A_145 = tpu.vector_load %arg10[%swap3A_143, %swap3A_144] {strides = array<i32>} : memref<128x32xf32, #tpu.memory_space<vmem>>, vector<1x16xf32>,
      %swap3A_146 = vector.shape_cast %swap3A_145 : vector<1x16xf32> to vector<16xf32>
      %swap3A_147 = vector.shape_cast %broadcast_in_dim3A_1 : vector<16xf32> to vector<1x16xf32>
      tpu.vector_store %arg10[%swap3A_143, %swap3A_144], %swap3A_147 {strides = array<i32>} : memref<128x32xf32, #tpu.memory_space<vmem>>, vector<1x16xf32>,
    }
    %scan3A_14 = arith.constant 128 : i32
    %swap3A = arith.constant 0 : index
    %swap3A_15 = tpu.vector_load %arg11[%swap3A] {strides = array<i32>} : memref<128xf32, #tpu.memory_space<vmem>>, vector<16xf32>,
    %swap3A_16 = vector.shape_cast %swap3A_15 : vector<16xf32> to vector<16xf32>
    %swap3A_17 = vector.shape_cast %broadcast_in_dim3A_1 : vector<16xf32> to vector<16xf32>
    tpu.vector_store %arg11[%swap3A], %swap3A_17 {strides = array<i32>} : memref<128xf32, #tpu.memory_space<vmem>>, vector<16xf32>,
    %swap3A_18 = arith.constant 16 : index
    %swap3A_19 = tpu.vector_load %arg11[%swap3A_18] {strides = array<i32>} : memref<128xf32, #tpu.memory_space<vmem>>, vector<16xf32>,
    %swap3A_20 = vector.shape_cast %swap3A_19 : vector<16xf32> to vector<16xf32>
    %swap3A_21 = vector.shape_cast %broadcast_in_dim3A_1 : vector<16xf32> to vector<16xf32>
    tpu.vector_store %arg11[%swap3A_18], %swap3A_21 {strides = array<i32>} : memref<128xf32, #tpu.memory_space<vmem>>, vector<16xf32>,
    %swap3A_22 = arith.constant 32 : index
    %swap3A_23 = tpu.vector_load %arg11[%swap3A_22] {strides = array<i32>} : memref<128xf32, #tpu.memory_space<vmem>>, vector<16xf32>,
    %swap3A_24 = vector.shape_cast %swap3A_23 : vector<16xf32> to vector<16xf32>
    %swap3A_25 = vector.shape_cast %broadcast_in_dim3A_1 : vector<16xf32> to vector<16xf32>
    tpu.vector_store %arg11[%swap3A_22], %swap3A_25 {strides = array<i32>} : memref<128xf32, #tpu.memory_space<vmem>>, vector<16xf32>,
    %swap3A_26 = arith.constant 48 : index
    %swap3A_27 = tpu.vector_load %arg11[%swap3A_26] {strides = array<i32>} : memref<128xf32, #tpu.memory_space<vmem>>, vector<16xf32>,
    %swap3A_28 = vector.shape_cast %swap3A_27 : vector<16xf32> to vector<16xf32>
    %swap3A_29 = vector.shape_cast %broadcast_in_dim3A_1 : vector<16xf32> to vector<16xf32>
    tpu.vector_store %arg11[%swap3A_26], %swap3A_29 {strides = array<i32>} : memref<128xf32, #tpu.memory_space<vmem>>, vector<16xf32>,
    %swap3A_30 = arith.constant 64 : index
    %swap3A_31 = tpu.vector_load %arg11[%swap3A_30] {strides = array<i32>} : memref<128xf32, #tpu.memory_space<vmem>>, vector<16xf32>,
    %swap3A_32 = vector.shape_cast %swap3A_31 : vector<16xf32> to vector<16xf32>
    %swap3A_33 = vector.shape_cast %broadcast_in_dim3A_1 : vector<16xf32> to vector<16xf32>
    tpu.vector_store %arg11[%swap3A_30], %swap3A_33 {strides = array<i32>} : memref<128xf32, #tpu.memory_space<vmem>>, vector<16xf32>,
    %swap3A_34 = arith.constant 80 : index
    %swap3A_35 = tpu.vector_load %arg11[%swap3A_34] {strides = array<i32>} : memref<128xf32, #tpu.memory_space<vmem>>, vector<16xf32>,
    %swap3A_36 = vector.shape_cast %swap3A_35 : vector<16xf32> to vector<16xf32>
    %swap3A_37 = vector.shape_cast %broadcast_in_dim3A_1 : vector<16xf32> to vector<16xf32>
    tpu.vector_store %arg11[%swap3A_34], %swap3A_37 {strides = array<i32>} : memref<128xf32, #tpu.memory_space<vmem>>, vector<16xf32>,
    %swap3A_38 = arith.constant 96 : index
    %swap3A_39 = tpu.vector_load %arg11[%swap3A_38] {strides = array<i32>} : memref<128xf32, #tpu.memory_space<vmem>>, vector<16xf32>,
    %swap3A_40 = vector.shape_cast %swap3A_39 : vector<16xf32> to vector<16xf32>
    %swap3A_41 = vector.shape_cast %broadcast_in_dim3A_1 : vector<16xf32> to vector<16xf32>
    tpu.vector_store %arg11[%swap3A_38], %swap3A_41 {strides = array<i32>} : memref<128xf32, #tpu.memory_space<vmem>>, vector<16xf32>,
    %swap3A_42 = arith.constant 112 : index
    %swap3A_43 = tpu.vector_load %arg11[%swap3A_42] {strides = array<i32>} : memref<128xf32, #tpu.memory_space<vmem>>, vector<16xf32>,
    %swap3A_44 = vector.shape_cast %swap3A_43 : vector<16xf32> to vector<16xf32>
    %swap3A_45 = vector.shape_cast %broadcast_in_dim3A_1 : vector<16xf32> to vector<16xf32>
    tpu.vector_store %arg11[%swap3A_42], %swap3A_45 {strides = array<i32>} : memref<128xf32, #tpu.memory_space<vmem>>, vector<16xf32>,
    %add3A = arith.constant 0 : i32
    %add3A_46 = arith.addi %arg1, %add3A : i32
    %lt3A = arith.constant 128 : i32
    %lt3A_47 = arith.cmpi slt, %add3A_46, %lt3A : i32
    %convert_element_type3A = arith.extui %lt3A_47 : i1 to i32
    %cond3A = arith.constant 0 : i32
    %cond3A_48 = arith.cmpi ne, %convert_element_type3A, %cond3A : i32
    scf.if %cond3A_48 {
      %mul3A_137 = arith.constant 128 : i32
      %mul3A_138 = arith.muli %add3A_46, %mul3A_137 : i32
      "tpu.region"() ({
        %run_scoped3A = tpu.sem_alloc : memref<!tpu.dma_semaphore, #tpu.memory_space<semaphore_mem>>
        %dma_start3A = arith.constant 0 : i32
        %dma_start3A_141 = tpu.memref_slice %arg5[%mul3A_138, %dma_start3A] : memref<16384x32xf32, #tpu.memory_space<vmem_shared>> -> memref<128x32xf32, #tpu.memory_space<vmem_shared>>
        %dma_start3A_142 = arith.constant 0 : i32
        %dma_start3A_143 = tpu.memref_slice %arg5[%mul3A_138, %dma_start3A_142] : memref<16384x32xf32, #tpu.memory_space<vmem_shared>> -> memref<128x32xf32, #tpu.memory_space<vmem_shared>>
        tpu.enqueue_dma source(%arg10 : memref<128x32xf32, #tpu.memory_space<vmem>>) target(%dma_start3A_143 : memref<128x32xf32, #tpu.memory_space<vmem_shared>>) target_semaphore(%run_scoped3A : memref<!tpu.dma_semaphore, #tpu.memory_space<semaphore_mem>>)
        %dma_wait3A = arith.constant 0 : i32
        %dma_wait3A_144 = tpu.memref_slice %arg5[%mul3A_138, %dma_wait3A] : memref<16384x32xf32, #tpu.memory_space<vmem_shared>> -> memref<128x32xf32, #tpu.memory_space<vmem_shared>>
        %dma_wait3A_145 = arith.constant 0 : i32
        %dma_wait3A_146 = tpu.memref_slice %arg5[%mul3A_138, %dma_wait3A_145] : memref<16384x32xf32, #tpu.memory_space<vmem_shared>> -> memref<128x32xf32, #tpu.memory_space<vmem_shared>>
        tpu.wait_dma2 semaphore(%run_scoped3A : memref<!tpu.dma_semaphore, #tpu.memory_space<semaphore_mem>>) src(%arg10 : memref<128x32xf32, #tpu.memory_space<vmem>>) dst(%dma_wait3A_146 : memref<128x32xf32, #tpu.memory_space<vmem_shared>>)
        tpu.yield
      }) : () -> ()
      %mul3A_139 = arith.constant 128 : i32
      %mul3A_140 = arith.muli %add3A_46, %mul3A_139 : i32
      "tpu.region"() ({
        %run_scoped3A = tpu.sem_alloc : memref<!tpu.dma_semaphore, #tpu.memory_space<semaphore_mem>>
        %dma_start3A = tpu.memref_slice %arg6[%mul3A_140] : memref<16384xf32, #tpu.memory_space<vmem_shared>> -> memref<128xf32, #tpu.memory_space<vmem_shared>>
        %dma_start3A_141 = tpu.memref_slice %arg6[%mul3A_140] : memref<16384xf32, #tpu.memory_space<vmem_shared>> -> memref<128xf32, #tpu.memory_space<vmem_shared>>
        tpu.enqueue_dma source(%arg11 : memref<128xf32, #tpu.memory_space<vmem>>) target(%dma_start3A_141 : memref<128xf32, #tpu.memory_space<vmem_shared>>) target_semaphore(%run_scoped3A : memref<!tpu.dma_semaphore, #tpu.memory_space<semaphore_mem>>)
        %dma_wait3A = tpu.memref_slice %arg6[%mul3A_140] : memref<16384xf32, #tpu.memory_space<vmem_shared>> -> memref<128xf32, #tpu.memory_space<vmem_shared>>
        %dma_wait3A_142 = tpu.memref_slice %arg6[%mul3A_140] : memref<16384xf32, #tpu.memory_space<vmem_shared>> -> memref<128xf32, #tpu.memory_space<vmem_shared>>
        tpu.wait_dma2 semaphore(%run_scoped3A : memref<!tpu.dma_semaphore, #tpu.memory_space<semaphore_mem>>) src(%arg11 : memref<128xf32, #tpu.memory_space<vmem>>) dst(%dma_wait3A_142 : memref<128xf32, #tpu.memory_space<vmem_shared>>)
        tpu.yield
      }) : () -> ()
    } else {
    }
    %add3A_49 = arith.constant 16 : i32
    %add3A_50 = arith.addi %arg1, %add3A_49 : i32
    %lt3A_51 = arith.constant 128 : i32
    %lt3A_52 = arith.cmpi slt, %add3A_50, %lt3A_51 : i32
    %convert_element_type3A_53 = arith.extui %lt3A_52 : i1 to i32
    %cond3A_54 = arith.constant 0 : i32
    %cond3A_55 = arith.cmpi ne, %convert_element_type3A_53, %cond3A_54 : i32
    scf.if %cond3A_55 {
      %mul3A_137 = arith.constant 128 : i32
      %mul3A_138 = arith.muli %add3A_50, %mul3A_137 : i32
      "tpu.region"() ({
        %run_scoped3A = tpu.sem_alloc : memref<!tpu.dma_semaphore, #tpu.memory_space<semaphore_mem>>
        %dma_start3A = arith.constant 0 : i32
        %dma_start3A_141 = tpu.memref_slice %arg5[%mul3A_138, %dma_start3A] : memref<16384x32xf32, #tpu.memory_space<vmem_shared>> -> memref<128x32xf32, #tpu.memory_space<vmem_shared>>
        %dma_start3A_142 = arith.constant 0 : i32
        %dma_start3A_143 = tpu.memref_slice %arg5[%mul3A_138, %dma_start3A_142] : memref<16384x32xf32, #tpu.memory_space<vmem_shared>> -> memref<128x32xf32, #tpu.memory_space<vmem_shared>>
        tpu.enqueue_dma source(%arg10 : memref<128x32xf32, #tpu.memory_space<vmem>>) target(%dma_start3A_143 : memref<128x32xf32, #tpu.memory_space<vmem_shared>>) target_semaphore(%run_scoped3A : memref<!tpu.dma_semaphore, #tpu.memory_space<semaphore_mem>>)
        %dma_wait3A = arith.constant 0 : i32
        %dma_wait3A_144 = tpu.memref_slice %arg5[%mul3A_138, %dma_wait3A] : memref<16384x32xf32, #tpu.memory_space<vmem_shared>> -> memref<128x32xf32, #tpu.memory_space<vmem_shared>>
        %dma_wait3A_145 = arith.constant 0 : i32
        %dma_wait3A_146 = tpu.memref_slice %arg5[%mul3A_138, %dma_wait3A_145] : memref<16384x32xf32, #tpu.memory_space<vmem_shared>> -> memref<128x32xf32, #tpu.memory_space<vmem_shared>>
        tpu.wait_dma2 semaphore(%run_scoped3A : memref<!tpu.dma_semaphore, #tpu.memory_space<semaphore_mem>>) src(%arg10 : memref<128x32xf32, #tpu.memory_space<vmem>>) dst(%dma_wait3A_146 : memref<128x32xf32, #tpu.memory_space<vmem_shared>>)
        tpu.yield
      }) : () -> ()
      %mul3A_139 = arith.constant 128 : i32
      %mul3A_140 = arith.muli %add3A_50, %mul3A_139 : i32
      "tpu.region"() ({
        %run_scoped3A = tpu.sem_alloc : memref<!tpu.dma_semaphore, #tpu.memory_space<semaphore_mem>>
        %dma_start3A = tpu.memref_slice %arg6[%mul3A_140] : memref<16384xf32, #tpu.memory_space<vmem_shared>> -> memref<128xf32, #tpu.memory_space<vmem_shared>>
        %dma_start3A_141 = tpu.memref_slice %arg6[%mul3A_140] : memref<16384xf32, #tpu.memory_space<vmem_shared>> -> memref<128xf32, #tpu.memory_space<vmem_shared>>
        tpu.enqueue_dma source(%arg11 : memref<128xf32, #tpu.memory_space<vmem>>) target(%dma_start3A_141 : memref<128xf32, #tpu.memory_space<vmem_shared>>) target_semaphore(%run_scoped3A : memref<!tpu.dma_semaphore, #tpu.memory_space<semaphore_mem>>)
        %dma_wait3A = tpu.memref_slice %arg6[%mul3A_140] : memref<16384xf32, #tpu.memory_space<vmem_shared>> -> memref<128xf32, #tpu.memory_space<vmem_shared>>
        %dma_wait3A_142 = tpu.memref_slice %arg6[%mul3A_140] : memref<16384xf32, #tpu.memory_space<vmem_shared>> -> memref<128xf32, #tpu.memory_space<vmem_shared>>
        tpu.wait_dma2 semaphore(%run_scoped3A : memref<!tpu.dma_semaphore, #tpu.memory_space<semaphore_mem>>) src(%arg11 : memref<128xf32, #tpu.memory_space<vmem>>) dst(%dma_wait3A_142 : memref<128xf32, #tpu.memory_space<vmem_shared>>)
        tpu.yield
      }) : () -> ()
    } else {
    }
    %add3A_56 = arith.constant 32 : i32
    %add3A_57 = arith.addi %arg1, %add3A_56 : i32
    %lt3A_58 = arith.constant 128 : i32
    %lt3A_59 = arith.cmpi slt, %add3A_57, %lt3A_58 : i32
    %convert_element_type3A_60 = arith.extui %lt3A_59 : i1 to i32
    %cond3A_61 = arith.constant 0 : i32
    %cond3A_62 = arith.cmpi ne, %convert_element_type3A_60, %cond3A_61 : i32
    scf.if %cond3A_62 {
      %mul3A_137 = arith.constant 128 : i32
      %mul3A_138 = arith.muli %add3A_57, %mul3A_137 : i32
      "tpu.region"() ({
        %run_scoped3A = tpu.sem_alloc : memref<!tpu.dma_semaphore, #tpu.memory_space<semaphore_mem>>
        %dma_start3A = arith.constant 0 : i32
        %dma_start3A_141 = tpu.memref_slice %arg5[%mul3A_138, %dma_start3A] : memref<16384x32xf32, #tpu.memory_space<vmem_shared>> -> memref<128x32xf32, #tpu.memory_space<vmem_shared>>
        %dma_start3A_142 = arith.constant 0 : i32
        %dma_start3A_143 = tpu.memref_slice %arg5[%mul3A_138, %dma_start3A_142] : memref<16384x32xf32, #tpu.memory_space<vmem_shared>> -> memref<128x32xf32, #tpu.memory_space<vmem_shared>>
        tpu.enqueue_dma source(%arg10 : memref<128x32xf32, #tpu.memory_space<vmem>>) target(%dma_start3A_143 : memref<128x32xf32, #tpu.memory_space<vmem_shared>>) target_semaphore(%run_scoped3A : memref<!tpu.dma_semaphore, #tpu.memory_space<semaphore_mem>>)
        %dma_wait3A = arith.constant 0 : i32
        %dma_wait3A_144 = tpu.memref_slice %arg5[%mul3A_138, %dma_wait3A] : memref<16384x32xf32, #tpu.memory_space<vmem_shared>> -> memref<128x32xf32, #tpu.memory_space<vmem_shared>>
        %dma_wait3A_145 = arith.constant 0 : i32
        %dma_wait3A_146 = tpu.memref_slice %arg5[%mul3A_138, %dma_wait3A_145] : memref<16384x32xf32, #tpu.memory_space<vmem_shared>> -> memref<128x32xf32, #tpu.memory_space<vmem_shared>>
        tpu.wait_dma2 semaphore(%run_scoped3A : memref<!tpu.dma_semaphore, #tpu.memory_space<semaphore_mem>>) src(%arg10 : memref<128x32xf32, #tpu.memory_space<vmem>>) dst(%dma_wait3A_146 : memref<128x32xf32, #tpu.memory_space<vmem_shared>>)
        tpu.yield
      }) : () -> ()
      %mul3A_139 = arith.constant 128 : i32
      %mul3A_140 = arith.muli %add3A_57, %mul3A_139 : i32
      "tpu.region"() ({
        %run_scoped3A = tpu.sem_alloc : memref<!tpu.dma_semaphore, #tpu.memory_space<semaphore_mem>>
        %dma_start3A = tpu.memref_slice %arg6[%mul3A_140] : memref<16384xf32, #tpu.memory_space<vmem_shared>> -> memref<128xf32, #tpu.memory_space<vmem_shared>>
        %dma_start3A_141 = tpu.memref_slice %arg6[%mul3A_140] : memref<16384xf32, #tpu.memory_space<vmem_shared>> -> memref<128xf32, #tpu.memory_space<vmem_shared>>
        tpu.enqueue_dma source(%arg11 : memref<128xf32, #tpu.memory_space<vmem>>) target(%dma_start3A_141 : memref<128xf32, #tpu.memory_space<vmem_shared>>) target_semaphore(%run_scoped3A : memref<!tpu.dma_semaphore, #tpu.memory_space<semaphore_mem>>)
        %dma_wait3A = tpu.memref_slice %arg6[%mul3A_140] : memref<16384xf32, #tpu.memory_space<vmem_shared>> -> memref<128xf32, #tpu.memory_space<vmem_shared>>
        %dma_wait3A_142 = tpu.memref_slice %arg6[%mul3A_140] : memref<16384xf32, #tpu.memory_space<vmem_shared>> -> memref<128xf32, #tpu.memory_space<vmem_shared>>
        tpu.wait_dma2 semaphore(%run_scoped3A : memref<!tpu.dma_semaphore, #tpu.memory_space<semaphore_mem>>) src(%arg11 : memref<128xf32, #tpu.memory_space<vmem>>) dst(%dma_wait3A_142 : memref<128xf32, #tpu.memory_space<vmem_shared>>)
        tpu.yield
      }) : () -> ()
    } else {
    }
    %add3A_63 = arith.constant 48 : i32
    %add3A_64 = arith.addi %arg1, %add3A_63 : i32
    %lt3A_65 = arith.constant 128 : i32
    %lt3A_66 = arith.cmpi slt, %add3A_64, %lt3A_65 : i32
    %convert_element_type3A_67 = arith.extui %lt3A_66 : i1 to i32
    %cond3A_68 = arith.constant 0 : i32
    %cond3A_69 = arith.cmpi ne, %convert_element_type3A_67, %cond3A_68 : i32
    scf.if %cond3A_69 {
      %mul3A_137 = arith.constant 128 : i32
      %mul3A_138 = arith.muli %add3A_64, %mul3A_137 : i32
      "tpu.region"() ({
        %run_scoped3A = tpu.sem_alloc : memref<!tpu.dma_semaphore, #tpu.memory_space<semaphore_mem>>
        %dma_start3A = arith.constant 0 : i32
        %dma_start3A_141 = tpu.memref_slice %arg5[%mul3A_138, %dma_start3A] : memref<16384x32xf32, #tpu.memory_space<vmem_shared>> -> memref<128x32xf32, #tpu.memory_space<vmem_shared>>
        %dma_start3A_142 = arith.constant 0 : i32
        %dma_start3A_143 = tpu.memref_slice %arg5[%mul3A_138, %dma_start3A_142] : memref<16384x32xf32, #tpu.memory_space<vmem_shared>> -> memref<128x32xf32, #tpu.memory_space<vmem_shared>>
        tpu.enqueue_dma source(%arg10 : memref<128x32xf32, #tpu.memory_space<vmem>>) target(%dma_start3A_143 : memref<128x32xf32, #tpu.memory_space<vmem_shared>>) target_semaphore(%run_scoped3A : memref<!tpu.dma_semaphore, #tpu.memory_space<semaphore_mem>>)
        %dma_wait3A = arith.constant 0 : i32
        %dma_wait3A_144 = tpu.memref_slice %arg5[%mul3A_138, %dma_wait3A] : memref<16384x32xf32, #tpu.memory_space<vmem_shared>> -> memref<128x32xf32, #tpu.memory_space<vmem_shared>>
        %dma_wait3A_145 = arith.constant 0 : i32
        %dma_wait3A_146 = tpu.memref_slice %arg5[%mul3A_138, %dma_wait3A_145] : memref<16384x32xf32, #tpu.memory_space<vmem_shared>> -> memref<128x32xf32, #tpu.memory_space<vmem_shared>>
        tpu.wait_dma2 semaphore(%run_scoped3A : memref<!tpu.dma_semaphore, #tpu.memory_space<semaphore_mem>>) src(%arg10 : memref<128x32xf32, #tpu.memory_space<vmem>>) dst(%dma_wait3A_146 : memref<128x32xf32, #tpu.memory_space<vmem_shared>>)
        tpu.yield
      }) : () -> ()
      %mul3A_139 = arith.constant 128 : i32
      %mul3A_140 = arith.muli %add3A_64, %mul3A_139 : i32
      "tpu.region"() ({
        %run_scoped3A = tpu.sem_alloc : memref<!tpu.dma_semaphore, #tpu.memory_space<semaphore_mem>>
        %dma_start3A = tpu.memref_slice %arg6[%mul3A_140] : memref<16384xf32, #tpu.memory_space<vmem_shared>> -> memref<128xf32, #tpu.memory_space<vmem_shared>>
        %dma_start3A_141 = tpu.memref_slice %arg6[%mul3A_140] : memref<16384xf32, #tpu.memory_space<vmem_shared>> -> memref<128xf32, #tpu.memory_space<vmem_shared>>
        tpu.enqueue_dma source(%arg11 : memref<128xf32, #tpu.memory_space<vmem>>) target(%dma_start3A_141 : memref<128xf32, #tpu.memory_space<vmem_shared>>) target_semaphore(%run_scoped3A : memref<!tpu.dma_semaphore, #tpu.memory_space<semaphore_mem>>)
        %dma_wait3A = tpu.memref_slice %arg6[%mul3A_140] : memref<16384xf32, #tpu.memory_space<vmem_shared>> -> memref<128xf32, #tpu.memory_space<vmem_shared>>
        %dma_wait3A_142 = tpu.memref_slice %arg6[%mul3A_140] : memref<16384xf32, #tpu.memory_space<vmem_shared>> -> memref<128xf32, #tpu.memory_space<vmem_shared>>
        tpu.wait_dma2 semaphore(%run_scoped3A : memref<!tpu.dma_semaphore, #tpu.memory_space<semaphore_mem>>) src(%arg11 : memref<128xf32, #tpu.memory_space<vmem>>) dst(%dma_wait3A_142 : memref<128xf32, #tpu.memory_space<vmem_shared>>)
        tpu.yield
      }) : () -> ()
    } else {
    }
    %add3A_70 = arith.constant 64 : i32
    %add3A_71 = arith.addi %arg1, %add3A_70 : i32
    %lt3A_72 = arith.constant 128 : i32
    %lt3A_73 = arith.cmpi slt, %add3A_71, %lt3A_72 : i32
    %convert_element_type3A_74 = arith.extui %lt3A_73 : i1 to i32
    %cond3A_75 = arith.constant 0 : i32
    %cond3A_76 = arith.cmpi ne, %convert_element_type3A_74, %cond3A_75 : i32
    scf.if %cond3A_76 {
      %mul3A_137 = arith.constant 128 : i32
      %mul3A_138 = arith.muli %add3A_71, %mul3A_137 : i32
      "tpu.region"() ({
        %run_scoped3A = tpu.sem_alloc : memref<!tpu.dma_semaphore, #tpu.memory_space<semaphore_mem>>
        %dma_start3A = arith.constant 0 : i32
        %dma_start3A_141 = tpu.memref_slice %arg5[%mul3A_138, %dma_start3A] : memref<16384x32xf32, #tpu.memory_space<vmem_shared>> -> memref<128x32xf32, #tpu.memory_space<vmem_shared>>
        %dma_start3A_142 = arith.constant 0 : i32
        %dma_start3A_143 = tpu.memref_slice %arg5[%mul3A_138, %dma_start3A_142] : memref<16384x32xf32, #tpu.memory_space<vmem_shared>> -> memref<128x32xf32, #tpu.memory_space<vmem_shared>>
        tpu.enqueue_dma source(%arg10 : memref<128x32xf32, #tpu.memory_space<vmem>>) target(%dma_start3A_143 : memref<128x32xf32, #tpu.memory_space<vmem_shared>>) target_semaphore(%run_scoped3A : memref<!tpu.dma_semaphore, #tpu.memory_space<semaphore_mem>>)
        %dma_wait3A = arith.constant 0 : i32
        %dma_wait3A_144 = tpu.memref_slice %arg5[%mul3A_138, %dma_wait3A] : memref<16384x32xf32, #tpu.memory_space<vmem_shared>> -> memref<128x32xf32, #tpu.memory_space<vmem_shared>>
        %dma_wait3A_145 = arith.constant 0 : i32
        %dma_wait3A_146 = tpu.memref_slice %arg5[%mul3A_138, %dma_wait3A_145] : memref<16384x32xf32, #tpu.memory_space<vmem_shared>> -> memref<128x32xf32, #tpu.memory_space<vmem_shared>>
        tpu.wait_dma2 semaphore(%run_scoped3A : memref<!tpu.dma_semaphore, #tpu.memory_space<semaphore_mem>>) src(%arg10 : memref<128x32xf32, #tpu.memory_space<vmem>>) dst(%dma_wait3A_146 : memref<128x32xf32, #tpu.memory_space<vmem_shared>>)
        tpu.yield
      }) : () -> ()
      %mul3A_139 = arith.constant 128 : i32
      %mul3A_140 = arith.muli %add3A_71, %mul3A_139 : i32
      "tpu.region"() ({
        %run_scoped3A = tpu.sem_alloc : memref<!tpu.dma_semaphore, #tpu.memory_space<semaphore_mem>>
        %dma_start3A = tpu.memref_slice %arg6[%mul3A_140] : memref<16384xf32, #tpu.memory_space<vmem_shared>> -> memref<128xf32, #tpu.memory_space<vmem_shared>>
        %dma_start3A_141 = tpu.memref_slice %arg6[%mul3A_140] : memref<16384xf32, #tpu.memory_space<vmem_shared>> -> memref<128xf32, #tpu.memory_space<vmem_shared>>
        tpu.enqueue_dma source(%arg11 : memref<128xf32, #tpu.memory_space<vmem>>) target(%dma_start3A_141 : memref<128xf32, #tpu.memory_space<vmem_shared>>) target_semaphore(%run_scoped3A : memref<!tpu.dma_semaphore, #tpu.memory_space<semaphore_mem>>)
        %dma_wait3A = tpu.memref_slice %arg6[%mul3A_140] : memref<16384xf32, #tpu.memory_space<vmem_shared>> -> memref<128xf32, #tpu.memory_space<vmem_shared>>
        %dma_wait3A_142 = tpu.memref_slice %arg6[%mul3A_140] : memref<16384xf32, #tpu.memory_space<vmem_shared>> -> memref<128xf32, #tpu.memory_space<vmem_shared>>
        tpu.wait_dma2 semaphore(%run_scoped3A : memref<!tpu.dma_semaphore, #tpu.memory_space<semaphore_mem>>) src(%arg11 : memref<128xf32, #tpu.memory_space<vmem>>) dst(%dma_wait3A_142 : memref<128xf32, #tpu.memory_space<vmem_shared>>)
        tpu.yield
      }) : () -> ()
    } else {
    }
    %add3A_77 = arith.constant 80 : i32
    %add3A_78 = arith.addi %arg1, %add3A_77 : i32
    %lt3A_79 = arith.constant 128 : i32
    %lt3A_80 = arith.cmpi slt, %add3A_78, %lt3A_79 : i32
    %convert_element_type3A_81 = arith.extui %lt3A_80 : i1 to i32
    %cond3A_82 = arith.constant 0 : i32
    %cond3A_83 = arith.cmpi ne, %convert_element_type3A_81, %cond3A_82 : i32
    scf.if %cond3A_83 {
      %mul3A_137 = arith.constant 128 : i32
      %mul3A_138 = arith.muli %add3A_78, %mul3A_137 : i32
      "tpu.region"() ({
        %run_scoped3A = tpu.sem_alloc : memref<!tpu.dma_semaphore, #tpu.memory_space<semaphore_mem>>
        %dma_start3A = arith.constant 0 : i32
        %dma_start3A_141 = tpu.memref_slice %arg5[%mul3A_138, %dma_start3A] : memref<16384x32xf32, #tpu.memory_space<vmem_shared>> -> memref<128x32xf32, #tpu.memory_space<vmem_shared>>
        %dma_start3A_142 = arith.constant 0 : i32
        %dma_start3A_143 = tpu.memref_slice %arg5[%mul3A_138, %dma_start3A_142] : memref<16384x32xf32, #tpu.memory_space<vmem_shared>> -> memref<128x32xf32, #tpu.memory_space<vmem_shared>>
        tpu.enqueue_dma source(%arg10 : memref<128x32xf32, #tpu.memory_space<vmem>>) target(%dma_start3A_143 : memref<128x32xf32, #tpu.memory_space<vmem_shared>>) target_semaphore(%run_scoped3A : memref<!tpu.dma_semaphore, #tpu.memory_space<semaphore_mem>>)
        %dma_wait3A = arith.constant 0 : i32
        %dma_wait3A_144 = tpu.memref_slice %arg5[%mul3A_138, %dma_wait3A] : memref<16384x32xf32, #tpu.memory_space<vmem_shared>> -> memref<128x32xf32, #tpu.memory_space<vmem_shared>>
        %dma_wait3A_145 = arith.constant 0 : i32
        %dma_wait3A_146 = tpu.memref_slice %arg5[%mul3A_138, %dma_wait3A_145] : memref<16384x32xf32, #tpu.memory_space<vmem_shared>> -> memref<128x32xf32, #tpu.memory_space<vmem_shared>>
        tpu.wait_dma2 semaphore(%run_scoped3A : memref<!tpu.dma_semaphore, #tpu.memory_space<semaphore_mem>>) src(%arg10 : memref<128x32xf32, #tpu.memory_space<vmem>>) dst(%dma_wait3A_146 : memref<128x32xf32, #tpu.memory_space<vmem_shared>>)
        tpu.yield
      }) : () -> ()
      %mul3A_139 = arith.constant 128 : i32
      %mul3A_140 = arith.muli %add3A_78, %mul3A_139 : i32
      "tpu.region"() ({
        %run_scoped3A = tpu.sem_alloc : memref<!tpu.dma_semaphore, #tpu.memory_space<semaphore_mem>>
        %dma_start3A = tpu.memref_slice %arg6[%mul3A_140] : memref<16384xf32, #tpu.memory_space<vmem_shared>> -> memref<128xf32, #tpu.memory_space<vmem_shared>>
        %dma_start3A_141 = tpu.memref_slice %arg6[%mul3A_140] : memref<16384xf32, #tpu.memory_space<vmem_shared>> -> memref<128xf32, #tpu.memory_space<vmem_shared>>
        tpu.enqueue_dma source(%arg11 : memref<128xf32, #tpu.memory_space<vmem>>) target(%dma_start3A_141 : memref<128xf32, #tpu.memory_space<vmem_shared>>) target_semaphore(%run_scoped3A : memref<!tpu.dma_semaphore, #tpu.memory_space<semaphore_mem>>)
        %dma_wait3A = tpu.memref_slice %arg6[%mul3A_140] : memref<16384xf32, #tpu.memory_space<vmem_shared>> -> memref<128xf32, #tpu.memory_space<vmem_shared>>
        %dma_wait3A_142 = tpu.memref_slice %arg6[%mul3A_140] : memref<16384xf32, #tpu.memory_space<vmem_shared>> -> memref<128xf32, #tpu.memory_space<vmem_shared>>
        tpu.wait_dma2 semaphore(%run_scoped3A : memref<!tpu.dma_semaphore, #tpu.memory_space<semaphore_mem>>) src(%arg11 : memref<128xf32, #tpu.memory_space<vmem>>) dst(%dma_wait3A_142 : memref<128xf32, #tpu.memory_space<vmem_shared>>)
        tpu.yield
      }) : () -> ()
    } else {
    }
    %add3A_84 = arith.constant 96 : i32
    %add3A_85 = arith.addi %arg1, %add3A_84 : i32
    %lt3A_86 = arith.constant 128 : i32
    %lt3A_87 = arith.cmpi slt, %add3A_85, %lt3A_86 : i32
    %convert_element_type3A_88 = arith.extui %lt3A_87 : i1 to i32
    %cond3A_89 = arith.constant 0 : i32
    %cond3A_90 = arith.cmpi ne, %convert_element_type3A_88, %cond3A_89 : i32
    scf.if %cond3A_90 {
      %mul3A_137 = arith.constant 128 : i32
      %mul3A_138 = arith.muli %add3A_85, %mul3A_137 : i32
      "tpu.region"() ({
        %run_scoped3A = tpu.sem_alloc : memref<!tpu.dma_semaphore, #tpu.memory_space<semaphore_mem>>
        %dma_start3A = arith.constant 0 : i32
        %dma_start3A_141 = tpu.memref_slice %arg5[%mul3A_138, %dma_start3A] : memref<16384x32xf32, #tpu.memory_space<vmem_shared>> -> memref<128x32xf32, #tpu.memory_space<vmem_shared>>
        %dma_start3A_142 = arith.constant 0 : i32
        %dma_start3A_143 = tpu.memref_slice %arg5[%mul3A_138, %dma_start3A_142] : memref<16384x32xf32, #tpu.memory_space<vmem_shared>> -> memref<128x32xf32, #tpu.memory_space<vmem_shared>>
        tpu.enqueue_dma source(%arg10 : memref<128x32xf32, #tpu.memory_space<vmem>>) target(%dma_start3A_143 : memref<128x32xf32, #tpu.memory_space<vmem_shared>>) target_semaphore(%run_scoped3A : memref<!tpu.dma_semaphore, #tpu.memory_space<semaphore_mem>>)
        %dma_wait3A = arith.constant 0 : i32
        %dma_wait3A_144 = tpu.memref_slice %arg5[%mul3A_138, %dma_wait3A] : memref<16384x32xf32, #tpu.memory_space<vmem_shared>> -> memref<128x32xf32, #tpu.memory_space<vmem_shared>>
        %dma_wait3A_145 = arith.constant 0 : i32
        %dma_wait3A_146 = tpu.memref_slice %arg5[%mul3A_138, %dma_wait3A_145] : memref<16384x32xf32, #tpu.memory_space<vmem_shared>> -> memref<128x32xf32, #tpu.memory_space<vmem_shared>>
        tpu.wait_dma2 semaphore(%run_scoped3A : memref<!tpu.dma_semaphore, #tpu.memory_space<semaphore_mem>>) src(%arg10 : memref<128x32xf32, #tpu.memory_space<vmem>>) dst(%dma_wait3A_146 : memref<128x32xf32, #tpu.memory_space<vmem_shared>>)
        tpu.yield
      }) : () -> ()
      %mul3A_139 = arith.constant 128 : i32
      %mul3A_140 = arith.muli %add3A_85, %mul3A_139 : i32
      "tpu.region"() ({
        %run_scoped3A = tpu.sem_alloc : memref<!tpu.dma_semaphore, #tpu.memory_space<semaphore_mem>>
        %dma_start3A = tpu.memref_slice %arg6[%mul3A_140] : memref<16384xf32, #tpu.memory_space<vmem_shared>> -> memref<128xf32, #tpu.memory_space<vmem_shared>>
        %dma_start3A_141 = tpu.memref_slice %arg6[%mul3A_140] : memref<16384xf32, #tpu.memory_space<vmem_shared>> -> memref<128xf32, #tpu.memory_space<vmem_shared>>
        tpu.enqueue_dma source(%arg11 : memref<128xf32, #tpu.memory_space<vmem>>) target(%dma_start3A_141 : memref<128xf32, #tpu.memory_space<vmem_shared>>) target_semaphore(%run_scoped3A : memref<!tpu.dma_semaphore, #tpu.memory_space<semaphore_mem>>)
        %dma_wait3A = tpu.memref_slice %arg6[%mul3A_140] : memref<16384xf32, #tpu.memory_space<vmem_shared>> -> memref<128xf32, #tpu.memory_space<vmem_shared>>
        %dma_wait3A_142 = tpu.memref_slice %arg6[%mul3A_140] : memref<16384xf32, #tpu.memory_space<vmem_shared>> -> memref<128xf32, #tpu.memory_space<vmem_shared>>
        tpu.wait_dma2 semaphore(%run_scoped3A : memref<!tpu.dma_semaphore, #tpu.memory_space<semaphore_mem>>) src(%arg11 : memref<128xf32, #tpu.memory_space<vmem>>) dst(%dma_wait3A_142 : memref<128xf32, #tpu.memory_space<vmem_shared>>)
        tpu.yield
      }) : () -> ()
    } else {
    }
    %add3A_91 = arith.constant 112 : i32
    %add3A_92 = arith.addi %arg1, %add3A_91 : i32
    %lt3A_93 = arith.constant 128 : i32
    %lt3A_94 = arith.cmpi slt, %add3A_92, %lt3A_93 : i32
    %convert_element_type3A_95 = arith.extui %lt3A_94 : i1 to i32
    %cond3A_96 = arith.constant 0 : i32
    %cond3A_97 = arith.cmpi ne, %convert_element_type3A_95, %cond3A_96 : i32
    scf.if %cond3A_97 {
      %mul3A_137 = arith.constant 128 : i32
      %mul3A_138 = arith.muli %add3A_92, %mul3A_137 : i32
      "tpu.region"() ({
        %run_scoped3A = tpu.sem_alloc : memref<!tpu.dma_semaphore, #tpu.memory_space<semaphore_mem>>
        %dma_start3A = arith.constant 0 : i32
        %dma_start3A_141 = tpu.memref_slice %arg5[%mul3A_138, %dma_start3A] : memref<16384x32xf32, #tpu.memory_space<vmem_shared>> -> memref<128x32xf32, #tpu.memory_space<vmem_shared>>
        %dma_start3A_142 = arith.constant 0 : i32
        %dma_start3A_143 = tpu.memref_slice %arg5[%mul3A_138, %dma_start3A_142] : memref<16384x32xf32, #tpu.memory_space<vmem_shared>> -> memref<128x32xf32, #tpu.memory_space<vmem_shared>>
        tpu.enqueue_dma source(%arg10 : memref<128x32xf32, #tpu.memory_space<vmem>>) target(%dma_start3A_143 : memref<128x32xf32, #tpu.memory_space<vmem_shared>>) target_semaphore(%run_scoped3A : memref<!tpu.dma_semaphore, #tpu.memory_space<semaphore_mem>>)
        %dma_wait3A = arith.constant 0 : i32
        %dma_wait3A_144 = tpu.memref_slice %arg5[%mul3A_138, %dma_wait3A] : memref<16384x32xf32, #tpu.memory_space<vmem_shared>> -> memref<128x32xf32, #tpu.memory_space<vmem_shared>>
        %dma_wait3A_145 = arith.constant 0 : i32
        %dma_wait3A_146 = tpu.memref_slice %arg5[%mul3A_138, %dma_wait3A_145] : memref<16384x32xf32, #tpu.memory_space<vmem_shared>> -> memref<128x32xf32, #tpu.memory_space<vmem_shared>>
        tpu.wait_dma2 semaphore(%run_scoped3A : memref<!tpu.dma_semaphore, #tpu.memory_space<semaphore_mem>>) src(%arg10 : memref<128x32xf32, #tpu.memory_space<vmem>>) dst(%dma_wait3A_146 : memref<128x32xf32, #tpu.memory_space<vmem_shared>>)
        tpu.yield
      }) : () -> ()
      %mul3A_139 = arith.constant 128 : i32
      %mul3A_140 = arith.muli %add3A_92, %mul3A_139 : i32
      "tpu.region"() ({
        %run_scoped3A = tpu.sem_alloc : memref<!tpu.dma_semaphore, #tpu.memory_space<semaphore_mem>>
        %dma_start3A = tpu.memref_slice %arg6[%mul3A_140] : memref<16384xf32, #tpu.memory_space<vmem_shared>> -> memref<128xf32, #tpu.memory_space<vmem_shared>>
        %dma_start3A_141 = tpu.memref_slice %arg6[%mul3A_140] : memref<16384xf32, #tpu.memory_space<vmem_shared>> -> memref<128xf32, #tpu.memory_space<vmem_shared>>
        tpu.enqueue_dma source(%arg11 : memref<128xf32, #tpu.memory_space<vmem>>) target(%dma_start3A_141 : memref<128xf32, #tpu.memory_space<vmem_shared>>) target_semaphore(%run_scoped3A : memref<!tpu.dma_semaphore, #tpu.memory_space<semaphore_mem>>)
        %dma_wait3A = tpu.memref_slice %arg6[%mul3A_140] : memref<16384xf32, #tpu.memory_space<vmem_shared>> -> memref<128xf32, #tpu.memory_space<vmem_shared>>
        %dma_wait3A_142 = tpu.memref_slice %arg6[%mul3A_140] : memref<16384xf32, #tpu.memory_space<vmem_shared>> -> memref<128xf32, #tpu.memory_space<vmem_shared>>
        tpu.wait_dma2 semaphore(%run_scoped3A : memref<!tpu.dma_semaphore, #tpu.memory_space<semaphore_mem>>) src(%arg11 : memref<128xf32, #tpu.memory_space<vmem>>) dst(%dma_wait3A_142 : memref<128xf32, #tpu.memory_space<vmem_shared>>)
        tpu.yield
      }) : () -> ()
    } else {
    }
    %barrier3A = arith.constant 0 : index
    tpu.barrier barrier_id(%barrier3A)
    %add3A_98 = arith.constant 0 : i32
    %add3A_99 = arith.addi %arg1, %add3A_98 : i32
    %lt3A_100 = arith.constant 262 : i32
    %lt3A_101 = arith.cmpi slt, %add3A_99, %lt3A_100 : i32
    %convert_element_type3A_102 = arith.extui %lt3A_101 : i1 to i32
    %cond3A_103 = arith.constant 0 : i32
    %cond3A_104 = arith.cmpi ne, %convert_element_type3A_102, %cond3A_103 : i32
    scf.if %cond3A_104 {
      %add3A_137 = arith.constant 0 : i32
      %add3A_138 = arith.addi %arg1, %add3A_137 : i32
      %mul3A_139 = arith.constant 1024 : i32
      %mul3A_140 = arith.muli %add3A_138, %mul3A_139 : i32
      %dma_start3A = arith.constant 0 : i32
      %dma_start3A_141 = arith.constant 0 : i32
      %dma_start3A_142 = arith.constant 0 : i32
      %dma_start3A_143 = tpu.memref_slice %arg8[%dma_start3A, %dma_start3A_141, %dma_start3A_142] : memref<2x1024x32xf32, #tpu.memory_space<vmem>> -> memref<1x1024x32xf32, #tpu.memory_space<vmem>>
      %dma_start3A_144 = tpu.memref_squeeze %dma_start3A_143 : memref<1x1024x32xf32, #tpu.memory_space<vmem>> -> memref<1024x32xf32, #tpu.memory_space<vmem>>
      %dma_start3A_145 = tpu.memref_slice %arg3[%mul3A_140, %mul3A_0] : memref<268435x64xf32, #tpu.memory_space<hbm>> -> memref<1024x32xf32, #tpu.memory_space<hbm>>
      %dma_start3A_146 = arith.constant 0 : i32
      %dma_start3A_147 = arith.constant 0 : i32
      %dma_start3A_148 = tpu.memref_slice %arg8[%dma_start3A, %dma_start3A_146, %dma_start3A_147] : memref<2x1024x32xf32, #tpu.memory_space<vmem>> -> memref<1x1024x32xf32, #tpu.memory_space<vmem>>
      %dma_start3A_149 = tpu.memref_squeeze %dma_start3A_148 : memref<1x1024x32xf32, #tpu.memory_space<vmem>> -> memref<1024x32xf32, #tpu.memory_space<vmem>>
      %dma_start3A_150 = tpu.memref_slice %arg3[%mul3A_140, %mul3A_0] : memref<268435x64xf32, #tpu.memory_space<hbm>> -> memref<1024x32xf32, #tpu.memory_space<hbm>>
      tpu.enqueue_dma source(%dma_start3A_150 : memref<1024x32xf32, #tpu.memory_space<hbm>>) target(%dma_start3A_149 : memref<1024x32xf32, #tpu.memory_space<vmem>>) target_semaphore(%arg14 : memref<!tpu.dma_semaphore, #tpu.memory_space<semaphore_mem>>)
    } else {
    }
    %eq3A = arith.constant 262 : i32
    %eq3A_105 = arith.cmpi eq, %add3A_99, %eq3A : i32
    %convert_element_type3A_106 = arith.extui %eq3A_105 : i1 to i32
    %cond3A_107 = arith.constant 0 : i32
    %cond3A_108 = arith.cmpi ne, %convert_element_type3A_106, %cond3A_107 : i32
    scf.if %cond3A_108 {
      %add3A_137 = arith.constant 0 : i32
      %add3A_138 = arith.addi %arg1, %add3A_137 : i32
      %dma_start3A = arith.constant 0 : i32
      %dma_start3A_139 = arith.constant 0 : i32
      %dma_start3A_140 = arith.constant 0 : i32
      %dma_start3A_141 = tpu.memref_slice %arg8[%dma_start3A, %dma_start3A_139, %dma_start3A_140] : memref<2x1024x32xf32, #tpu.memory_space<vmem>> -> memref<1x147x32xf32, #tpu.memory_space<vmem>>
      %dma_start3A_142 = tpu.memref_squeeze %dma_start3A_141 : memref<1x147x32xf32, #tpu.memory_space<vmem>> -> memref<147x32xf32, #tpu.memory_space<vmem>>
      %dma_start3A_143 = arith.constant 268288 : i32
      %dma_start3A_144 = tpu.memref_slice %arg3[%dma_start3A_143, %mul3A_0] : memref<268435x64xf32, #tpu.memory_space<hbm>> -> memref<147x32xf32, #tpu.memory_space<hbm>>
      %dma_start3A_145 = arith.constant 0 : i32
      %dma_start3A_146 = arith.constant 0 : i32
      %dma_start3A_147 = tpu.memref_slice %arg8[%dma_start3A, %dma_start3A_145, %dma_start3A_146] : memref<2x1024x32xf32, #tpu.memory_space<vmem>> -> memref<1x147x32xf32, #tpu.memory_space<vmem>>
      %dma_start3A_148 = tpu.memref_squeeze %dma_start3A_147 : memref<1x147x32xf32, #tpu.memory_space<vmem>> -> memref<147x32xf32, #tpu.memory_space<vmem>>
      %dma_start3A_149 = arith.constant 268288 : i32
      %dma_start3A_150 = tpu.memref_slice %arg3[%dma_start3A_149, %mul3A_0] : memref<268435x64xf32, #tpu.memory_space<hbm>> -> memref<147x32xf32, #tpu.memory_space<hbm>>
      tpu.enqueue_dma source(%dma_start3A_150 : memref<147x32xf32, #tpu.memory_space<hbm>>) target(%dma_start3A_148 : memref<147x32xf32, #tpu.memory_space<vmem>>) target_semaphore(%arg14 : memref<!tpu.dma_semaphore, #tpu.memory_space<semaphore_mem>>)
    } else {
    }
    %scan3A_109 = arith.constant 0 : i32
    %scan3A_110 = arith.constant 0 : i32
    %scan3A_111 = arith.constant 9 : i32
    %scan3A_112 = arith.addi %scan3A_110, %scan3A_111 : i32
    %scan3A_113 = arith.constant 1 : i32
    scf.for %scan3A_137 = %scan3A_110 to %scan3A_112 step %scan3A_113  : i32 {
      %mul3A_138 = arith.constant 2 : i32
      %mul3A_139 = arith.muli %mul3A_138, %scan3A_137 : i32
      %mul3A_140 = arith.constant 16 : i32
      %mul3A_141 = arith.muli %mul3A_140, %mul3A_139 : i32
      %add3A_142 = arith.addi %arg1, %mul3A_141 : i32
      %lt3A_143 = arith.constant 263 : i32
      %lt3A_144 = arith.cmpi slt, %add3A_142, %lt3A_143 : i32
      %convert_element_type3A_145 = arith.extui %lt3A_144 : i1 to i32
      %cond3A_146 = arith.constant 0 : i32
      %cond3A_147 = arith.cmpi ne, %convert_element_type3A_145, %cond3A_146 : i32
      scf.if %cond3A_147 {
        %mul3A_234 = arith.constant 1 : i32
        %mul3A_235 = arith.muli %add3A_142, %mul3A_234 : i32
        %mul3A_236 = arith.constant 1 : i32
        %mul3A_237 = arith.muli %mul3A_139, %mul3A_236 : i32
        "tpu.region"() ({
          %run_scoped3A = tpu.sem_alloc : memref<!tpu.dma_semaphore, #tpu.memory_space<semaphore_mem>>
          %dma_start3A = arith.constant 0 : i32
          %dma_start3A_238 = tpu.memref_slice %arg7[%mul3A_237, %dma_start3A] : memref<17x1024xi32, #tpu.memory_space<vmem>> -> memref<1x1024xi32, #tpu.memory_space<vmem>>
          %dma_start3A_239 = arith.constant 0 : i32
          %dma_start3A_240 = tpu.memref_slice %arg2[%mul3A_235, %dma_start3A_239] : memref<272x1024xi32, #tpu.memory_space<hbm>> -> memref<1x1024xi32, #tpu.memory_space<hbm>>
          %dma_start3A_241 = arith.constant 0 : i32
          %dma_start3A_242 = tpu.memref_slice %arg7[%mul3A_237, %dma_start3A_241] : memref<17x1024xi32, #tpu.memory_space<vmem>> -> memref<1x1024xi32, #tpu.memory_space<vmem>>
          %dma_start3A_243 = arith.constant 0 : i32
          %dma_start3A_244 = tpu.memref_slice %arg2[%mul3A_235, %dma_start3A_243] : memref<272x1024xi32, #tpu.memory_space<hbm>> -> memref<1x1024xi32, #tpu.memory_space<hbm>>
          tpu.enqueue_dma source(%dma_start3A_244 : memref<1x1024xi32, #tpu.memory_space<hbm>>) target(%dma_start3A_242 : memref<1x1024xi32, #tpu.memory_space<vmem>>) target_semaphore(%run_scoped3A : memref<!tpu.dma_semaphore, #tpu.memory_space<semaphore_mem>>)
          %dma_wait3A = arith.constant 0 : i32
          %dma_wait3A_245 = tpu.memref_slice %arg7[%mul3A_237, %dma_wait3A] : memref<17x1024xi32, #tpu.memory_space<vmem>> -> memref<1x1024xi32, #tpu.memory_space<vmem>>
          %dma_wait3A_246 = arith.constant 0 : i32
          %dma_wait3A_247 = tpu.memref_slice %arg2[%mul3A_235, %dma_wait3A_246] : memref<272x1024xi32, #tpu.memory_space<hbm>> -> memref<1x1024xi32, #tpu.memory_space<hbm>>
          %dma_wait3A_248 = arith.constant 0 : i32
          %dma_wait3A_249 = tpu.memref_slice %arg7[%mul3A_237, %dma_wait3A_248] : memref<17x1024xi32, #tpu.memory_space<vmem>> -> memref<1x1024xi32, #tpu.memory_space<vmem>>
          %dma_wait3A_250 = arith.constant 0 : i32
          %dma_wait3A_251 = tpu.memref_slice %arg2[%mul3A_235, %dma_wait3A_250] : memref<272x1024xi32, #tpu.memory_space<hbm>> -> memref<1x1024xi32, #tpu.memory_space<hbm>>
          tpu.wait_dma2 semaphore(%run_scoped3A : memref<!tpu.dma_semaphore, #tpu.memory_space<semaphore_mem>>) src(%dma_wait3A_251 : memref<1x1024xi32, #tpu.memory_space<hbm>>) dst(%dma_wait3A_249 : memref<1x1024xi32, #tpu.memory_space<vmem>>)
          tpu.yield
        }) : () -> ()
      } else {
      }
      %mul3A_148 = arith.constant 16 : i32
      %mul3A_149 = arith.muli %mul3A_148, %mul3A_139 : i32
      %add3A_150 = arith.addi %arg1, %mul3A_149 : i32
      %lt3A_151 = arith.constant 262 : i32
      %lt3A_152 = arith.cmpi slt, %add3A_150, %lt3A_151 : i32
      %convert_element_type3A_153 = arith.extui %lt3A_152 : i1 to i32
      %cond3A_154 = arith.constant 0 : i32
      %cond3A_155 = arith.cmpi ne, %convert_element_type3A_153, %cond3A_154 : i32
      scf.if %cond3A_155 {
        %mul3A_234 = arith.constant 16 : i32
        %mul3A_235 = arith.muli %mul3A_234, %mul3A_139 : i32
        %add3A_236 = arith.addi %arg1, %mul3A_235 : i32
        %mul3A_237 = arith.constant 1024 : i32
        %mul3A_238 = arith.muli %add3A_236, %mul3A_237 : i32
        %dma_wait3A = arith.constant 0 : i32
        %dma_wait3A_239 = arith.constant 0 : i32
        %dma_wait3A_240 = arith.constant 0 : i32
        %dma_wait3A_241 = tpu.memref_slice %arg8[%dma_wait3A, %dma_wait3A_239, %dma_wait3A_240] : memref<2x1024x32xf32, #tpu.memory_space<vmem>> -> memref<1x1024x32xf32, #tpu.memory_space<vmem>>
        %dma_wait3A_242 = tpu.memref_squeeze %dma_wait3A_241 : memref<1x1024x32xf32, #tpu.memory_space<vmem>> -> memref<1024x32xf32, #tpu.memory_space<vmem>>
        %dma_wait3A_243 = tpu.memref_slice %arg3[%mul3A_238, %mul3A_0] : memref<268435x64xf32, #tpu.memory_space<hbm>> -> memref<1024x32xf32, #tpu.memory_space<hbm>>
        %dma_wait3A_244 = arith.constant 0 : i32
        %dma_wait3A_245 = arith.constant 0 : i32
        %dma_wait3A_246 = tpu.memref_slice %arg8[%dma_wait3A, %dma_wait3A_244, %dma_wait3A_245] : memref<2x1024x32xf32, #tpu.memory_space<vmem>> -> memref<1x1024x32xf32, #tpu.memory_space<vmem>>
        %dma_wait3A_247 = tpu.memref_squeeze %dma_wait3A_246 : memref<1x1024x32xf32, #tpu.memory_space<vmem>> -> memref<1024x32xf32, #tpu.memory_space<vmem>>
        %dma_wait3A_248 = tpu.memref_slice %arg3[%mul3A_238, %mul3A_0] : memref<268435x64xf32, #tpu.memory_space<hbm>> -> memref<1024x32xf32, #tpu.memory_space<hbm>>
        tpu.wait_dma2 semaphore(%arg14 : memref<!tpu.dma_semaphore, #tpu.memory_space<semaphore_mem>>) src(%dma_wait3A_248 : memref<1024x32xf32, #tpu.memory_space<hbm>>) dst(%dma_wait3A_247 : memref<1024x32xf32, #tpu.memory_space<vmem>>)
      } else {
      }
      %eq3A_156 = arith.constant 262 : i32
      %eq3A_157 = arith.cmpi eq, %add3A_150, %eq3A_156 : i32
      %convert_element_type3A_158 = arith.extui %eq3A_157 : i1 to i32
      %cond3A_159 = arith.constant 0 : i32
      %cond3A_160 = arith.cmpi ne, %convert_element_type3A_158, %cond3A_159 : i32
      scf.if %cond3A_160 {
        %mul3A_234 = arith.constant 16 : i32
        %mul3A_235 = arith.muli %mul3A_234, %mul3A_139 : i32
        %add3A_236 = arith.addi %arg1, %mul3A_235 : i32
        %dma_wait3A = arith.constant 0 : i32
        %dma_wait3A_237 = arith.constant 0 : i32
        %dma_wait3A_238 = arith.constant 0 : i32
        %dma_wait3A_239 = tpu.memref_slice %arg8[%dma_wait3A, %dma_wait3A_237, %dma_wait3A_238] : memref<2x1024x32xf32, #tpu.memory_space<vmem>> -> memref<1x147x32xf32, #tpu.memory_space<vmem>>
        %dma_wait3A_240 = tpu.memref_squeeze %dma_wait3A_239 : memref<1x147x32xf32, #tpu.memory_space<vmem>> -> memref<147x32xf32, #tpu.memory_space<vmem>>
        %dma_wait3A_241 = arith.constant 268288 : i32
        %dma_wait3A_242 = tpu.memref_slice %arg3[%dma_wait3A_241, %mul3A_0] : memref<268435x64xf32, #tpu.memory_space<hbm>> -> memref<147x32xf32, #tpu.memory_space<hbm>>
        %dma_wait3A_243 = arith.constant 0 : i32
        %dma_wait3A_244 = arith.constant 0 : i32
        %dma_wait3A_245 = tpu.memref_slice %arg8[%dma_wait3A, %dma_wait3A_243, %dma_wait3A_244] : memref<2x1024x32xf32, #tpu.memory_space<vmem>> -> memref<1x147x32xf32, #tpu.memory_space<vmem>>
        %dma_wait3A_246 = tpu.memref_squeeze %dma_wait3A_245 : memref<1x147x32xf32, #tpu.memory_space<vmem>> -> memref<147x32xf32, #tpu.memory_space<vmem>>
        %dma_wait3A_247 = arith.constant 268288 : i32
        %dma_wait3A_248 = tpu.memref_slice %arg3[%dma_wait3A_247, %mul3A_0] : memref<268435x64xf32, #tpu.memory_space<hbm>> -> memref<147x32xf32, #tpu.memory_space<hbm>>
        tpu.wait_dma2 semaphore(%arg14 : memref<!tpu.dma_semaphore, #tpu.memory_space<semaphore_mem>>) src(%dma_wait3A_248 : memref<147x32xf32, #tpu.memory_space<hbm>>) dst(%dma_wait3A_246 : memref<147x32xf32, #tpu.memory_space<vmem>>)
      } else {
      }
      %add3A_161 = arith.constant 1 : i32
      %add3A_162 = arith.addi %mul3A_139, %add3A_161 : i32
      %mul3A_163 = arith.constant 16 : i32
      %mul3A_164 = arith.muli %mul3A_163, %add3A_162 : i32
      %add3A_165 = arith.addi %arg1, %mul3A_164 : i32
      %lt3A_166 = arith.constant 262 : i32
      %lt3A_167 = arith.cmpi slt, %add3A_165, %lt3A_166 : i32
      %convert_element_type3A_168 = arith.extui %lt3A_167 : i1 to i32
      %cond3A_169 = arith.constant 0 : i32
      %cond3A_170 = arith.cmpi ne, %convert_element_type3A_168, %cond3A_169 : i32
      scf.if %cond3A_170 {
        %mul3A_234 = arith.constant 16 : i32
        %mul3A_235 = arith.muli %mul3A_234, %add3A_162 : i32
        %add3A_236 = arith.addi %arg1, %mul3A_235 : i32
        %mul3A_237 = arith.constant 1024 : i32
        %mul3A_238 = arith.muli %add3A_236, %mul3A_237 : i32
        %dma_start3A = arith.constant 1 : i32
        %dma_start3A_239 = arith.constant 0 : i32
        %dma_start3A_240 = arith.constant 0 : i32
        %dma_start3A_241 = tpu.memref_slice %arg8[%dma_start3A, %dma_start3A_239, %dma_start3A_240] : memref<2x1024x32xf32, #tpu.memory_space<vmem>> -> memref<1x1024x32xf32, #tpu.memory_space<vmem>>
        %dma_start3A_242 = tpu.memref_squeeze %dma_start3A_241 : memref<1x1024x32xf32, #tpu.memory_space<vmem>> -> memref<1024x32xf32, #tpu.memory_space<vmem>>
        %dma_start3A_243 = tpu.memref_slice %arg3[%mul3A_238, %mul3A_0] : memref<268435x64xf32, #tpu.memory_space<hbm>> -> memref<1024x32xf32, #tpu.memory_space<hbm>>
        %dma_start3A_244 = arith.constant 0 : i32
        %dma_start3A_245 = arith.constant 0 : i32
        %dma_start3A_246 = tpu.memref_slice %arg8[%dma_start3A, %dma_start3A_244, %dma_start3A_245] : memref<2x1024x32xf32, #tpu.memory_space<vmem>> -> memref<1x1024x32xf32, #tpu.memory_space<vmem>>
        %dma_start3A_247 = tpu.memref_squeeze %dma_start3A_246 : memref<1x1024x32xf32, #tpu.memory_space<vmem>> -> memref<1024x32xf32, #tpu.memory_space<vmem>>
        %dma_start3A_248 = tpu.memref_slice %arg3[%mul3A_238, %mul3A_0] : memref<268435x64xf32, #tpu.memory_space<hbm>> -> memref<1024x32xf32, #tpu.memory_space<hbm>>
        tpu.enqueue_dma source(%dma_start3A_248 : memref<1024x32xf32, #tpu.memory_space<hbm>>) target(%dma_start3A_247 : memref<1024x32xf32, #tpu.memory_space<vmem>>) target_semaphore(%arg15 : memref<!tpu.dma_semaphore, #tpu.memory_space<semaphore_mem>>)
      } else {
      }
      %eq3A_171 = arith.constant 262 : i32
      %eq3A_172 = arith.cmpi eq, %add3A_165, %eq3A_171 : i32
      %convert_element_type3A_173 = arith.extui %eq3A_172 : i1 to i32
      %cond3A_174 = arith.constant 0 : i32
      %cond3A_175 = arith.cmpi ne, %convert_element_type3A_173, %cond3A_174 : i32
      scf.if %cond3A_175 {
        %mul3A_234 = arith.constant 16 : i32
        %mul3A_235 = arith.muli %mul3A_234, %add3A_162 : i32
        %add3A_236 = arith.addi %arg1, %mul3A_235 : i32
        %dma_start3A = arith.constant 1 : i32
        %dma_start3A_237 = arith.constant 0 : i32
        %dma_start3A_238 = arith.constant 0 : i32
        %dma_start3A_239 = tpu.memref_slice %arg8[%dma_start3A, %dma_start3A_237, %dma_start3A_238] : memref<2x1024x32xf32, #tpu.memory_space<vmem>> -> memref<1x147x32xf32, #tpu.memory_space<vmem>>
        %dma_start3A_240 = tpu.memref_squeeze %dma_start3A_239 : memref<1x147x32xf32, #tpu.memory_space<vmem>> -> memref<147x32xf32, #tpu.memory_space<vmem>>
        %dma_start3A_241 = arith.constant 268288 : i32
        %dma_start3A_242 = tpu.memref_slice %arg3[%dma_start3A_241, %mul3A_0] : memref<268435x64xf32, #tpu.memory_space<hbm>> -> memref<147x32xf32, #tpu.memory_space<hbm>>
        %dma_start3A_243 = arith.constant 0 : i32
        %dma_start3A_244 = arith.constant 0 : i32
        %dma_start3A_245 = tpu.memref_slice %arg8[%dma_start3A, %dma_start3A_243, %dma_start3A_244] : memref<2x1024x32xf32, #tpu.memory_space<vmem>> -> memref<1x147x32xf32, #tpu.memory_space<vmem>>
        %dma_start3A_246 = tpu.memref_squeeze %dma_start3A_245 : memref<1x147x32xf32, #tpu.memory_space<vmem>> -> memref<147x32xf32, #tpu.memory_space<vmem>>
        %dma_start3A_247 = arith.constant 268288 : i32
        %dma_start3A_248 = tpu.memref_slice %arg3[%dma_start3A_247, %mul3A_0] : memref<268435x64xf32, #tpu.memory_space<hbm>> -> memref<147x32xf32, #tpu.memory_space<hbm>>
        tpu.enqueue_dma source(%dma_start3A_248 : memref<147x32xf32, #tpu.memory_space<hbm>>) target(%dma_start3A_246 : memref<147x32xf32, #tpu.memory_space<vmem>>) target_semaphore(%arg15 : memref<!tpu.dma_semaphore, #tpu.memory_space<semaphore_mem>>)
      } else {
      }
      %mul3A_176 = arith.constant 16 : i32
      %mul3A_177 = arith.muli %mul3A_176, %mul3A_139 : i32
      %add3A_178 = arith.addi %arg1, %mul3A_177 : i32
      %lt3A_179 = arith.constant 263 : i32
      %lt3A_180 = arith.cmpi slt, %add3A_178, %lt3A_179 : i32
      %convert_element_type3A_181 = arith.extui %lt3A_180 : i1 to i32
      %cond3A_182 = arith.constant 0 : i32
      %cond3A_183 = arith.cmpi ne, %convert_element_type3A_181, %cond3A_182 : i32
      scf.if %cond3A_183 {
        %eq3A_234 = arith.constant 262 : i32
        %eq3A_235 = arith.cmpi eq, %add3A_178, %eq3A_234 : i32
        %convert_element_type3A_236 = arith.extui %eq3A_235 : i1 to i32
        %cond3A_237 = arith.constant 0 : i32
        %cond3A_238 = arith.cmpi ne, %convert_element_type3A_236, %cond3A_237 : i32
        scf.if %cond3A_238 {
          %scan3A_249 = arith.constant 0 : i32
          %scan3A_250 = arith.constant 0 : i32
          %scan3A_251 = arith.constant 877 : i32
          %scan3A_252 = arith.addi %scan3A_250, %scan3A_251 : i32
          %scan3A_253 = arith.constant 1 : i32
          scf.for %scan3A_255 = %scan3A_250 to %scan3A_252 step %scan3A_253  : i32 {
            %add3A_256 = arith.constant 147 : i32
            %add3A_257 = arith.addi %add3A_256, %scan3A_255 : i32
            %swap3A_258 = arith.constant 0 : i32
            %swap3A_259 = arith.index_cast %swap3A_258 : i32 to index
            %swap3A_260 = arith.index_cast %add3A_257 : i32 to index
            %swap3A_261 = arith.constant 0 : index
            %swap3A_262 = tpu.vector_load %arg8[%swap3A_259, %swap3A_260, %swap3A_261] {strides = array<i32>} : memref<2x1024x32xf32, #tpu.memory_space<vmem>>, vector<1x1x16xf32>,
            %swap3A_263 = vector.shape_cast %swap3A_262 : vector<1x1x16xf32> to vector<16xf32>
            %swap3A_264 = vector.shape_cast %broadcast_in_dim3A_1 : vector<16xf32> to vector<1x1x16xf32>
            tpu.vector_store %arg8[%swap3A_259, %swap3A_260, %swap3A_261], %swap3A_264 {strides = array<i32>} : memref<2x1024x32xf32, #tpu.memory_space<vmem>>, vector<1x1x16xf32>,
            %add3A_265 = arith.constant 147 : i32
            %add3A_266 = arith.addi %add3A_265, %scan3A_255 : i32
            %swap3A_267 = arith.constant 0 : i32
            %swap3A_268 = arith.index_cast %swap3A_267 : i32 to index
            %swap3A_269 = arith.index_cast %add3A_266 : i32 to index
            %swap3A_270 = arith.constant 16 : index
            %swap3A_271 = tpu.vector_load %arg8[%swap3A_268, %swap3A_269, %swap3A_270] {strides = array<i32>} : memref<2x1024x32xf32, #tpu.memory_space<vmem>>, vector<1x1x16xf32>,
            %swap3A_272 = vector.shape_cast %swap3A_271 : vector<1x1x16xf32> to vector<16xf32>
            %swap3A_273 = vector.shape_cast %broadcast_in_dim3A_1 : vector<16xf32> to vector<1x1x16xf32>
            tpu.vector_store %arg8[%swap3A_268, %swap3A_269, %swap3A_270], %swap3A_273 {strides = array<i32>} : memref<2x1024x32xf32, #tpu.memory_space<vmem>>, vector<1x1x16xf32>,
          }
          %scan3A_254 = arith.constant 877 : i32
        } else {
        }
        %run_scoped3A = arith.constant 0 : i32
        "tpu.region"() ({
          %run_scoped3A_249 = tpu.sem_alloc : memref<!tpu.dma_semaphore, #tpu.memory_space<semaphore_mem>>
          %dma_start3A = arith.constant 0 : i32
          %dma_start3A_250 = arith.constant 0 : i32
          %dma_start3A_251 = tpu.memref_slice %arg8[%run_scoped3A, %dma_start3A, %dma_start3A_250] : memref<2x1024x32xf32, #tpu.memory_space<vmem>> -> memref<1x1024x32xf32, #tpu.memory_space<vmem>>
          %dma_start3A_252 = tpu.memref_squeeze %dma_start3A_251 : memref<1x1024x32xf32, #tpu.memory_space<vmem>> -> memref<1024x32xf32, #tpu.memory_space<vmem>>
          %dma_start3A_253 = arith.constant 0 : i32
          %dma_start3A_254 = tpu.memref_slice %arg7[%mul3A_139, %dma_start3A_253] : memref<17x1024xi32, #tpu.memory_space<vmem>> -> memref<1x1024xi32, #tpu.memory_space<vmem>>
          %dma_start3A_255 = tpu.memref_squeeze %dma_start3A_254 : memref<1x1024xi32, #tpu.memory_space<vmem>> -> memref<1024xi32, #tpu.memory_space<vmem>>
          %dma_start3A_256 = arith.constant 0 : i32
          %dma_start3A_257 = arith.constant 0 : i32
          %dma_start3A_258 = tpu.memref_slice %arg5[%dma_start3A_256, %dma_start3A_257] : memref<16384x32xf32, #tpu.memory_space<vmem_shared>> -> memref<16384x32xf32, #tpu.memory_space<vmem_shared>>
          tpu.enqueue_indirect_dma source(%dma_start3A_252 : memref<1024x32xf32, #tpu.memory_space<vmem>>) target(%dma_start3A_258 : memref<16384x32xf32, #tpu.memory_space<vmem_shared>>) offsets(%dma_start3A_255 : memref<1024xi32, #tpu.memory_space<vmem>>) semaphore(%run_scoped3A_249 : memref<!tpu.dma_semaphore, #tpu.memory_space<semaphore_mem>>) {add = true}
          %dma_wait3A = arith.constant 0 : i32
          %dma_wait3A_259 = arith.constant 0 : i32
          %dma_wait3A_260 = tpu.memref_slice %arg8[%run_scoped3A, %dma_wait3A, %dma_wait3A_259] : memref<2x1024x32xf32, #tpu.memory_space<vmem>> -> memref<1x1024x32xf32, #tpu.memory_space<vmem>>
          %dma_wait3A_261 = tpu.memref_squeeze %dma_wait3A_260 : memref<1x1024x32xf32, #tpu.memory_space<vmem>> -> memref<1024x32xf32, #tpu.memory_space<vmem>>
          %dma_wait3A_262 = arith.constant 0 : i32
          %dma_wait3A_263 = tpu.memref_slice %arg7[%mul3A_139, %dma_wait3A_262] : memref<17x1024xi32, #tpu.memory_space<vmem>> -> memref<1x1024xi32, #tpu.memory_space<vmem>>
          %dma_wait3A_264 = tpu.memref_squeeze %dma_wait3A_263 : memref<1x1024xi32, #tpu.memory_space<vmem>> -> memref<1024xi32, #tpu.memory_space<vmem>>
          %dma_wait3A_265 = arith.constant 0 : i32
          %dma_wait3A_266 = arith.constant 0 : i32
          %dma_wait3A_267 = tpu.memref_slice %arg5[%dma_wait3A_265, %dma_wait3A_266] : memref<16384x32xf32, #tpu.memory_space<vmem_shared>> -> memref<16384x32xf32, #tpu.memory_space<vmem_shared>>
          tpu.wait_indirect_dma semaphore(%run_scoped3A_249 : memref<!tpu.dma_semaphore, #tpu.memory_space<semaphore_mem>>) src(%dma_wait3A_261 : memref<1024x32xf32, #tpu.memory_space<vmem>>) dst(%dma_wait3A_267 : memref<16384x32xf32, #tpu.memory_space<vmem_shared>>)
          tpu.yield
        }) : () -> ()
        %lt3A_239 = arith.constant 262 : i32
        %lt3A_240 = arith.cmpi slt, %add3A_178, %lt3A_239 : i32
        %convert_element_type3A_241 = arith.extui %lt3A_240 : i1 to i32
        %cond3A_242 = arith.constant 0 : i32
        %cond3A_243 = arith.cmpi ne, %convert_element_type3A_241, %cond3A_242 : i32
        scf.if %cond3A_243 {
          "tpu.region"() ({
            %run_scoped3A_249 = tpu.sem_alloc : memref<!tpu.dma_semaphore, #tpu.memory_space<semaphore_mem>>
            %dma_start3A = arith.constant 0 : i32
            %dma_start3A_250 = tpu.memref_slice %arg7[%mul3A_139, %dma_start3A] : memref<17x1024xi32, #tpu.memory_space<vmem>> -> memref<1x1024xi32, #tpu.memory_space<vmem>>
            %dma_start3A_251 = tpu.memref_squeeze %dma_start3A_250 : memref<1x1024xi32, #tpu.memory_space<vmem>> -> memref<1024xi32, #tpu.memory_space<vmem>>
            %dma_start3A_252 = arith.constant 0 : i32
            %dma_start3A_253 = tpu.memref_slice %arg6[%dma_start3A_252] : memref<16384xf32, #tpu.memory_space<vmem_shared>> -> memref<16384xf32, #tpu.memory_space<vmem_shared>>
            tpu.enqueue_indirect_dma source(%arg12 : memref<1024xf32, #tpu.memory_space<vmem>>) target(%dma_start3A_253 : memref<16384xf32, #tpu.memory_space<vmem_shared>>) offsets(%dma_start3A_251 : memref<1024xi32, #tpu.memory_space<vmem>>) semaphore(%run_scoped3A_249 : memref<!tpu.dma_semaphore, #tpu.memory_space<semaphore_mem>>) {add = true}
            %dma_wait3A = arith.constant 0 : i32
            %dma_wait3A_254 = tpu.memref_slice %arg7[%mul3A_139, %dma_wait3A] : memref<17x1024xi32, #tpu.memory_space<vmem>> -> memref<1x1024xi32, #tpu.memory_space<vmem>>
            %dma_wait3A_255 = tpu.memref_squeeze %dma_wait3A_254 : memref<1x1024xi32, #tpu.memory_space<vmem>> -> memref<1024xi32, #tpu.memory_space<vmem>>
            %dma_wait3A_256 = arith.constant 0 : i32
            %dma_wait3A_257 = tpu.memref_slice %arg6[%dma_wait3A_256] : memref<16384xf32, #tpu.memory_space<vmem_shared>> -> memref<16384xf32, #tpu.memory_space<vmem_shared>>
            tpu.wait_indirect_dma semaphore(%run_scoped3A_249 : memref<!tpu.dma_semaphore, #tpu.memory_space<semaphore_mem>>) src(%arg12 : memref<1024xf32, #tpu.memory_space<vmem>>) dst(%dma_wait3A_257 : memref<16384xf32, #tpu.memory_space<vmem_shared>>)
            tpu.yield
          }) : () -> ()
        } else {
        }
        %eq3A_244 = arith.constant 262 : i32
        %eq3A_245 = arith.cmpi eq, %add3A_178, %eq3A_244 : i32
        %convert_element_type3A_246 = arith.extui %eq3A_245 : i1 to i32
        %cond3A_247 = arith.constant 0 : i32
        %cond3A_248 = arith.cmpi ne, %convert_element_type3A_246, %cond3A_247 : i32
        scf.if %cond3A_248 {
          "tpu.region"() ({
            %run_scoped3A_249 = tpu.sem_alloc : memref<!tpu.dma_semaphore, #tpu.memory_space<semaphore_mem>>
            %dma_start3A = arith.constant 0 : i32
            %dma_start3A_250 = tpu.memref_slice %arg7[%mul3A_139, %dma_start3A] : memref<17x1024xi32, #tpu.memory_space<vmem>> -> memref<1x1024xi32, #tpu.memory_space<vmem>>
            %dma_start3A_251 = tpu.memref_squeeze %dma_start3A_250 : memref<1x1024xi32, #tpu.memory_space<vmem>> -> memref<1024xi32, #tpu.memory_space<vmem>>
            %dma_start3A_252 = arith.constant 0 : i32
            %dma_start3A_253 = tpu.memref_slice %arg6[%dma_start3A_252] : memref<16384xf32, #tpu.memory_space<vmem_shared>> -> memref<16384xf32, #tpu.memory_space<vmem_shared>>
            tpu.enqueue_indirect_dma source(%arg13 : memref<1024xf32, #tpu.memory_space<vmem>>) target(%dma_start3A_253 : memref<16384xf32, #tpu.memory_space<vmem_shared>>) offsets(%dma_start3A_251 : memref<1024xi32, #tpu.memory_space<vmem>>) semaphore(%run_scoped3A_249 : memref<!tpu.dma_semaphore, #tpu.memory_space<semaphore_mem>>) {add = true}
            %dma_wait3A = arith.constant 0 : i32
            %dma_wait3A_254 = tpu.memref_slice %arg7[%mul3A_139, %dma_wait3A] : memref<17x1024xi32, #tpu.memory_space<vmem>> -> memref<1x1024xi32, #tpu.memory_space<vmem>>
            %dma_wait3A_255 = tpu.memref_squeeze %dma_wait3A_254 : memref<1x1024xi32, #tpu.memory_space<vmem>> -> memref<1024xi32, #tpu.memory_space<vmem>>
            %dma_wait3A_256 = arith.constant 0 : i32
            %dma_wait3A_257 = tpu.memref_slice %arg6[%dma_wait3A_256] : memref<16384xf32, #tpu.memory_space<vmem_shared>> -> memref<16384xf32, #tpu.memory_space<vmem_shared>>
            tpu.wait_indirect_dma semaphore(%run_scoped3A_249 : memref<!tpu.dma_semaphore, #tpu.memory_space<semaphore_mem>>) src(%arg13 : memref<1024xf32, #tpu.memory_space<vmem>>) dst(%dma_wait3A_257 : memref<16384xf32, #tpu.memory_space<vmem_shared>>)
            tpu.yield
          }) : () -> ()
        } else {
        }
      } else {
      }
      %add3A_184 = arith.constant 1 : i32
      %add3A_185 = arith.addi %mul3A_139, %add3A_184 : i32
      %mul3A_186 = arith.constant 16 : i32
      %mul3A_187 = arith.muli %mul3A_186, %add3A_185 : i32
      %add3A_188 = arith.addi %arg1, %mul3A_187 : i32
      %lt3A_189 = arith.constant 263 : i32
      %lt3A_190 = arith.cmpi slt, %add3A_188, %lt3A_189 : i32
      %convert_element_type3A_191 = arith.extui %lt3A_190 : i1 to i32
      %cond3A_192 = arith.constant 0 : i32
      %cond3A_193 = arith.cmpi ne, %convert_element_type3A_191, %cond3A_192 : i32
      scf.if %cond3A_193 {
        %mul3A_234 = arith.constant 1 : i32
        %mul3A_235 = arith.muli %add3A_188, %mul3A_234 : i32
        %mul3A_236 = arith.constant 1 : i32
        %mul3A_237 = arith.muli %add3A_185, %mul3A_236 : i32
        "tpu.region"() ({
          %run_scoped3A = tpu.sem_alloc : memref<!tpu.dma_semaphore, #tpu.memory_space<semaphore_mem>>
          %dma_start3A = arith.constant 0 : i32
          %dma_start3A_238 = tpu.memref_slice %arg7[%mul3A_237, %dma_start3A] : memref<17x1024xi32, #tpu.memory_space<vmem>> -> memref<1x1024xi32, #tpu.memory_space<vmem>>
          %dma_start3A_239 = arith.constant 0 : i32
          %dma_start3A_240 = tpu.memref_slice %arg2[%mul3A_235, %dma_start3A_239] : memref<272x1024xi32, #tpu.memory_space<hbm>> -> memref<1x1024xi32, #tpu.memory_space<hbm>>
          %dma_start3A_241 = arith.constant 0 : i32
          %dma_start3A_242 = tpu.memref_slice %arg7[%mul3A_237, %dma_start3A_241] : memref<17x1024xi32, #tpu.memory_space<vmem>> -> memref<1x1024xi32, #tpu.memory_space<vmem>>
          %dma_start3A_243 = arith.constant 0 : i32
          %dma_start3A_244 = tpu.memref_slice %arg2[%mul3A_235, %dma_start3A_243] : memref<272x1024xi32, #tpu.memory_space<hbm>> -> memref<1x1024xi32, #tpu.memory_space<hbm>>
          tpu.enqueue_dma source(%dma_start3A_244 : memref<1x1024xi32, #tpu.memory_space<hbm>>) target(%dma_start3A_242 : memref<1x1024xi32, #tpu.memory_space<vmem>>) target_semaphore(%run_scoped3A : memref<!tpu.dma_semaphore, #tpu.memory_space<semaphore_mem>>)
          %dma_wait3A = arith.constant 0 : i32
          %dma_wait3A_245 = tpu.memref_slice %arg7[%mul3A_237, %dma_wait3A] : memref<17x1024xi32, #tpu.memory_space<vmem>> -> memref<1x1024xi32, #tpu.memory_space<vmem>>
          %dma_wait3A_246 = arith.constant 0 : i32
          %dma_wait3A_247 = tpu.memref_slice %arg2[%mul3A_235, %dma_wait3A_246] : memref<272x1024xi32, #tpu.memory_space<hbm>> -> memref<1x1024xi32, #tpu.memory_space<hbm>>
          %dma_wait3A_248 = arith.constant 0 : i32
          %dma_wait3A_249 = tpu.memref_slice %arg7[%mul3A_237, %dma_wait3A_248] : memref<17x1024xi32, #tpu.memory_space<vmem>> -> memref<1x1024xi32, #tpu.memory_space<vmem>>
          %dma_wait3A_250 = arith.constant 0 : i32
          %dma_wait3A_251 = tpu.memref_slice %arg2[%mul3A_235, %dma_wait3A_250] : memref<272x1024xi32, #tpu.memory_space<hbm>> -> memref<1x1024xi32, #tpu.memory_space<hbm>>
          tpu.wait_dma2 semaphore(%run_scoped3A : memref<!tpu.dma_semaphore, #tpu.memory_space<semaphore_mem>>) src(%dma_wait3A_251 : memref<1x1024xi32, #tpu.memory_space<hbm>>) dst(%dma_wait3A_249 : memref<1x1024xi32, #tpu.memory_space<vmem>>)
          tpu.yield
        }) : () -> ()
      } else {
      }
      %add3A_194 = arith.constant 1 : i32
      %add3A_195 = arith.addi %mul3A_139, %add3A_194 : i32
      %mul3A_196 = arith.constant 16 : i32
      %mul3A_197 = arith.muli %mul3A_196, %add3A_195 : i32
      %add3A_198 = arith.addi %arg1, %mul3A_197 : i32
      %lt3A_199 = arith.constant 262 : i32
      %lt3A_200 = arith.cmpi slt, %add3A_198, %lt3A_199 : i32
      %convert_element_type3A_201 = arith.extui %lt3A_200 : i1 to i32
      %cond3A_202 = arith.constant 0 : i32
      %cond3A_203 = arith.cmpi ne, %convert_element_type3A_201, %cond3A_202 : i32
      scf.if %cond3A_203 {
        %mul3A_234 = arith.constant 16 : i32
        %mul3A_235 = arith.muli %mul3A_234, %add3A_195 : i32
        %add3A_236 = arith.addi %arg1, %mul3A_235 : i32
        %mul3A_237 = arith.constant 1024 : i32
        %mul3A_238 = arith.muli %add3A_236, %mul3A_237 : i32
        %dma_wait3A = arith.constant 1 : i32
        %dma_wait3A_239 = arith.constant 0 : i32
        %dma_wait3A_240 = arith.constant 0 : i32
        %dma_wait3A_241 = tpu.memref_slice %arg8[%dma_wait3A, %dma_wait3A_239, %dma_wait3A_240] : memref<2x1024x32xf32, #tpu.memory_space<vmem>> -> memref<1x1024x32xf32, #tpu.memory_space<vmem>>
        %dma_wait3A_242 = tpu.memref_squeeze %dma_wait3A_241 : memref<1x1024x32xf32, #tpu.memory_space<vmem>> -> memref<1024x32xf32, #tpu.memory_space<vmem>>
        %dma_wait3A_243 = tpu.memref_slice %arg3[%mul3A_238, %mul3A_0] : memref<268435x64xf32, #tpu.memory_space<hbm>> -> memref<1024x32xf32, #tpu.memory_space<hbm>>
        %dma_wait3A_244 = arith.constant 0 : i32
        %dma_wait3A_245 = arith.constant 0 : i32
        %dma_wait3A_246 = tpu.memref_slice %arg8[%dma_wait3A, %dma_wait3A_244, %dma_wait3A_245] : memref<2x1024x32xf32, #tpu.memory_space<vmem>> -> memref<1x1024x32xf32, #tpu.memory_space<vmem>>
        %dma_wait3A_247 = tpu.memref_squeeze %dma_wait3A_246 : memref<1x1024x32xf32, #tpu.memory_space<vmem>> -> memref<1024x32xf32, #tpu.memory_space<vmem>>
        %dma_wait3A_248 = tpu.memref_slice %arg3[%mul3A_238, %mul3A_0] : memref<268435x64xf32, #tpu.memory_space<hbm>> -> memref<1024x32xf32, #tpu.memory_space<hbm>>
        tpu.wait_dma2 semaphore(%arg15 : memref<!tpu.dma_semaphore, #tpu.memory_space<semaphore_mem>>) src(%dma_wait3A_248 : memref<1024x32xf32, #tpu.memory_space<hbm>>) dst(%dma_wait3A_247 : memref<1024x32xf32, #tpu.memory_space<vmem>>)
      } else {
      }
      %eq3A_204 = arith.constant 262 : i32
      %eq3A_205 = arith.cmpi eq, %add3A_198, %eq3A_204 : i32
      %convert_element_type3A_206 = arith.extui %eq3A_205 : i1 to i32
      %cond3A_207 = arith.constant 0 : i32
      %cond3A_208 = arith.cmpi ne, %convert_element_type3A_206, %cond3A_207 : i32
      scf.if %cond3A_208 {
        %mul3A_234 = arith.constant 16 : i32
        %mul3A_235 = arith.muli %mul3A_234, %add3A_195 : i32
        %add3A_236 = arith.addi %arg1, %mul3A_235 : i32
        %dma_wait3A = arith.constant 1 : i32
        %dma_wait3A_237 = arith.constant 0 : i32
        %dma_wait3A_238 = arith.constant 0 : i32
        %dma_wait3A_239 = tpu.memref_slice %arg8[%dma_wait3A, %dma_wait3A_237, %dma_wait3A_238] : memref<2x1024x32xf32, #tpu.memory_space<vmem>> -> memref<1x147x32xf32, #tpu.memory_space<vmem>>
        %dma_wait3A_240 = tpu.memref_squeeze %dma_wait3A_239 : memref<1x147x32xf32, #tpu.memory_space<vmem>> -> memref<147x32xf32, #tpu.memory_space<vmem>>
        %dma_wait3A_241 = arith.constant 268288 : i32
        %dma_wait3A_242 = tpu.memref_slice %arg3[%dma_wait3A_241, %mul3A_0] : memref<268435x64xf32, #tpu.memory_space<hbm>> -> memref<147x32xf32, #tpu.memory_space<hbm>>
        %dma_wait3A_243 = arith.constant 0 : i32
        %dma_wait3A_244 = arith.constant 0 : i32
        %dma_wait3A_245 = tpu.memref_slice %arg8[%dma_wait3A, %dma_wait3A_243, %dma_wait3A_244] : memref<2x1024x32xf32, #tpu.memory_space<vmem>> -> memref<1x147x32xf32, #tpu.memory_space<vmem>>
        %dma_wait3A_246 = tpu.memref_squeeze %dma_wait3A_245 : memref<1x147x32xf32, #tpu.memory_space<vmem>> -> memref<147x32xf32, #tpu.memory_space<vmem>>
        %dma_wait3A_247 = arith.constant 268288 : i32
        %dma_wait3A_248 = tpu.memref_slice %arg3[%dma_wait3A_247, %mul3A_0] : memref<268435x64xf32, #tpu.memory_space<hbm>> -> memref<147x32xf32, #tpu.memory_space<hbm>>
        tpu.wait_dma2 semaphore(%arg15 : memref<!tpu.dma_semaphore, #tpu.memory_space<semaphore_mem>>) src(%dma_wait3A_248 : memref<147x32xf32, #tpu.memory_space<hbm>>) dst(%dma_wait3A_246 : memref<147x32xf32, #tpu.memory_space<vmem>>)
      } else {
      }
      %add3A_209 = arith.constant 2 : i32
      %add3A_210 = arith.addi %mul3A_139, %add3A_209 : i32
      %mul3A_211 = arith.constant 16 : i32
      %mul3A_212 = arith.muli %mul3A_211, %add3A_210 : i32
      %add3A_213 = arith.addi %arg1, %mul3A_212 : i32
      %lt3A_214 = arith.constant 262 : i32
      %lt3A_215 = arith.cmpi slt, %add3A_213, %lt3A_214 : i32
      %convert_element_type3A_216 = arith.extui %lt3A_215 : i1 to i32
      %cond3A_217 = arith.constant 0 : i32
      %cond3A_218 = arith.cmpi ne, %convert_element_type3A_216, %cond3A_217 : i32
      scf.if %cond3A_218 {
        %mul3A_234 = arith.constant 16 : i32
        %mul3A_235 = arith.muli %mul3A_234, %add3A_210 : i32
        %add3A_236 = arith.addi %arg1, %mul3A_235 : i32
        %mul3A_237 = arith.constant 1024 : i32
        %mul3A_238 = arith.muli %add3A_236, %mul3A_237 : i32
        %dma_start3A = arith.constant 0 : i32
        %dma_start3A_239 = arith.constant 0 : i32
        %dma_start3A_240 = arith.constant 0 : i32
        %dma_start3A_241 = tpu.memref_slice %arg8[%dma_start3A, %dma_start3A_239, %dma_start3A_240] : memref<2x1024x32xf32, #tpu.memory_space<vmem>> -> memref<1x1024x32xf32, #tpu.memory_space<vmem>>
        %dma_start3A_242 = tpu.memref_squeeze %dma_start3A_241 : memref<1x1024x32xf32, #tpu.memory_space<vmem>> -> memref<1024x32xf32, #tpu.memory_space<vmem>>
        %dma_start3A_243 = tpu.memref_slice %arg3[%mul3A_238, %mul3A_0] : memref<268435x64xf32, #tpu.memory_space<hbm>> -> memref<1024x32xf32, #tpu.memory_space<hbm>>
        %dma_start3A_244 = arith.constant 0 : i32
        %dma_start3A_245 = arith.constant 0 : i32
        %dma_start3A_246 = tpu.memref_slice %arg8[%dma_start3A, %dma_start3A_244, %dma_start3A_245] : memref<2x1024x32xf32, #tpu.memory_space<vmem>> -> memref<1x1024x32xf32, #tpu.memory_space<vmem>>
        %dma_start3A_247 = tpu.memref_squeeze %dma_start3A_246 : memref<1x1024x32xf32, #tpu.memory_space<vmem>> -> memref<1024x32xf32, #tpu.memory_space<vmem>>
        %dma_start3A_248 = tpu.memref_slice %arg3[%mul3A_238, %mul3A_0] : memref<268435x64xf32, #tpu.memory_space<hbm>> -> memref<1024x32xf32, #tpu.memory_space<hbm>>
        tpu.enqueue_dma source(%dma_start3A_248 : memref<1024x32xf32, #tpu.memory_space<hbm>>) target(%dma_start3A_247 : memref<1024x32xf32, #tpu.memory_space<vmem>>) target_semaphore(%arg14 : memref<!tpu.dma_semaphore, #tpu.memory_space<semaphore_mem>>)
      } else {
      }
      %eq3A_219 = arith.constant 262 : i32
      %eq3A_220 = arith.cmpi eq, %add3A_213, %eq3A_219 : i32
      %convert_element_type3A_221 = arith.extui %eq3A_220 : i1 to i32
      %cond3A_222 = arith.constant 0 : i32
      %cond3A_223 = arith.cmpi ne, %convert_element_type3A_221, %cond3A_222 : i32
      scf.if %cond3A_223 {
        %mul3A_234 = arith.constant 16 : i32
        %mul3A_235 = arith.muli %mul3A_234, %add3A_210 : i32
        %add3A_236 = arith.addi %arg1, %mul3A_235 : i32
        %dma_start3A = arith.constant 0 : i32
        %dma_start3A_237 = arith.constant 0 : i32
        %dma_start3A_238 = arith.constant 0 : i32
        %dma_start3A_239 = tpu.memref_slice %arg8[%dma_start3A, %dma_start3A_237, %dma_start3A_238] : memref<2x1024x32xf32, #tpu.memory_space<vmem>> -> memref<1x147x32xf32, #tpu.memory_space<vmem>>
        %dma_start3A_240 = tpu.memref_squeeze %dma_start3A_239 : memref<1x147x32xf32, #tpu.memory_space<vmem>> -> memref<147x32xf32, #tpu.memory_space<vmem>>
        %dma_start3A_241 = arith.constant 268288 : i32
        %dma_start3A_242 = tpu.memref_slice %arg3[%dma_start3A_241, %mul3A_0] : memref<268435x64xf32, #tpu.memory_space<hbm>> -> memref<147x32xf32, #tpu.memory_space<hbm>>
        %dma_start3A_243 = arith.constant 0 : i32
        %dma_start3A_244 = arith.constant 0 : i32
        %dma_start3A_245 = tpu.memref_slice %arg8[%dma_start3A, %dma_start3A_243, %dma_start3A_244] : memref<2x1024x32xf32, #tpu.memory_space<vmem>> -> memref<1x147x32xf32, #tpu.memory_space<vmem>>
        %dma_start3A_246 = tpu.memref_squeeze %dma_start3A_245 : memref<1x147x32xf32, #tpu.memory_space<vmem>> -> memref<147x32xf32, #tpu.memory_space<vmem>>
        %dma_start3A_247 = arith.constant 268288 : i32
        %dma_start3A_248 = tpu.memref_slice %arg3[%dma_start3A_247, %mul3A_0] : memref<268435x64xf32, #tpu.memory_space<hbm>> -> memref<147x32xf32, #tpu.memory_space<hbm>>
        tpu.enqueue_dma source(%dma_start3A_248 : memref<147x32xf32, #tpu.memory_space<hbm>>) target(%dma_start3A_246 : memref<147x32xf32, #tpu.memory_space<vmem>>) target_semaphore(%arg14 : memref<!tpu.dma_semaphore, #tpu.memory_space<semaphore_mem>>)
      } else {
      }
      %add3A_224 = arith.constant 1 : i32
      %add3A_225 = arith.addi %mul3A_139, %add3A_224 : i32
      %mul3A_226 = arith.constant 16 : i32
      %mul3A_227 = arith.muli %mul3A_226, %add3A_225 : i32
      %add3A_228 = arith.addi %arg1, %mul3A_227 : i32
      %lt3A_229 = arith.constant 263 : i32
      %lt3A_230 = arith.cmpi slt, %add3A_228, %lt3A_229 : i32
      %convert_element_type3A_231 = arith.extui %lt3A_230 : i1 to i32
      %cond3A_232 = arith.constant 0 : i32
      %cond3A_233 = arith.cmpi ne, %convert_element_type3A_231, %cond3A_232 : i32
      scf.if %cond3A_233 {
        %eq3A_234 = arith.constant 262 : i32
        %eq3A_235 = arith.cmpi eq, %add3A_228, %eq3A_234 : i32
        %convert_element_type3A_236 = arith.extui %eq3A_235 : i1 to i32
        %cond3A_237 = arith.constant 0 : i32
        %cond3A_238 = arith.cmpi ne, %convert_element_type3A_236, %cond3A_237 : i32
        scf.if %cond3A_238 {
          %scan3A_249 = arith.constant 0 : i32
          %scan3A_250 = arith.constant 0 : i32
          %scan3A_251 = arith.constant 877 : i32
          %scan3A_252 = arith.addi %scan3A_250, %scan3A_251 : i32
          %scan3A_253 = arith.constant 1 : i32
          scf.for %scan3A_255 = %scan3A_250 to %scan3A_252 step %scan3A_253  : i32 {
            %add3A_256 = arith.constant 147 : i32
            %add3A_257 = arith.addi %add3A_256, %scan3A_255 : i32
            %swap3A_258 = arith.constant 1 : i32
            %swap3A_259 = arith.index_cast %swap3A_258 : i32 to index
            %swap3A_260 = arith.index_cast %add3A_257 : i32 to index
            %swap3A_261 = arith.constant 0 : index
            %swap3A_262 = tpu.vector_load %arg8[%swap3A_259, %swap3A_260, %swap3A_261] {strides = array<i32>} : memref<2x1024x32xf32, #tpu.memory_space<vmem>>, vector<1x1x16xf32>,
            %swap3A_263 = vector.shape_cast %swap3A_262 : vector<1x1x16xf32> to vector<16xf32>
            %swap3A_264 = vector.shape_cast %broadcast_in_dim3A_1 : vector<16xf32> to vector<1x1x16xf32>
            tpu.vector_store %arg8[%swap3A_259, %swap3A_260, %swap3A_261], %swap3A_264 {strides = array<i32>} : memref<2x1024x32xf32, #tpu.memory_space<vmem>>, vector<1x1x16xf32>,
            %add3A_265 = arith.constant 147 : i32
            %add3A_266 = arith.addi %add3A_265, %scan3A_255 : i32
            %swap3A_267 = arith.constant 1 : i32
            %swap3A_268 = arith.index_cast %swap3A_267 : i32 to index
            %swap3A_269 = arith.index_cast %add3A_266 : i32 to index
            %swap3A_270 = arith.constant 16 : index
            %swap3A_271 = tpu.vector_load %arg8[%swap3A_268, %swap3A_269, %swap3A_270] {strides = array<i32>} : memref<2x1024x32xf32, #tpu.memory_space<vmem>>, vector<1x1x16xf32>,
            %swap3A_272 = vector.shape_cast %swap3A_271 : vector<1x1x16xf32> to vector<16xf32>
            %swap3A_273 = vector.shape_cast %broadcast_in_dim3A_1 : vector<16xf32> to vector<1x1x16xf32>
            tpu.vector_store %arg8[%swap3A_268, %swap3A_269, %swap3A_270], %swap3A_273 {strides = array<i32>} : memref<2x1024x32xf32, #tpu.memory_space<vmem>>, vector<1x1x16xf32>,
          }
          %scan3A_254 = arith.constant 877 : i32
        } else {
        }
        %run_scoped3A = arith.constant 1 : i32
        "tpu.region"() ({
          %run_scoped3A_249 = tpu.sem_alloc : memref<!tpu.dma_semaphore, #tpu.memory_space<semaphore_mem>>
          %dma_start3A = arith.constant 0 : i32
          %dma_start3A_250 = arith.constant 0 : i32
          %dma_start3A_251 = tpu.memref_slice %arg8[%run_scoped3A, %dma_start3A, %dma_start3A_250] : memref<2x1024x32xf32, #tpu.memory_space<vmem>> -> memref<1x1024x32xf32, #tpu.memory_space<vmem>>
          %dma_start3A_252 = tpu.memref_squeeze %dma_start3A_251 : memref<1x1024x32xf32, #tpu.memory_space<vmem>> -> memref<1024x32xf32, #tpu.memory_space<vmem>>
          %dma_start3A_253 = arith.constant 0 : i32
          %dma_start3A_254 = tpu.memref_slice %arg7[%add3A_225, %dma_start3A_253] : memref<17x1024xi32, #tpu.memory_space<vmem>> -> memref<1x1024xi32, #tpu.memory_space<vmem>>
          %dma_start3A_255 = tpu.memref_squeeze %dma_start3A_254 : memref<1x1024xi32, #tpu.memory_space<vmem>> -> memref<1024xi32, #tpu.memory_space<vmem>>
          %dma_start3A_256 = arith.constant 0 : i32
          %dma_start3A_257 = arith.constant 0 : i32
          %dma_start3A_258 = tpu.memref_slice %arg5[%dma_start3A_256, %dma_start3A_257] : memref<16384x32xf32, #tpu.memory_space<vmem_shared>> -> memref<16384x32xf32, #tpu.memory_space<vmem_shared>>
          tpu.enqueue_indirect_dma source(%dma_start3A_252 : memref<1024x32xf32, #tpu.memory_space<vmem>>) target(%dma_start3A_258 : memref<16384x32xf32, #tpu.memory_space<vmem_shared>>) offsets(%dma_start3A_255 : memref<1024xi32, #tpu.memory_space<vmem>>) semaphore(%run_scoped3A_249 : memref<!tpu.dma_semaphore, #tpu.memory_space<semaphore_mem>>) {add = true}
          %dma_wait3A = arith.constant 0 : i32
          %dma_wait3A_259 = arith.constant 0 : i32
          %dma_wait3A_260 = tpu.memref_slice %arg8[%run_scoped3A, %dma_wait3A, %dma_wait3A_259] : memref<2x1024x32xf32, #tpu.memory_space<vmem>> -> memref<1x1024x32xf32, #tpu.memory_space<vmem>>
          %dma_wait3A_261 = tpu.memref_squeeze %dma_wait3A_260 : memref<1x1024x32xf32, #tpu.memory_space<vmem>> -> memref<1024x32xf32, #tpu.memory_space<vmem>>
          %dma_wait3A_262 = arith.constant 0 : i32
          %dma_wait3A_263 = tpu.memref_slice %arg7[%add3A_225, %dma_wait3A_262] : memref<17x1024xi32, #tpu.memory_space<vmem>> -> memref<1x1024xi32, #tpu.memory_space<vmem>>
          %dma_wait3A_264 = tpu.memref_squeeze %dma_wait3A_263 : memref<1x1024xi32, #tpu.memory_space<vmem>> -> memref<1024xi32, #tpu.memory_space<vmem>>
          %dma_wait3A_265 = arith.constant 0 : i32
          %dma_wait3A_266 = arith.constant 0 : i32
          %dma_wait3A_267 = tpu.memref_slice %arg5[%dma_wait3A_265, %dma_wait3A_266] : memref<16384x32xf32, #tpu.memory_space<vmem_shared>> -> memref<16384x32xf32, #tpu.memory_space<vmem_shared>>
          tpu.wait_indirect_dma semaphore(%run_scoped3A_249 : memref<!tpu.dma_semaphore, #tpu.memory_space<semaphore_mem>>) src(%dma_wait3A_261 : memref<1024x32xf32, #tpu.memory_space<vmem>>) dst(%dma_wait3A_267 : memref<16384x32xf32, #tpu.memory_space<vmem_shared>>)
          tpu.yield
        }) : () -> ()
        %lt3A_239 = arith.constant 262 : i32
        %lt3A_240 = arith.cmpi slt, %add3A_228, %lt3A_239 : i32
        %convert_element_type3A_241 = arith.extui %lt3A_240 : i1 to i32
        %cond3A_242 = arith.constant 0 : i32
        %cond3A_243 = arith.cmpi ne, %convert_element_type3A_241, %cond3A_242 : i32
        scf.if %cond3A_243 {
          "tpu.region"() ({
            %run_scoped3A_249 = tpu.sem_alloc : memref<!tpu.dma_semaphore, #tpu.memory_space<semaphore_mem>>
            %dma_start3A = arith.constant 0 : i32
            %dma_start3A_250 = tpu.memref_slice %arg7[%add3A_225, %dma_start3A] : memref<17x1024xi32, #tpu.memory_space<vmem>> -> memref<1x1024xi32, #tpu.memory_space<vmem>>
            %dma_start3A_251 = tpu.memref_squeeze %dma_start3A_250 : memref<1x1024xi32, #tpu.memory_space<vmem>> -> memref<1024xi32, #tpu.memory_space<vmem>>
            %dma_start3A_252 = arith.constant 0 : i32
            %dma_start3A_253 = tpu.memref_slice %arg6[%dma_start3A_252] : memref<16384xf32, #tpu.memory_space<vmem_shared>> -> memref<16384xf32, #tpu.memory_space<vmem_shared>>
            tpu.enqueue_indirect_dma source(%arg12 : memref<1024xf32, #tpu.memory_space<vmem>>) target(%dma_start3A_253 : memref<16384xf32, #tpu.memory_space<vmem_shared>>) offsets(%dma_start3A_251 : memref<1024xi32, #tpu.memory_space<vmem>>) semaphore(%run_scoped3A_249 : memref<!tpu.dma_semaphore, #tpu.memory_space<semaphore_mem>>) {add = true}
            %dma_wait3A = arith.constant 0 : i32
            %dma_wait3A_254 = tpu.memref_slice %arg7[%add3A_225, %dma_wait3A] : memref<17x1024xi32, #tpu.memory_space<vmem>> -> memref<1x1024xi32, #tpu.memory_space<vmem>>
            %dma_wait3A_255 = tpu.memref_squeeze %dma_wait3A_254 : memref<1x1024xi32, #tpu.memory_space<vmem>> -> memref<1024xi32, #tpu.memory_space<vmem>>
            %dma_wait3A_256 = arith.constant 0 : i32
            %dma_wait3A_257 = tpu.memref_slice %arg6[%dma_wait3A_256] : memref<16384xf32, #tpu.memory_space<vmem_shared>> -> memref<16384xf32, #tpu.memory_space<vmem_shared>>
            tpu.wait_indirect_dma semaphore(%run_scoped3A_249 : memref<!tpu.dma_semaphore, #tpu.memory_space<semaphore_mem>>) src(%arg12 : memref<1024xf32, #tpu.memory_space<vmem>>) dst(%dma_wait3A_257 : memref<16384xf32, #tpu.memory_space<vmem_shared>>)
            tpu.yield
          }) : () -> ()
        } else {
        }
        %eq3A_244 = arith.constant 262 : i32
        %eq3A_245 = arith.cmpi eq, %add3A_228, %eq3A_244 : i32
        %convert_element_type3A_246 = arith.extui %eq3A_245 : i1 to i32
        %cond3A_247 = arith.constant 0 : i32
        %cond3A_248 = arith.cmpi ne, %convert_element_type3A_246, %cond3A_247 : i32
        scf.if %cond3A_248 {
          "tpu.region"() ({
            %run_scoped3A_249 = tpu.sem_alloc : memref<!tpu.dma_semaphore, #tpu.memory_space<semaphore_mem>>
            %dma_start3A = arith.constant 0 : i32
            %dma_start3A_250 = tpu.memref_slice %arg7[%add3A_225, %dma_start3A] : memref<17x1024xi32, #tpu.memory_space<vmem>> -> memref<1x1024xi32, #tpu.memory_space<vmem>>
            %dma_start3A_251 = tpu.memref_squeeze %dma_start3A_250 : memref<1x1024xi32, #tpu.memory_space<vmem>> -> memref<1024xi32, #tpu.memory_space<vmem>>
            %dma_start3A_252 = arith.constant 0 : i32
            %dma_start3A_253 = tpu.memref_slice %arg6[%dma_start3A_252] : memref<16384xf32, #tpu.memory_space<vmem_shared>> -> memref<16384xf32, #tpu.memory_space<vmem_shared>>
            tpu.enqueue_indirect_dma source(%arg13 : memref<1024xf32, #tpu.memory_space<vmem>>) target(%dma_start3A_253 : memref<16384xf32, #tpu.memory_space<vmem_shared>>) offsets(%dma_start3A_251 : memref<1024xi32, #tpu.memory_space<vmem>>) semaphore(%run_scoped3A_249 : memref<!tpu.dma_semaphore, #tpu.memory_space<semaphore_mem>>) {add = true}
            %dma_wait3A = arith.constant 0 : i32
            %dma_wait3A_254 = tpu.memref_slice %arg7[%add3A_225, %dma_wait3A] : memref<17x1024xi32, #tpu.memory_space<vmem>> -> memref<1x1024xi32, #tpu.memory_space<vmem>>
            %dma_wait3A_255 = tpu.memref_squeeze %dma_wait3A_254 : memref<1x1024xi32, #tpu.memory_space<vmem>> -> memref<1024xi32, #tpu.memory_space<vmem>>
            %dma_wait3A_256 = arith.constant 0 : i32
            %dma_wait3A_257 = tpu.memref_slice %arg6[%dma_wait3A_256] : memref<16384xf32, #tpu.memory_space<vmem_shared>> -> memref<16384xf32, #tpu.memory_space<vmem_shared>>
            tpu.wait_indirect_dma semaphore(%run_scoped3A_249 : memref<!tpu.dma_semaphore, #tpu.memory_space<semaphore_mem>>) src(%arg13 : memref<1024xf32, #tpu.memory_space<vmem>>) dst(%dma_wait3A_257 : memref<16384xf32, #tpu.memory_space<vmem_shared>>)
            tpu.yield
          }) : () -> ()
        } else {
        }
      } else {
      }
    }
    %scan3A_114 = arith.constant 9 : i32
    %barrier3A_115 = arith.constant 0 : index
    tpu.barrier barrier_id(%barrier3A_115)
    %mul3A_116 = arith.constant 1024 : i32
    %mul3A_117 = arith.muli %arg1, %mul3A_116 : i32
    "tpu.region"() ({
      %run_scoped3A = tpu.sem_alloc : memref<!tpu.dma_semaphore, #tpu.memory_space<semaphore_mem>>
      %dma_start3A = tpu.memref_slice %arg6[%mul3A_117] : memref<16384xf32, #tpu.memory_space<vmem_shared>> -> memref<1024xf32, #tpu.memory_space<vmem_shared>>
      %dma_start3A_137 = tpu.memref_slice %arg6[%mul3A_117] : memref<16384xf32, #tpu.memory_space<vmem_shared>> -> memref<1024xf32, #tpu.memory_space<vmem_shared>>
      tpu.enqueue_dma source(%dma_start3A_137 : memref<1024xf32, #tpu.memory_space<vmem_shared>>) target(%arg9 : memref<1024xf32, #tpu.memory_space<vmem>>) target_semaphore(%run_scoped3A : memref<!tpu.dma_semaphore, #tpu.memory_space<semaphore_mem>>)
      %dma_wait3A = tpu.memref_slice %arg6[%mul3A_117] : memref<16384xf32, #tpu.memory_space<vmem_shared>> -> memref<1024xf32, #tpu.memory_space<vmem_shared>>
      %dma_wait3A_138 = tpu.memref_slice %arg6[%mul3A_117] : memref<16384xf32, #tpu.memory_space<vmem_shared>> -> memref<1024xf32, #tpu.memory_space<vmem_shared>>
      tpu.wait_dma2 semaphore(%run_scoped3A : memref<!tpu.dma_semaphore, #tpu.memory_space<semaphore_mem>>) src(%dma_wait3A_138 : memref<1024xf32, #tpu.memory_space<vmem_shared>>) dst(%arg9 : memref<1024xf32, #tpu.memory_space<vmem>>)
      tpu.yield
    }) : () -> ()
    %scan3A_118 = arith.constant 0 : i32
    %scan3A_119 = arith.constant 0 : i32
    %scan3A_120 = arith.constant 64 : i32
    %scan3A_121 = arith.addi %scan3A_119, %scan3A_120 : i32
    %scan3A_122 = arith.constant 1 : i32
    scf.for %scan3A_137 = %scan3A_119 to %scan3A_121 step %scan3A_122  : i32 {
      %mul3A_138 = arith.constant 16 : i32
      %mul3A_139 = arith.muli %scan3A_137, %mul3A_138 : i32
      %get3A = arith.index_cast %mul3A_139 : i32 to index
      %get3A_140 = tpu.vector_load %arg9[%get3A] {strides = array<i32>} : memref<1024xf32, #tpu.memory_space<vmem>>, vector<16xf32>,
      %get3A_141 = vector.shape_cast %get3A_140 : vector<16xf32> to vector<16xf32>
      %add3A_142 = arith.constant 1.000000e-16 : f32
      %add3A_143 = vector.broadcast %add3A_142 : f32 to vector<16xf32>
      %add3A_144 = arith.addf %get3A_141, %add3A_143 : vector<16xf32>
      %div3A = arith.constant 1.000000e+00 : f32
      %div3A_145 = vector.broadcast %div3A : f32 to vector<16xf32>
      %div3A_146 = arith.divf %div3A_145, %add3A_144 : vector<16xf32>
      %mul3A_147 = arith.constant 16 : i32
      %mul3A_148 = arith.muli %scan3A_137, %mul3A_147 : i32
      %swap3A_149 = arith.index_cast %mul3A_148 : i32 to index
      %swap3A_150 = tpu.vector_load %arg9[%swap3A_149] {strides = array<i32>} : memref<1024xf32, #tpu.memory_space<vmem>>, vector<16xf32>,
      %swap3A_151 = vector.shape_cast %swap3A_150 : vector<16xf32> to vector<16xf32>
      %swap3A_152 = vector.shape_cast %div3A_146 : vector<16xf32> to vector<16xf32>
      tpu.vector_store %arg9[%swap3A_149], %swap3A_152 {strides = array<i32>} : memref<1024xf32, #tpu.memory_space<vmem>>, vector<16xf32>,
    }
    %scan3A_123 = arith.constant 64 : i32
    %scan3A_124 = arith.constant 0 : i32
    %scan3A_125 = arith.constant 0 : i32
    %scan3A_126 = arith.constant 8 : i32
    %scan3A_127 = arith.addi %scan3A_125, %scan3A_126 : i32
    %scan3A_128 = arith.constant 1 : i32
    scf.for %scan3A_137 = %scan3A_125 to %scan3A_127 step %scan3A_128  : i32 {
      %mul3A_138 = arith.constant 128 : i32
      %mul3A_139 = arith.muli %scan3A_137, %mul3A_138 : i32
      %add3A_140 = arith.addi %mul3A_117, %mul3A_139 : i32
      "tpu.region"() ({
        %run_scoped3A = tpu.sem_alloc : memref<!tpu.dma_semaphore, #tpu.memory_space<semaphore_mem>>
        %dma_start3A = arith.constant 0 : i32
        %dma_start3A_150 = tpu.memref_slice %arg5[%add3A_140, %dma_start3A] : memref<16384x32xf32, #tpu.memory_space<vmem_shared>> -> memref<128x32xf32, #tpu.memory_space<vmem_shared>>
        %dma_start3A_151 = arith.constant 0 : i32
        %dma_start3A_152 = tpu.memref_slice %arg5[%add3A_140, %dma_start3A_151] : memref<16384x32xf32, #tpu.memory_space<vmem_shared>> -> memref<128x32xf32, #tpu.memory_space<vmem_shared>>
        tpu.enqueue_dma source(%dma_start3A_152 : memref<128x32xf32, #tpu.memory_space<vmem_shared>>) target(%arg10 : memref<128x32xf32, #tpu.memory_space<vmem>>) target_semaphore(%run_scoped3A : memref<!tpu.dma_semaphore, #tpu.memory_space<semaphore_mem>>)
        %dma_wait3A = arith.constant 0 : i32
        %dma_wait3A_153 = tpu.memref_slice %arg5[%add3A_140, %dma_wait3A] : memref<16384x32xf32, #tpu.memory_space<vmem_shared>> -> memref<128x32xf32, #tpu.memory_space<vmem_shared>>
        %dma_wait3A_154 = arith.constant 0 : i32
        %dma_wait3A_155 = tpu.memref_slice %arg5[%add3A_140, %dma_wait3A_154] : memref<16384x32xf32, #tpu.memory_space<vmem_shared>> -> memref<128x32xf32, #tpu.memory_space<vmem_shared>>
        tpu.wait_dma2 semaphore(%run_scoped3A : memref<!tpu.dma_semaphore, #tpu.memory_space<semaphore_mem>>) src(%dma_wait3A_155 : memref<128x32xf32, #tpu.memory_space<vmem_shared>>) dst(%arg10 : memref<128x32xf32, #tpu.memory_space<vmem>>)
        tpu.yield
      }) : () -> ()
      %scan3A_141 = arith.constant 0 : i32
      %scan3A_142 = arith.constant 0 : i32
      %scan3A_143 = arith.constant 8 : i32
      %scan3A_144 = arith.addi %scan3A_142, %scan3A_143 : i32
      %scan3A_145 = arith.constant 1 : i32
      scf.for %scan3A_150 = %scan3A_142 to %scan3A_144 step %scan3A_145  : i32 {
        %mul3A_151 = arith.constant 128 : i32
        %mul3A_152 = arith.muli %scan3A_137, %mul3A_151 : i32
        %mul3A_153 = arith.constant 16 : i32
        %mul3A_154 = arith.muli %scan3A_150, %mul3A_153 : i32
        %add3A_155 = arith.addi %mul3A_152, %mul3A_154 : i32
        %get3A = arith.index_cast %add3A_155 : i32 to index
        %get3A_156 = tpu.vector_load %arg9[%get3A] {strides = array<i32>} : memref<1024xf32, #tpu.memory_space<vmem>>, vector<16xf32>,
        %get3A_157 = vector.shape_cast %get3A_156 : vector<16xf32> to vector<16xf32>
        %slice3A = vector.extract_strided_slice %get3A_157 {offsets = [0], sizes = [1], strides = [1]} : vector<16xf32> to vector<1xf32>
        %squeeze3A = vector.extract %slice3A[0] : f32 from vector<1xf32>
        %broadcast_in_dim3A_158 = vector.broadcast %squeeze3A : f32 to vector<16xf32>
        %mul3A_159 = arith.constant 16 : i32
        %mul3A_160 = arith.muli %scan3A_150, %mul3A_159 : i32
        %add3A_161 = arith.constant 0 : i32
        %add3A_162 = arith.addi %mul3A_160, %add3A_161 : i32
        %get3A_163 = arith.index_cast %add3A_162 : i32 to index
        %get3A_164 = arith.constant 0 : index
        %get3A_165 = tpu.vector_load %arg10[%get3A_163, %get3A_164] {strides = array<i32>} : memref<128x32xf32, #tpu.memory_space<vmem>>, vector<1x16xf32>,
        %get3A_166 = vector.shape_cast %get3A_165 : vector<1x16xf32> to vector<16xf32>
        %mul3A_167 = arith.mulf %get3A_166, %broadcast_in_dim3A_158 : vector<16xf32>
        %swap3A_168 = arith.index_cast %add3A_162 : i32 to index
        %swap3A_169 = arith.constant 0 : index
        %swap3A_170 = tpu.vector_load %arg10[%swap3A_168, %swap3A_169] {strides = array<i32>} : memref<128x32xf32, #tpu.memory_space<vmem>>, vector<1x16xf32>,
        %swap3A_171 = vector.shape_cast %swap3A_170 : vector<1x16xf32> to vector<16xf32>
        %swap3A_172 = vector.shape_cast %mul3A_167 : vector<16xf32> to vector<1x16xf32>
        tpu.vector_store %arg10[%swap3A_168, %swap3A_169], %swap3A_172 {strides = array<i32>} : memref<128x32xf32, #tpu.memory_space<vmem>>, vector<1x16xf32>,
        %get3A_173 = arith.index_cast %add3A_162 : i32 to index
        %get3A_174 = arith.constant 16 : index
        %get3A_175 = tpu.vector_load %arg10[%get3A_173, %get3A_174] {strides = array<i32>} : memref<128x32xf32, #tpu.memory_space<vmem>>, vector<1x16xf32>,
        %get3A_176 = vector.shape_cast %get3A_175 : vector<1x16xf32> to vector<16xf32>
        %mul3A_177 = arith.mulf %get3A_176, %broadcast_in_dim3A_158 : vector<16xf32>
        %swap3A_178 = arith.index_cast %add3A_162 : i32 to index
        %swap3A_179 = arith.constant 16 : index
        %swap3A_180 = tpu.vector_load %arg10[%swap3A_178, %swap3A_179] {strides = array<i32>} : memref<128x32xf32, #tpu.memory_space<vmem>>, vector<1x16xf32>,
        %swap3A_181 = vector.shape_cast %swap3A_180 : vector<1x16xf32> to vector<16xf32>
        %swap3A_182 = vector.shape_cast %mul3A_177 : vector<16xf32> to vector<1x16xf32>
        tpu.vector_store %arg10[%swap3A_178, %swap3A_179], %swap3A_182 {strides = array<i32>} : memref<128x32xf32, #tpu.memory_space<vmem>>, vector<1x16xf32>,
        %slice3A_183 = vector.extract_strided_slice %get3A_157 {offsets = [1], sizes = [1], strides = [1]} : vector<16xf32> to vector<1xf32>
        %squeeze3A_184 = vector.extract %slice3A_183[0] : f32 from vector<1xf32>
        %broadcast_in_dim3A_185 = vector.broadcast %squeeze3A_184 : f32 to vector<16xf32>
        %mul3A_186 = arith.constant 16 : i32
        %mul3A_187 = arith.muli %scan3A_150, %mul3A_186 : i32
        %add3A_188 = arith.constant 1 : i32
        %add3A_189 = arith.addi %mul3A_187, %add3A_188 : i32
        %get3A_190 = arith.index_cast %add3A_189 : i32 to index
        %get3A_191 = arith.constant 0 : index
        %get3A_192 = tpu.vector_load %arg10[%get3A_190, %get3A_191] {strides = array<i32>} : memref<128x32xf32, #tpu.memory_space<vmem>>, vector<1x16xf32>,
        %get3A_193 = vector.shape_cast %get3A_192 : vector<1x16xf32> to vector<16xf32>
        %mul3A_194 = arith.mulf %get3A_193, %broadcast_in_dim3A_185 : vector<16xf32>
        %swap3A_195 = arith.index_cast %add3A_189 : i32 to index
        %swap3A_196 = arith.constant 0 : index
        %swap3A_197 = tpu.vector_load %arg10[%swap3A_195, %swap3A_196] {strides = array<i32>} : memref<128x32xf32, #tpu.memory_space<vmem>>, vector<1x16xf32>,
        %swap3A_198 = vector.shape_cast %swap3A_197 : vector<1x16xf32> to vector<16xf32>
        %swap3A_199 = vector.shape_cast %mul3A_194 : vector<16xf32> to vector<1x16xf32>
        tpu.vector_store %arg10[%swap3A_195, %swap3A_196], %swap3A_199 {strides = array<i32>} : memref<128x32xf32, #tpu.memory_space<vmem>>, vector<1x16xf32>,
        %get3A_200 = arith.index_cast %add3A_189 : i32 to index
        %get3A_201 = arith.constant 16 : index
        %get3A_202 = tpu.vector_load %arg10[%get3A_200, %get3A_201] {strides = array<i32>} : memref<128x32xf32, #tpu.memory_space<vmem>>, vector<1x16xf32>,
        %get3A_203 = vector.shape_cast %get3A_202 : vector<1x16xf32> to vector<16xf32>
        %mul3A_204 = arith.mulf %get3A_203, %broadcast_in_dim3A_185 : vector<16xf32>
        %swap3A_205 = arith.index_cast %add3A_189 : i32 to index
        %swap3A_206 = arith.constant 16 : index
        %swap3A_207 = tpu.vector_load %arg10[%swap3A_205, %swap3A_206] {strides = array<i32>} : memref<128x32xf32, #tpu.memory_space<vmem>>, vector<1x16xf32>,
        %swap3A_208 = vector.shape_cast %swap3A_207 : vector<1x16xf32> to vector<16xf32>
        %swap3A_209 = vector.shape_cast %mul3A_204 : vector<16xf32> to vector<1x16xf32>
        tpu.vector_store %arg10[%swap3A_205, %swap3A_206], %swap3A_209 {strides = array<i32>} : memref<128x32xf32, #tpu.memory_space<vmem>>, vector<1x16xf32>,
        %slice3A_210 = vector.extract_strided_slice %get3A_157 {offsets = [2], sizes = [1], strides = [1]} : vector<16xf32> to vector<1xf32>
        %squeeze3A_211 = vector.extract %slice3A_210[0] : f32 from vector<1xf32>
        %broadcast_in_dim3A_212 = vector.broadcast %squeeze3A_211 : f32 to vector<16xf32>
        %mul3A_213 = arith.constant 16 : i32
        %mul3A_214 = arith.muli %scan3A_150, %mul3A_213 : i32
        %add3A_215 = arith.constant 2 : i32
        %add3A_216 = arith.addi %mul3A_214, %add3A_215 : i32
        %get3A_217 = arith.index_cast %add3A_216 : i32 to index
        %get3A_218 = arith.constant 0 : index
        %get3A_219 = tpu.vector_load %arg10[%get3A_217, %get3A_218] {strides = array<i32>} : memref<128x32xf32, #tpu.memory_space<vmem>>, vector<1x16xf32>,
        %get3A_220 = vector.shape_cast %get3A_219 : vector<1x16xf32> to vector<16xf32>
        %mul3A_221 = arith.mulf %get3A_220, %broadcast_in_dim3A_212 : vector<16xf32>
        %swap3A_222 = arith.index_cast %add3A_216 : i32 to index
        %swap3A_223 = arith.constant 0 : index
        %swap3A_224 = tpu.vector_load %arg10[%swap3A_222, %swap3A_223] {strides = array<i32>} : memref<128x32xf32, #tpu.memory_space<vmem>>, vector<1x16xf32>,
        %swap3A_225 = vector.shape_cast %swap3A_224 : vector<1x16xf32> to vector<16xf32>
        %swap3A_226 = vector.shape_cast %mul3A_221 : vector<16xf32> to vector<1x16xf32>
        tpu.vector_store %arg10[%swap3A_222, %swap3A_223], %swap3A_226 {strides = array<i32>} : memref<128x32xf32, #tpu.memory_space<vmem>>, vector<1x16xf32>,
        %get3A_227 = arith.index_cast %add3A_216 : i32 to index
        %get3A_228 = arith.constant 16 : index
        %get3A_229 = tpu.vector_load %arg10[%get3A_227, %get3A_228] {strides = array<i32>} : memref<128x32xf32, #tpu.memory_space<vmem>>, vector<1x16xf32>,
        %get3A_230 = vector.shape_cast %get3A_229 : vector<1x16xf32> to vector<16xf32>
        %mul3A_231 = arith.mulf %get3A_230, %broadcast_in_dim3A_212 : vector<16xf32>
        %swap3A_232 = arith.index_cast %add3A_216 : i32 to index
        %swap3A_233 = arith.constant 16 : index
        %swap3A_234 = tpu.vector_load %arg10[%swap3A_232, %swap3A_233] {strides = array<i32>} : memref<128x32xf32, #tpu.memory_space<vmem>>, vector<1x16xf32>,
        %swap3A_235 = vector.shape_cast %swap3A_234 : vector<1x16xf32> to vector<16xf32>
        %swap3A_236 = vector.shape_cast %mul3A_231 : vector<16xf32> to vector<1x16xf32>
        tpu.vector_store %arg10[%swap3A_232, %swap3A_233], %swap3A_236 {strides = array<i32>} : memref<128x32xf32, #tpu.memory_space<vmem>>, vector<1x16xf32>,
        %slice3A_237 = vector.extract_strided_slice %get3A_157 {offsets = [3], sizes = [1], strides = [1]} : vector<16xf32> to vector<1xf32>
        %squeeze3A_238 = vector.extract %slice3A_237[0] : f32 from vector<1xf32>
        %broadcast_in_dim3A_239 = vector.broadcast %squeeze3A_238 : f32 to vector<16xf32>
        %mul3A_240 = arith.constant 16 : i32
        %mul3A_241 = arith.muli %scan3A_150, %mul3A_240 : i32
        %add3A_242 = arith.constant 3 : i32
        %add3A_243 = arith.addi %mul3A_241, %add3A_242 : i32
        %get3A_244 = arith.index_cast %add3A_243 : i32 to index
        %get3A_245 = arith.constant 0 : index
        %get3A_246 = tpu.vector_load %arg10[%get3A_244, %get3A_245] {strides = array<i32>} : memref<128x32xf32, #tpu.memory_space<vmem>>, vector<1x16xf32>,
        %get3A_247 = vector.shape_cast %get3A_246 : vector<1x16xf32> to vector<16xf32>
        %mul3A_248 = arith.mulf %get3A_247, %broadcast_in_dim3A_239 : vector<16xf32>
        %swap3A_249 = arith.index_cast %add3A_243 : i32 to index
        %swap3A_250 = arith.constant 0 : index
        %swap3A_251 = tpu.vector_load %arg10[%swap3A_249, %swap3A_250] {strides = array<i32>} : memref<128x32xf32, #tpu.memory_space<vmem>>, vector<1x16xf32>,
        %swap3A_252 = vector.shape_cast %swap3A_251 : vector<1x16xf32> to vector<16xf32>
        %swap3A_253 = vector.shape_cast %mul3A_248 : vector<16xf32> to vector<1x16xf32>
        tpu.vector_store %arg10[%swap3A_249, %swap3A_250], %swap3A_253 {strides = array<i32>} : memref<128x32xf32, #tpu.memory_space<vmem>>, vector<1x16xf32>,
        %get3A_254 = arith.index_cast %add3A_243 : i32 to index
        %get3A_255 = arith.constant 16 : index
        %get3A_256 = tpu.vector_load %arg10[%get3A_254, %get3A_255] {strides = array<i32>} : memref<128x32xf32, #tpu.memory_space<vmem>>, vector<1x16xf32>,
        %get3A_257 = vector.shape_cast %get3A_256 : vector<1x16xf32> to vector<16xf32>
        %mul3A_258 = arith.mulf %get3A_257, %broadcast_in_dim3A_239 : vector<16xf32>
        %swap3A_259 = arith.index_cast %add3A_243 : i32 to index
        %swap3A_260 = arith.constant 16 : index
        %swap3A_261 = tpu.vector_load %arg10[%swap3A_259, %swap3A_260] {strides = array<i32>} : memref<128x32xf32, #tpu.memory_space<vmem>>, vector<1x16xf32>,
        %swap3A_262 = vector.shape_cast %swap3A_261 : vector<1x16xf32> to vector<16xf32>
        %swap3A_263 = vector.shape_cast %mul3A_258 : vector<16xf32> to vector<1x16xf32>
        tpu.vector_store %arg10[%swap3A_259, %swap3A_260], %swap3A_263 {strides = array<i32>} : memref<128x32xf32, #tpu.memory_space<vmem>>, vector<1x16xf32>,
        %slice3A_264 = vector.extract_strided_slice %get3A_157 {offsets = [4], sizes = [1], strides = [1]} : vector<16xf32> to vector<1xf32>
        %squeeze3A_265 = vector.extract %slice3A_264[0] : f32 from vector<1xf32>
        %broadcast_in_dim3A_266 = vector.broadcast %squeeze3A_265 : f32 to vector<16xf32>
        %mul3A_267 = arith.constant 16 : i32
        %mul3A_268 = arith.muli %scan3A_150, %mul3A_267 : i32
        %add3A_269 = arith.constant 4 : i32
        %add3A_270 = arith.addi %mul3A_268, %add3A_269 : i32
        %get3A_271 = arith.index_cast %add3A_270 : i32 to index
        %get3A_272 = arith.constant 0 : index
        %get3A_273 = tpu.vector_load %arg10[%get3A_271, %get3A_272] {strides = array<i32>} : memref<128x32xf32, #tpu.memory_space<vmem>>, vector<1x16xf32>,
        %get3A_274 = vector.shape_cast %get3A_273 : vector<1x16xf32> to vector<16xf32>
        %mul3A_275 = arith.mulf %get3A_274, %broadcast_in_dim3A_266 : vector<16xf32>
        %swap3A_276 = arith.index_cast %add3A_270 : i32 to index
        %swap3A_277 = arith.constant 0 : index
        %swap3A_278 = tpu.vector_load %arg10[%swap3A_276, %swap3A_277] {strides = array<i32>} : memref<128x32xf32, #tpu.memory_space<vmem>>, vector<1x16xf32>,
        %swap3A_279 = vector.shape_cast %swap3A_278 : vector<1x16xf32> to vector<16xf32>
        %swap3A_280 = vector.shape_cast %mul3A_275 : vector<16xf32> to vector<1x16xf32>
        tpu.vector_store %arg10[%swap3A_276, %swap3A_277], %swap3A_280 {strides = array<i32>} : memref<128x32xf32, #tpu.memory_space<vmem>>, vector<1x16xf32>,
        %get3A_281 = arith.index_cast %add3A_270 : i32 to index
        %get3A_282 = arith.constant 16 : index
        %get3A_283 = tpu.vector_load %arg10[%get3A_281, %get3A_282] {strides = array<i32>} : memref<128x32xf32, #tpu.memory_space<vmem>>, vector<1x16xf32>,
        %get3A_284 = vector.shape_cast %get3A_283 : vector<1x16xf32> to vector<16xf32>
        %mul3A_285 = arith.mulf %get3A_284, %broadcast_in_dim3A_266 : vector<16xf32>
        %swap3A_286 = arith.index_cast %add3A_270 : i32 to index
        %swap3A_287 = arith.constant 16 : index
        %swap3A_288 = tpu.vector_load %arg10[%swap3A_286, %swap3A_287] {strides = array<i32>} : memref<128x32xf32, #tpu.memory_space<vmem>>, vector<1x16xf32>,
        %swap3A_289 = vector.shape_cast %swap3A_288 : vector<1x16xf32> to vector<16xf32>
        %swap3A_290 = vector.shape_cast %mul3A_285 : vector<16xf32> to vector<1x16xf32>
        tpu.vector_store %arg10[%swap3A_286, %swap3A_287], %swap3A_290 {strides = array<i32>} : memref<128x32xf32, #tpu.memory_space<vmem>>, vector<1x16xf32>,
        %slice3A_291 = vector.extract_strided_slice %get3A_157 {offsets = [5], sizes = [1], strides = [1]} : vector<16xf32> to vector<1xf32>
        %squeeze3A_292 = vector.extract %slice3A_291[0] : f32 from vector<1xf32>
        %broadcast_in_dim3A_293 = vector.broadcast %squeeze3A_292 : f32 to vector<16xf32>
        %mul3A_294 = arith.constant 16 : i32
        %mul3A_295 = arith.muli %scan3A_150, %mul3A_294 : i32
        %add3A_296 = arith.constant 5 : i32
        %add3A_297 = arith.addi %mul3A_295, %add3A_296 : i32
        %get3A_298 = arith.index_cast %add3A_297 : i32 to index
        %get3A_299 = arith.constant 0 : index
        %get3A_300 = tpu.vector_load %arg10[%get3A_298, %get3A_299] {strides = array<i32>} : memref<128x32xf32, #tpu.memory_space<vmem>>, vector<1x16xf32>,
        %get3A_301 = vector.shape_cast %get3A_300 : vector<1x16xf32> to vector<16xf32>
        %mul3A_302 = arith.mulf %get3A_301, %broadcast_in_dim3A_293 : vector<16xf32>
        %swap3A_303 = arith.index_cast %add3A_297 : i32 to index
        %swap3A_304 = arith.constant 0 : index
        %swap3A_305 = tpu.vector_load %arg10[%swap3A_303, %swap3A_304] {strides = array<i32>} : memref<128x32xf32, #tpu.memory_space<vmem>>, vector<1x16xf32>,
        %swap3A_306 = vector.shape_cast %swap3A_305 : vector<1x16xf32> to vector<16xf32>
        %swap3A_307 = vector.shape_cast %mul3A_302 : vector<16xf32> to vector<1x16xf32>
        tpu.vector_store %arg10[%swap3A_303, %swap3A_304], %swap3A_307 {strides = array<i32>} : memref<128x32xf32, #tpu.memory_space<vmem>>, vector<1x16xf32>,
        %get3A_308 = arith.index_cast %add3A_297 : i32 to index
        %get3A_309 = arith.constant 16 : index
        %get3A_310 = tpu.vector_load %arg10[%get3A_308, %get3A_309] {strides = array<i32>} : memref<128x32xf32, #tpu.memory_space<vmem>>, vector<1x16xf32>,
        %get3A_311 = vector.shape_cast %get3A_310 : vector<1x16xf32> to vector<16xf32>
        %mul3A_312 = arith.mulf %get3A_311, %broadcast_in_dim3A_293 : vector<16xf32>
        %swap3A_313 = arith.index_cast %add3A_297 : i32 to index
        %swap3A_314 = arith.constant 16 : index
        %swap3A_315 = tpu.vector_load %arg10[%swap3A_313, %swap3A_314] {strides = array<i32>} : memref<128x32xf32, #tpu.memory_space<vmem>>, vector<1x16xf32>,
        %swap3A_316 = vector.shape_cast %swap3A_315 : vector<1x16xf32> to vector<16xf32>
        %swap3A_317 = vector.shape_cast %mul3A_312 : vector<16xf32> to vector<1x16xf32>
        tpu.vector_store %arg10[%swap3A_313, %swap3A_314], %swap3A_317 {strides = array<i32>} : memref<128x32xf32, #tpu.memory_space<vmem>>, vector<1x16xf32>,
        %slice3A_318 = vector.extract_strided_slice %get3A_157 {offsets = [6], sizes = [1], strides = [1]} : vector<16xf32> to vector<1xf32>
        %squeeze3A_319 = vector.extract %slice3A_318[0] : f32 from vector<1xf32>
        %broadcast_in_dim3A_320 = vector.broadcast %squeeze3A_319 : f32 to vector<16xf32>
        %mul3A_321 = arith.constant 16 : i32
        %mul3A_322 = arith.muli %scan3A_150, %mul3A_321 : i32
        %add3A_323 = arith.constant 6 : i32
        %add3A_324 = arith.addi %mul3A_322, %add3A_323 : i32
        %get3A_325 = arith.index_cast %add3A_324 : i32 to index
        %get3A_326 = arith.constant 0 : index
        %get3A_327 = tpu.vector_load %arg10[%get3A_325, %get3A_326] {strides = array<i32>} : memref<128x32xf32, #tpu.memory_space<vmem>>, vector<1x16xf32>,
        %get3A_328 = vector.shape_cast %get3A_327 : vector<1x16xf32> to vector<16xf32>
        %mul3A_329 = arith.mulf %get3A_328, %broadcast_in_dim3A_320 : vector<16xf32>
        %swap3A_330 = arith.index_cast %add3A_324 : i32 to index
        %swap3A_331 = arith.constant 0 : index
        %swap3A_332 = tpu.vector_load %arg10[%swap3A_330, %swap3A_331] {strides = array<i32>} : memref<128x32xf32, #tpu.memory_space<vmem>>, vector<1x16xf32>,
        %swap3A_333 = vector.shape_cast %swap3A_332 : vector<1x16xf32> to vector<16xf32>
        %swap3A_334 = vector.shape_cast %mul3A_329 : vector<16xf32> to vector<1x16xf32>
        tpu.vector_store %arg10[%swap3A_330, %swap3A_331], %swap3A_334 {strides = array<i32>} : memref<128x32xf32, #tpu.memory_space<vmem>>, vector<1x16xf32>,
        %get3A_335 = arith.index_cast %add3A_324 : i32 to index
        %get3A_336 = arith.constant 16 : index
        %get3A_337 = tpu.vector_load %arg10[%get3A_335, %get3A_336] {strides = array<i32>} : memref<128x32xf32, #tpu.memory_space<vmem>>, vector<1x16xf32>,
        %get3A_338 = vector.shape_cast %get3A_337 : vector<1x16xf32> to vector<16xf32>
        %mul3A_339 = arith.mulf %get3A_338, %broadcast_in_dim3A_320 : vector<16xf32>
        %swap3A_340 = arith.index_cast %add3A_324 : i32 to index
        %swap3A_341 = arith.constant 16 : index
        %swap3A_342 = tpu.vector_load %arg10[%swap3A_340, %swap3A_341] {strides = array<i32>} : memref<128x32xf32, #tpu.memory_space<vmem>>, vector<1x16xf32>,
        %swap3A_343 = vector.shape_cast %swap3A_342 : vector<1x16xf32> to vector<16xf32>
        %swap3A_344 = vector.shape_cast %mul3A_339 : vector<16xf32> to vector<1x16xf32>
        tpu.vector_store %arg10[%swap3A_340, %swap3A_341], %swap3A_344 {strides = array<i32>} : memref<128x32xf32, #tpu.memory_space<vmem>>, vector<1x16xf32>,
        %slice3A_345 = vector.extract_strided_slice %get3A_157 {offsets = [7], sizes = [1], strides = [1]} : vector<16xf32> to vector<1xf32>
        %squeeze3A_346 = vector.extract %slice3A_345[0] : f32 from vector<1xf32>
        %broadcast_in_dim3A_347 = vector.broadcast %squeeze3A_346 : f32 to vector<16xf32>
        %mul3A_348 = arith.constant 16 : i32
        %mul3A_349 = arith.muli %scan3A_150, %mul3A_348 : i32
        %add3A_350 = arith.constant 7 : i32
        %add3A_351 = arith.addi %mul3A_349, %add3A_350 : i32
        %get3A_352 = arith.index_cast %add3A_351 : i32 to index
        %get3A_353 = arith.constant 0 : index
        %get3A_354 = tpu.vector_load %arg10[%get3A_352, %get3A_353] {strides = array<i32>} : memref<128x32xf32, #tpu.memory_space<vmem>>, vector<1x16xf32>,
        %get3A_355 = vector.shape_cast %get3A_354 : vector<1x16xf32> to vector<16xf32>
        %mul3A_356 = arith.mulf %get3A_355, %broadcast_in_dim3A_347 : vector<16xf32>
        %swap3A_357 = arith.index_cast %add3A_351 : i32 to index
        %swap3A_358 = arith.constant 0 : index
        %swap3A_359 = tpu.vector_load %arg10[%swap3A_357, %swap3A_358] {strides = array<i32>} : memref<128x32xf32, #tpu.memory_space<vmem>>, vector<1x16xf32>,
        %swap3A_360 = vector.shape_cast %swap3A_359 : vector<1x16xf32> to vector<16xf32>
        %swap3A_361 = vector.shape_cast %mul3A_356 : vector<16xf32> to vector<1x16xf32>
        tpu.vector_store %arg10[%swap3A_357, %swap3A_358], %swap3A_361 {strides = array<i32>} : memref<128x32xf32, #tpu.memory_space<vmem>>, vector<1x16xf32>,
        %get3A_362 = arith.index_cast %add3A_351 : i32 to index
        %get3A_363 = arith.constant 16 : index
        %get3A_364 = tpu.vector_load %arg10[%get3A_362, %get3A_363] {strides = array<i32>} : memref<128x32xf32, #tpu.memory_space<vmem>>, vector<1x16xf32>,
        %get3A_365 = vector.shape_cast %get3A_364 : vector<1x16xf32> to vector<16xf32>
        %mul3A_366 = arith.mulf %get3A_365, %broadcast_in_dim3A_347 : vector<16xf32>
        %swap3A_367 = arith.index_cast %add3A_351 : i32 to index
        %swap3A_368 = arith.constant 16 : index
        %swap3A_369 = tpu.vector_load %arg10[%swap3A_367, %swap3A_368] {strides = array<i32>} : memref<128x32xf32, #tpu.memory_space<vmem>>, vector<1x16xf32>,
        %swap3A_370 = vector.shape_cast %swap3A_369 : vector<1x16xf32> to vector<16xf32>
        %swap3A_371 = vector.shape_cast %mul3A_366 : vector<16xf32> to vector<1x16xf32>
        tpu.vector_store %arg10[%swap3A_367, %swap3A_368], %swap3A_371 {strides = array<i32>} : memref<128x32xf32, #tpu.memory_space<vmem>>, vector<1x16xf32>,
        %slice3A_372 = vector.extract_strided_slice %get3A_157 {offsets = [8], sizes = [1], strides = [1]} : vector<16xf32> to vector<1xf32>
        %squeeze3A_373 = vector.extract %slice3A_372[0] : f32 from vector<1xf32>
        %broadcast_in_dim3A_374 = vector.broadcast %squeeze3A_373 : f32 to vector<16xf32>
        %mul3A_375 = arith.constant 16 : i32
        %mul3A_376 = arith.muli %scan3A_150, %mul3A_375 : i32
        %add3A_377 = arith.constant 8 : i32
        %add3A_378 = arith.addi %mul3A_376, %add3A_377 : i32
        %get3A_379 = arith.index_cast %add3A_378 : i32 to index
        %get3A_380 = arith.constant 0 : index
        %get3A_381 = tpu.vector_load %arg10[%get3A_379, %get3A_380] {strides = array<i32>} : memref<128x32xf32, #tpu.memory_space<vmem>>, vector<1x16xf32>,
        %get3A_382 = vector.shape_cast %get3A_381 : vector<1x16xf32> to vector<16xf32>
        %mul3A_383 = arith.mulf %get3A_382, %broadcast_in_dim3A_374 : vector<16xf32>
        %swap3A_384 = arith.index_cast %add3A_378 : i32 to index
        %swap3A_385 = arith.constant 0 : index
        %swap3A_386 = tpu.vector_load %arg10[%swap3A_384, %swap3A_385] {strides = array<i32>} : memref<128x32xf32, #tpu.memory_space<vmem>>, vector<1x16xf32>,
        %swap3A_387 = vector.shape_cast %swap3A_386 : vector<1x16xf32> to vector<16xf32>
        %swap3A_388 = vector.shape_cast %mul3A_383 : vector<16xf32> to vector<1x16xf32>
        tpu.vector_store %arg10[%swap3A_384, %swap3A_385], %swap3A_388 {strides = array<i32>} : memref<128x32xf32, #tpu.memory_space<vmem>>, vector<1x16xf32>,
        %get3A_389 = arith.index_cast %add3A_378 : i32 to index
        %get3A_390 = arith.constant 16 : index
        %get3A_391 = tpu.vector_load %arg10[%get3A_389, %get3A_390] {strides = array<i32>} : memref<128x32xf32, #tpu.memory_space<vmem>>, vector<1x16xf32>,
        %get3A_392 = vector.shape_cast %get3A_391 : vector<1x16xf32> to vector<16xf32>
        %mul3A_393 = arith.mulf %get3A_392, %broadcast_in_dim3A_374 : vector<16xf32>
        %swap3A_394 = arith.index_cast %add3A_378 : i32 to index
        %swap3A_395 = arith.constant 16 : index
        %swap3A_396 = tpu.vector_load %arg10[%swap3A_394, %swap3A_395] {strides = array<i32>} : memref<128x32xf32, #tpu.memory_space<vmem>>, vector<1x16xf32>,
        %swap3A_397 = vector.shape_cast %swap3A_396 : vector<1x16xf32> to vector<16xf32>
        %swap3A_398 = vector.shape_cast %mul3A_393 : vector<16xf32> to vector<1x16xf32>
        tpu.vector_store %arg10[%swap3A_394, %swap3A_395], %swap3A_398 {strides = array<i32>} : memref<128x32xf32, #tpu.memory_space<vmem>>, vector<1x16xf32>,
        %slice3A_399 = vector.extract_strided_slice %get3A_157 {offsets = [9], sizes = [1], strides = [1]} : vector<16xf32> to vector<1xf32>
        %squeeze3A_400 = vector.extract %slice3A_399[0] : f32 from vector<1xf32>
        %broadcast_in_dim3A_401 = vector.broadcast %squeeze3A_400 : f32 to vector<16xf32>
        %mul3A_402 = arith.constant 16 : i32
        %mul3A_403 = arith.muli %scan3A_150, %mul3A_402 : i32
        %add3A_404 = arith.constant 9 : i32
        %add3A_405 = arith.addi %mul3A_403, %add3A_404 : i32
        %get3A_406 = arith.index_cast %add3A_405 : i32 to index
        %get3A_407 = arith.constant 0 : index
        %get3A_408 = tpu.vector_load %arg10[%get3A_406, %get3A_407] {strides = array<i32>} : memref<128x32xf32, #tpu.memory_space<vmem>>, vector<1x16xf32>,
        %get3A_409 = vector.shape_cast %get3A_408 : vector<1x16xf32> to vector<16xf32>
        %mul3A_410 = arith.mulf %get3A_409, %broadcast_in_dim3A_401 : vector<16xf32>
        %swap3A_411 = arith.index_cast %add3A_405 : i32 to index
        %swap3A_412 = arith.constant 0 : index
        %swap3A_413 = tpu.vector_load %arg10[%swap3A_411, %swap3A_412] {strides = array<i32>} : memref<128x32xf32, #tpu.memory_space<vmem>>, vector<1x16xf32>,
        %swap3A_414 = vector.shape_cast %swap3A_413 : vector<1x16xf32> to vector<16xf32>
        %swap3A_415 = vector.shape_cast %mul3A_410 : vector<16xf32> to vector<1x16xf32>
        tpu.vector_store %arg10[%swap3A_411, %swap3A_412], %swap3A_415 {strides = array<i32>} : memref<128x32xf32, #tpu.memory_space<vmem>>, vector<1x16xf32>,
        %get3A_416 = arith.index_cast %add3A_405 : i32 to index
        %get3A_417 = arith.constant 16 : index
        %get3A_418 = tpu.vector_load %arg10[%get3A_416, %get3A_417] {strides = array<i32>} : memref<128x32xf32, #tpu.memory_space<vmem>>, vector<1x16xf32>,
        %get3A_419 = vector.shape_cast %get3A_418 : vector<1x16xf32> to vector<16xf32>
        %mul3A_420 = arith.mulf %get3A_419, %broadcast_in_dim3A_401 : vector<16xf32>
        %swap3A_421 = arith.index_cast %add3A_405 : i32 to index
        %swap3A_422 = arith.constant 16 : index
        %swap3A_423 = tpu.vector_load %arg10[%swap3A_421, %swap3A_422] {strides = array<i32>} : memref<128x32xf32, #tpu.memory_space<vmem>>, vector<1x16xf32>,
        %swap3A_424 = vector.shape_cast %swap3A_423 : vector<1x16xf32> to vector<16xf32>
        %swap3A_425 = vector.shape_cast %mul3A_420 : vector<16xf32> to vector<1x16xf32>
        tpu.vector_store %arg10[%swap3A_421, %swap3A_422], %swap3A_425 {strides = array<i32>} : memref<128x32xf32, #tpu.memory_space<vmem>>, vector<1x16xf32>,
        %slice3A_426 = vector.extract_strided_slice %get3A_157 {offsets = [10], sizes = [1], strides = [1]} : vector<16xf32> to vector<1xf32>
        %squeeze3A_427 = vector.extract %slice3A_426[0] : f32 from vector<1xf32>
        %broadcast_in_dim3A_428 = vector.broadcast %squeeze3A_427 : f32 to vector<16xf32>
        %mul3A_429 = arith.constant 16 : i32
        %mul3A_430 = arith.muli %scan3A_150, %mul3A_429 : i32
        %add3A_431 = arith.constant 10 : i32
        %add3A_432 = arith.addi %mul3A_430, %add3A_431 : i32
        %get3A_433 = arith.index_cast %add3A_432 : i32 to index
        %get3A_434 = arith.constant 0 : index
        %get3A_435 = tpu.vector_load %arg10[%get3A_433, %get3A_434] {strides = array<i32>} : memref<128x32xf32, #tpu.memory_space<vmem>>, vector<1x16xf32>,
        %get3A_436 = vector.shape_cast %get3A_435 : vector<1x16xf32> to vector<16xf32>
        %mul3A_437 = arith.mulf %get3A_436, %broadcast_in_dim3A_428 : vector<16xf32>
        %swap3A_438 = arith.index_cast %add3A_432 : i32 to index
        %swap3A_439 = arith.constant 0 : index
        %swap3A_440 = tpu.vector_load %arg10[%swap3A_438, %swap3A_439] {strides = array<i32>} : memref<128x32xf32, #tpu.memory_space<vmem>>, vector<1x16xf32>,
        %swap3A_441 = vector.shape_cast %swap3A_440 : vector<1x16xf32> to vector<16xf32>
        %swap3A_442 = vector.shape_cast %mul3A_437 : vector<16xf32> to vector<1x16xf32>
        tpu.vector_store %arg10[%swap3A_438, %swap3A_439], %swap3A_442 {strides = array<i32>} : memref<128x32xf32, #tpu.memory_space<vmem>>, vector<1x16xf32>,
        %get3A_443 = arith.index_cast %add3A_432 : i32 to index
        %get3A_444 = arith.constant 16 : index
        %get3A_445 = tpu.vector_load %arg10[%get3A_443, %get3A_444] {strides = array<i32>} : memref<128x32xf32, #tpu.memory_space<vmem>>, vector<1x16xf32>,
        %get3A_446 = vector.shape_cast %get3A_445 : vector<1x16xf32> to vector<16xf32>
        %mul3A_447 = arith.mulf %get3A_446, %broadcast_in_dim3A_428 : vector<16xf32>
        %swap3A_448 = arith.index_cast %add3A_432 : i32 to index
        %swap3A_449 = arith.constant 16 : index
        %swap3A_450 = tpu.vector_load %arg10[%swap3A_448, %swap3A_449] {strides = array<i32>} : memref<128x32xf32, #tpu.memory_space<vmem>>, vector<1x16xf32>,
        %swap3A_451 = vector.shape_cast %swap3A_450 : vector<1x16xf32> to vector<16xf32>
        %swap3A_452 = vector.shape_cast %mul3A_447 : vector<16xf32> to vector<1x16xf32>
        tpu.vector_store %arg10[%swap3A_448, %swap3A_449], %swap3A_452 {strides = array<i32>} : memref<128x32xf32, #tpu.memory_space<vmem>>, vector<1x16xf32>,
        %slice3A_453 = vector.extract_strided_slice %get3A_157 {offsets = [11], sizes = [1], strides = [1]} : vector<16xf32> to vector<1xf32>
        %squeeze3A_454 = vector.extract %slice3A_453[0] : f32 from vector<1xf32>
        %broadcast_in_dim3A_455 = vector.broadcast %squeeze3A_454 : f32 to vector<16xf32>
        %mul3A_456 = arith.constant 16 : i32
        %mul3A_457 = arith.muli %scan3A_150, %mul3A_456 : i32
        %add3A_458 = arith.constant 11 : i32
        %add3A_459 = arith.addi %mul3A_457, %add3A_458 : i32
        %get3A_460 = arith.index_cast %add3A_459 : i32 to index
        %get3A_461 = arith.constant 0 : index
        %get3A_462 = tpu.vector_load %arg10[%get3A_460, %get3A_461] {strides = array<i32>} : memref<128x32xf32, #tpu.memory_space<vmem>>, vector<1x16xf32>,
        %get3A_463 = vector.shape_cast %get3A_462 : vector<1x16xf32> to vector<16xf32>
        %mul3A_464 = arith.mulf %get3A_463, %broadcast_in_dim3A_455 : vector<16xf32>
        %swap3A_465 = arith.index_cast %add3A_459 : i32 to index
        %swap3A_466 = arith.constant 0 : index
        %swap3A_467 = tpu.vector_load %arg10[%swap3A_465, %swap3A_466] {strides = array<i32>} : memref<128x32xf32, #tpu.memory_space<vmem>>, vector<1x16xf32>,
        %swap3A_468 = vector.shape_cast %swap3A_467 : vector<1x16xf32> to vector<16xf32>
        %swap3A_469 = vector.shape_cast %mul3A_464 : vector<16xf32> to vector<1x16xf32>
        tpu.vector_store %arg10[%swap3A_465, %swap3A_466], %swap3A_469 {strides = array<i32>} : memref<128x32xf32, #tpu.memory_space<vmem>>, vector<1x16xf32>,
        %get3A_470 = arith.index_cast %add3A_459 : i32 to index
        %get3A_471 = arith.constant 16 : index
        %get3A_472 = tpu.vector_load %arg10[%get3A_470, %get3A_471] {strides = array<i32>} : memref<128x32xf32, #tpu.memory_space<vmem>>, vector<1x16xf32>,
        %get3A_473 = vector.shape_cast %get3A_472 : vector<1x16xf32> to vector<16xf32>
        %mul3A_474 = arith.mulf %get3A_473, %broadcast_in_dim3A_455 : vector<16xf32>
        %swap3A_475 = arith.index_cast %add3A_459 : i32 to index
        %swap3A_476 = arith.constant 16 : index
        %swap3A_477 = tpu.vector_load %arg10[%swap3A_475, %swap3A_476] {strides = array<i32>} : memref<128x32xf32, #tpu.memory_space<vmem>>, vector<1x16xf32>,
        %swap3A_478 = vector.shape_cast %swap3A_477 : vector<1x16xf32> to vector<16xf32>
        %swap3A_479 = vector.shape_cast %mul3A_474 : vector<16xf32> to vector<1x16xf32>
        tpu.vector_store %arg10[%swap3A_475, %swap3A_476], %swap3A_479 {strides = array<i32>} : memref<128x32xf32, #tpu.memory_space<vmem>>, vector<1x16xf32>,
        %slice3A_480 = vector.extract_strided_slice %get3A_157 {offsets = [12], sizes = [1], strides = [1]} : vector<16xf32> to vector<1xf32>
        %squeeze3A_481 = vector.extract %slice3A_480[0] : f32 from vector<1xf32>
        %broadcast_in_dim3A_482 = vector.broadcast %squeeze3A_481 : f32 to vector<16xf32>
        %mul3A_483 = arith.constant 16 : i32
        %mul3A_484 = arith.muli %scan3A_150, %mul3A_483 : i32
        %add3A_485 = arith.constant 12 : i32
        %add3A_486 = arith.addi %mul3A_484, %add3A_485 : i32
        %get3A_487 = arith.index_cast %add3A_486 : i32 to index
        %get3A_488 = arith.constant 0 : index
        %get3A_489 = tpu.vector_load %arg10[%get3A_487, %get3A_488] {strides = array<i32>} : memref<128x32xf32, #tpu.memory_space<vmem>>, vector<1x16xf32>,
        %get3A_490 = vector.shape_cast %get3A_489 : vector<1x16xf32> to vector<16xf32>
        %mul3A_491 = arith.mulf %get3A_490, %broadcast_in_dim3A_482 : vector<16xf32>
        %swap3A_492 = arith.index_cast %add3A_486 : i32 to index
        %swap3A_493 = arith.constant 0 : index
        %swap3A_494 = tpu.vector_load %arg10[%swap3A_492, %swap3A_493] {strides = array<i32>} : memref<128x32xf32, #tpu.memory_space<vmem>>, vector<1x16xf32>,
        %swap3A_495 = vector.shape_cast %swap3A_494 : vector<1x16xf32> to vector<16xf32>
        %swap3A_496 = vector.shape_cast %mul3A_491 : vector<16xf32> to vector<1x16xf32>
        tpu.vector_store %arg10[%swap3A_492, %swap3A_493], %swap3A_496 {strides = array<i32>} : memref<128x32xf32, #tpu.memory_space<vmem>>, vector<1x16xf32>,
        %get3A_497 = arith.index_cast %add3A_486 : i32 to index
        %get3A_498 = arith.constant 16 : index
        %get3A_499 = tpu.vector_load %arg10[%get3A_497, %get3A_498] {strides = array<i32>} : memref<128x32xf32, #tpu.memory_space<vmem>>, vector<1x16xf32>,
        %get3A_500 = vector.shape_cast %get3A_499 : vector<1x16xf32> to vector<16xf32>
        %mul3A_501 = arith.mulf %get3A_500, %broadcast_in_dim3A_482 : vector<16xf32>
        %swap3A_502 = arith.index_cast %add3A_486 : i32 to index
        %swap3A_503 = arith.constant 16 : index
        %swap3A_504 = tpu.vector_load %arg10[%swap3A_502, %swap3A_503] {strides = array<i32>} : memref<128x32xf32, #tpu.memory_space<vmem>>, vector<1x16xf32>,
        %swap3A_505 = vector.shape_cast %swap3A_504 : vector<1x16xf32> to vector<16xf32>
        %swap3A_506 = vector.shape_cast %mul3A_501 : vector<16xf32> to vector<1x16xf32>
        tpu.vector_store %arg10[%swap3A_502, %swap3A_503], %swap3A_506 {strides = array<i32>} : memref<128x32xf32, #tpu.memory_space<vmem>>, vector<1x16xf32>,
        %slice3A_507 = vector.extract_strided_slice %get3A_157 {offsets = [13], sizes = [1], strides = [1]} : vector<16xf32> to vector<1xf32>
        %squeeze3A_508 = vector.extract %slice3A_507[0] : f32 from vector<1xf32>
        %broadcast_in_dim3A_509 = vector.broadcast %squeeze3A_508 : f32 to vector<16xf32>
        %mul3A_510 = arith.constant 16 : i32
        %mul3A_511 = arith.muli %scan3A_150, %mul3A_510 : i32
        %add3A_512 = arith.constant 13 : i32
        %add3A_513 = arith.addi %mul3A_511, %add3A_512 : i32
        %get3A_514 = arith.index_cast %add3A_513 : i32 to index
        %get3A_515 = arith.constant 0 : index
        %get3A_516 = tpu.vector_load %arg10[%get3A_514, %get3A_515] {strides = array<i32>} : memref<128x32xf32, #tpu.memory_space<vmem>>, vector<1x16xf32>,
        %get3A_517 = vector.shape_cast %get3A_516 : vector<1x16xf32> to vector<16xf32>
        %mul3A_518 = arith.mulf %get3A_517, %broadcast_in_dim3A_509 : vector<16xf32>
        %swap3A_519 = arith.index_cast %add3A_513 : i32 to index
        %swap3A_520 = arith.constant 0 : index
        %swap3A_521 = tpu.vector_load %arg10[%swap3A_519, %swap3A_520] {strides = array<i32>} : memref<128x32xf32, #tpu.memory_space<vmem>>, vector<1x16xf32>,
        %swap3A_522 = vector.shape_cast %swap3A_521 : vector<1x16xf32> to vector<16xf32>
        %swap3A_523 = vector.shape_cast %mul3A_518 : vector<16xf32> to vector<1x16xf32>
        tpu.vector_store %arg10[%swap3A_519, %swap3A_520], %swap3A_523 {strides = array<i32>} : memref<128x32xf32, #tpu.memory_space<vmem>>, vector<1x16xf32>,
        %get3A_524 = arith.index_cast %add3A_513 : i32 to index
        %get3A_525 = arith.constant 16 : index
        %get3A_526 = tpu.vector_load %arg10[%get3A_524, %get3A_525] {strides = array<i32>} : memref<128x32xf32, #tpu.memory_space<vmem>>, vector<1x16xf32>,
        %get3A_527 = vector.shape_cast %get3A_526 : vector<1x16xf32> to vector<16xf32>
        %mul3A_528 = arith.mulf %get3A_527, %broadcast_in_dim3A_509 : vector<16xf32>
        %swap3A_529 = arith.index_cast %add3A_513 : i32 to index
        %swap3A_530 = arith.constant 16 : index
        %swap3A_531 = tpu.vector_load %arg10[%swap3A_529, %swap3A_530] {strides = array<i32>} : memref<128x32xf32, #tpu.memory_space<vmem>>, vector<1x16xf32>,
        %swap3A_532 = vector.shape_cast %swap3A_531 : vector<1x16xf32> to vector<16xf32>
        %swap3A_533 = vector.shape_cast %mul3A_528 : vector<16xf32> to vector<1x16xf32>
        tpu.vector_store %arg10[%swap3A_529, %swap3A_530], %swap3A_533 {strides = array<i32>} : memref<128x32xf32, #tpu.memory_space<vmem>>, vector<1x16xf32>,
        %slice3A_534 = vector.extract_strided_slice %get3A_157 {offsets = [14], sizes = [1], strides = [1]} : vector<16xf32> to vector<1xf32>
        %squeeze3A_535 = vector.extract %slice3A_534[0] : f32 from vector<1xf32>
        %broadcast_in_dim3A_536 = vector.broadcast %squeeze3A_535 : f32 to vector<16xf32>
        %mul3A_537 = arith.constant 16 : i32
        %mul3A_538 = arith.muli %scan3A_150, %mul3A_537 : i32
        %add3A_539 = arith.constant 14 : i32
        %add3A_540 = arith.addi %mul3A_538, %add3A_539 : i32
        %get3A_541 = arith.index_cast %add3A_540 : i32 to index
        %get3A_542 = arith.constant 0 : index
        %get3A_543 = tpu.vector_load %arg10[%get3A_541, %get3A_542] {strides = array<i32>} : memref<128x32xf32, #tpu.memory_space<vmem>>, vector<1x16xf32>,
        %get3A_544 = vector.shape_cast %get3A_543 : vector<1x16xf32> to vector<16xf32>
        %mul3A_545 = arith.mulf %get3A_544, %broadcast_in_dim3A_536 : vector<16xf32>
        %swap3A_546 = arith.index_cast %add3A_540 : i32 to index
        %swap3A_547 = arith.constant 0 : index
        %swap3A_548 = tpu.vector_load %arg10[%swap3A_546, %swap3A_547] {strides = array<i32>} : memref<128x32xf32, #tpu.memory_space<vmem>>, vector<1x16xf32>,
        %swap3A_549 = vector.shape_cast %swap3A_548 : vector<1x16xf32> to vector<16xf32>
        %swap3A_550 = vector.shape_cast %mul3A_545 : vector<16xf32> to vector<1x16xf32>
        tpu.vector_store %arg10[%swap3A_546, %swap3A_547], %swap3A_550 {strides = array<i32>} : memref<128x32xf32, #tpu.memory_space<vmem>>, vector<1x16xf32>,
        %get3A_551 = arith.index_cast %add3A_540 : i32 to index
        %get3A_552 = arith.constant 16 : index
        %get3A_553 = tpu.vector_load %arg10[%get3A_551, %get3A_552] {strides = array<i32>} : memref<128x32xf32, #tpu.memory_space<vmem>>, vector<1x16xf32>,
        %get3A_554 = vector.shape_cast %get3A_553 : vector<1x16xf32> to vector<16xf32>
        %mul3A_555 = arith.mulf %get3A_554, %broadcast_in_dim3A_536 : vector<16xf32>
        %swap3A_556 = arith.index_cast %add3A_540 : i32 to index
        %swap3A_557 = arith.constant 16 : index
        %swap3A_558 = tpu.vector_load %arg10[%swap3A_556, %swap3A_557] {strides = array<i32>} : memref<128x32xf32, #tpu.memory_space<vmem>>, vector<1x16xf32>,
        %swap3A_559 = vector.shape_cast %swap3A_558 : vector<1x16xf32> to vector<16xf32>
        %swap3A_560 = vector.shape_cast %mul3A_555 : vector<16xf32> to vector<1x16xf32>
        tpu.vector_store %arg10[%swap3A_556, %swap3A_557], %swap3A_560 {strides = array<i32>} : memref<128x32xf32, #tpu.memory_space<vmem>>, vector<1x16xf32>,
        %slice3A_561 = vector.extract_strided_slice %get3A_157 {offsets = [15], sizes = [1], strides = [1]} : vector<16xf32> to vector<1xf32>
        %squeeze3A_562 = vector.extract %slice3A_561[0] : f32 from vector<1xf32>
        %broadcast_in_dim3A_563 = vector.broadcast %squeeze3A_562 : f32 to vector<16xf32>
        %mul3A_564 = arith.constant 16 : i32
        %mul3A_565 = arith.muli %scan3A_150, %mul3A_564 : i32
        %add3A_566 = arith.constant 15 : i32
        %add3A_567 = arith.addi %mul3A_565, %add3A_566 : i32
        %get3A_568 = arith.index_cast %add3A_567 : i32 to index
        %get3A_569 = arith.constant 0 : index
        %get3A_570 = tpu.vector_load %arg10[%get3A_568, %get3A_569] {strides = array<i32>} : memref<128x32xf32, #tpu.memory_space<vmem>>, vector<1x16xf32>,
        %get3A_571 = vector.shape_cast %get3A_570 : vector<1x16xf32> to vector<16xf32>
        %mul3A_572 = arith.mulf %get3A_571, %broadcast_in_dim3A_563 : vector<16xf32>
        %swap3A_573 = arith.index_cast %add3A_567 : i32 to index
        %swap3A_574 = arith.constant 0 : index
        %swap3A_575 = tpu.vector_load %arg10[%swap3A_573, %swap3A_574] {strides = array<i32>} : memref<128x32xf32, #tpu.memory_space<vmem>>, vector<1x16xf32>,
        %swap3A_576 = vector.shape_cast %swap3A_575 : vector<1x16xf32> to vector<16xf32>
        %swap3A_577 = vector.shape_cast %mul3A_572 : vector<16xf32> to vector<1x16xf32>
        tpu.vector_store %arg10[%swap3A_573, %swap3A_574], %swap3A_577 {strides = array<i32>} : memref<128x32xf32, #tpu.memory_space<vmem>>, vector<1x16xf32>,
        %get3A_578 = arith.index_cast %add3A_567 : i32 to index
        %get3A_579 = arith.constant 16 : index
        %get3A_580 = tpu.vector_load %arg10[%get3A_578, %get3A_579] {strides = array<i32>} : memref<128x32xf32, #tpu.memory_space<vmem>>, vector<1x16xf32>,
        %get3A_581 = vector.shape_cast %get3A_580 : vector<1x16xf32> to vector<16xf32>
        %mul3A_582 = arith.mulf %get3A_581, %broadcast_in_dim3A_563 : vector<16xf32>
        %swap3A_583 = arith.index_cast %add3A_567 : i32 to index
        %swap3A_584 = arith.constant 16 : index
        %swap3A_585 = tpu.vector_load %arg10[%swap3A_583, %swap3A_584] {strides = array<i32>} : memref<128x32xf32, #tpu.memory_space<vmem>>, vector<1x16xf32>,
        %swap3A_586 = vector.shape_cast %swap3A_585 : vector<1x16xf32> to vector<16xf32>
        %swap3A_587 = vector.shape_cast %mul3A_582 : vector<16xf32> to vector<1x16xf32>
        tpu.vector_store %arg10[%swap3A_583, %swap3A_584], %swap3A_587 {strides = array<i32>} : memref<128x32xf32, #tpu.memory_space<vmem>>, vector<1x16xf32>,
      }
      %scan3A_146 = arith.constant 8 : i32
      %mul3A_147 = arith.constant 128 : i32
      %mul3A_148 = arith.muli %scan3A_137, %mul3A_147 : i32
      %add3A_149 = arith.addi %mul3A_117, %mul3A_148 : i32
      "tpu.region"() ({
        %run_scoped3A = tpu.sem_alloc : memref<!tpu.dma_semaphore, #tpu.memory_space<semaphore_mem>>
        %dma_start3A = arith.constant 0 : i32
        %dma_start3A_150 = tpu.memref_slice %arg5[%add3A_149, %dma_start3A] : memref<16384x32xf32, #tpu.memory_space<vmem_shared>> -> memref<128x32xf32, #tpu.memory_space<vmem_shared>>
        %dma_start3A_151 = arith.constant 0 : i32
        %dma_start3A_152 = tpu.memref_slice %arg5[%add3A_149, %dma_start3A_151] : memref<16384x32xf32, #tpu.memory_space<vmem_shared>> -> memref<128x32xf32, #tpu.memory_space<vmem_shared>>
        tpu.enqueue_dma source(%arg10 : memref<128x32xf32, #tpu.memory_space<vmem>>) target(%dma_start3A_152 : memref<128x32xf32, #tpu.memory_space<vmem_shared>>) target_semaphore(%run_scoped3A : memref<!tpu.dma_semaphore, #tpu.memory_space<semaphore_mem>>)
        %dma_wait3A = arith.constant 0 : i32
        %dma_wait3A_153 = tpu.memref_slice %arg5[%add3A_149, %dma_wait3A] : memref<16384x32xf32, #tpu.memory_space<vmem_shared>> -> memref<128x32xf32, #tpu.memory_space<vmem_shared>>
        %dma_wait3A_154 = arith.constant 0 : i32
        %dma_wait3A_155 = tpu.memref_slice %arg5[%add3A_149, %dma_wait3A_154] : memref<16384x32xf32, #tpu.memory_space<vmem_shared>> -> memref<128x32xf32, #tpu.memory_space<vmem_shared>>
        tpu.wait_dma2 semaphore(%run_scoped3A : memref<!tpu.dma_semaphore, #tpu.memory_space<semaphore_mem>>) src(%arg10 : memref<128x32xf32, #tpu.memory_space<vmem>>) dst(%dma_wait3A_155 : memref<128x32xf32, #tpu.memory_space<vmem_shared>>)
        tpu.yield
      }) : () -> ()
    }
    %scan3A_129 = arith.constant 8 : i32
    %barrier3A_130 = arith.constant 0 : index
    tpu.barrier barrier_id(%barrier3A_130)
    %scan3A_131 = arith.constant 0 : i32
    %scan3A_132 = arith.constant 0 : i32
    %scan3A_133 = arith.constant 9 : i32
    %scan3A_134 = arith.addi %scan3A_132, %scan3A_133 : i32
    %scan3A_135 = arith.constant 1 : i32
    scf.for %scan3A_137 = %scan3A_132 to %scan3A_134 step %scan3A_135  : i32 {
      %mul3A_138 = arith.constant 2 : i32
      %mul3A_139 = arith.muli %mul3A_138, %scan3A_137 : i32
      %mul3A_140 = arith.constant 16 : i32
      %mul3A_141 = arith.muli %mul3A_140, %mul3A_139 : i32
      %add3A_142 = arith.addi %arg1, %mul3A_141 : i32
      %lt3A_143 = arith.constant 263 : i32
      %lt3A_144 = arith.cmpi slt, %add3A_142, %lt3A_143 : i32
      %convert_element_type3A_145 = arith.extui %lt3A_144 : i1 to i32
      %cond3A_146 = arith.constant 0 : i32
      %cond3A_147 = arith.cmpi ne, %convert_element_type3A_145, %cond3A_146 : i32
      scf.if %cond3A_147 {
        %run_scoped3A = arith.constant 0 : i32
        "tpu.region"() ({
          %run_scoped3A_185 = tpu.sem_alloc : memref<!tpu.dma_semaphore, #tpu.memory_space<semaphore_mem>>
          %dma_start3A = arith.constant 0 : i32
          %dma_start3A_186 = arith.constant 0 : i32
          %dma_start3A_187 = tpu.memref_slice %arg8[%run_scoped3A, %dma_start3A, %dma_start3A_186] : memref<2x1024x32xf32, #tpu.memory_space<vmem>> -> memref<1x1024x32xf32, #tpu.memory_space<vmem>>
          %dma_start3A_188 = tpu.memref_squeeze %dma_start3A_187 : memref<1x1024x32xf32, #tpu.memory_space<vmem>> -> memref<1024x32xf32, #tpu.memory_space<vmem>>
          %dma_start3A_189 = arith.constant 0 : i32
          %dma_start3A_190 = tpu.memref_slice %arg7[%mul3A_139, %dma_start3A_189] : memref<17x1024xi32, #tpu.memory_space<vmem>> -> memref<1x1024xi32, #tpu.memory_space<vmem>>
          %dma_start3A_191 = tpu.memref_squeeze %dma_start3A_190 : memref<1x1024xi32, #tpu.memory_space<vmem>> -> memref<1024xi32, #tpu.memory_space<vmem>>
          %dma_start3A_192 = arith.constant 0 : i32
          %dma_start3A_193 = arith.constant 0 : i32
          %dma_start3A_194 = tpu.memref_slice %arg5[%dma_start3A_192, %dma_start3A_193] : memref<16384x32xf32, #tpu.memory_space<vmem_shared>> -> memref<16384x32xf32, #tpu.memory_space<vmem_shared>>
          tpu.enqueue_indirect_dma source(%dma_start3A_194 : memref<16384x32xf32, #tpu.memory_space<vmem_shared>>) target(%dma_start3A_188 : memref<1024x32xf32, #tpu.memory_space<vmem>>) offsets(%dma_start3A_191 : memref<1024xi32, #tpu.memory_space<vmem>>) semaphore(%run_scoped3A_185 : memref<!tpu.dma_semaphore, #tpu.memory_space<semaphore_mem>>)
          %dma_wait3A = arith.constant 0 : i32
          %dma_wait3A_195 = arith.constant 0 : i32
          %dma_wait3A_196 = tpu.memref_slice %arg8[%run_scoped3A, %dma_wait3A, %dma_wait3A_195] : memref<2x1024x32xf32, #tpu.memory_space<vmem>> -> memref<1x1024x32xf32, #tpu.memory_space<vmem>>
          %dma_wait3A_197 = tpu.memref_squeeze %dma_wait3A_196 : memref<1x1024x32xf32, #tpu.memory_space<vmem>> -> memref<1024x32xf32, #tpu.memory_space<vmem>>
          %dma_wait3A_198 = arith.constant 0 : i32
          %dma_wait3A_199 = tpu.memref_slice %arg7[%mul3A_139, %dma_wait3A_198] : memref<17x1024xi32, #tpu.memory_space<vmem>> -> memref<1x1024xi32, #tpu.memory_space<vmem>>
          %dma_wait3A_200 = tpu.memref_squeeze %dma_wait3A_199 : memref<1x1024xi32, #tpu.memory_space<vmem>> -> memref<1024xi32, #tpu.memory_space<vmem>>
          %dma_wait3A_201 = arith.constant 0 : i32
          %dma_wait3A_202 = arith.constant 0 : i32
          %dma_wait3A_203 = tpu.memref_slice %arg5[%dma_wait3A_201, %dma_wait3A_202] : memref<16384x32xf32, #tpu.memory_space<vmem_shared>> -> memref<16384x32xf32, #tpu.memory_space<vmem_shared>>
          tpu.wait_indirect_dma semaphore(%run_scoped3A_185 : memref<!tpu.dma_semaphore, #tpu.memory_space<semaphore_mem>>) src(%dma_wait3A_203 : memref<16384x32xf32, #tpu.memory_space<vmem_shared>>) dst(%dma_wait3A_197 : memref<1024x32xf32, #tpu.memory_space<vmem>>)
          tpu.yield
        }) : () -> ()
        %lt3A_175 = arith.constant 262 : i32
        %lt3A_176 = arith.cmpi slt, %add3A_142, %lt3A_175 : i32
        %convert_element_type3A_177 = arith.extui %lt3A_176 : i1 to i32
        %cond3A_178 = arith.constant 0 : i32
        %cond3A_179 = arith.cmpi ne, %convert_element_type3A_177, %cond3A_178 : i32
        scf.if %cond3A_179 {
          %mul3A_185 = arith.constant 16 : i32
          %mul3A_186 = arith.muli %mul3A_185, %mul3A_139 : i32
          %add3A_187 = arith.addi %arg1, %mul3A_186 : i32
          %mul3A_188 = arith.constant 1024 : i32
          %mul3A_189 = arith.muli %add3A_187, %mul3A_188 : i32
          %dma_start3A = arith.constant 0 : i32
          %dma_start3A_190 = arith.constant 0 : i32
          %dma_start3A_191 = arith.constant 0 : i32
          %dma_start3A_192 = tpu.memref_slice %arg8[%dma_start3A, %dma_start3A_190, %dma_start3A_191] : memref<2x1024x32xf32, #tpu.memory_space<vmem>> -> memref<1x1024x32xf32, #tpu.memory_space<vmem>>
          %dma_start3A_193 = tpu.memref_squeeze %dma_start3A_192 : memref<1x1024x32xf32, #tpu.memory_space<vmem>> -> memref<1024x32xf32, #tpu.memory_space<vmem>>
          %dma_start3A_194 = tpu.memref_slice %arg4[%mul3A_189, %mul3A_0] : memref<268435x64xf32, #tpu.memory_space<hbm>> -> memref<1024x32xf32, #tpu.memory_space<hbm>>
          %dma_start3A_195 = tpu.memref_slice %arg4[%mul3A_189, %mul3A_0] : memref<268435x64xf32, #tpu.memory_space<hbm>> -> memref<1024x32xf32, #tpu.memory_space<hbm>>
          %dma_start3A_196 = arith.constant 0 : i32
          %dma_start3A_197 = arith.constant 0 : i32
          %dma_start3A_198 = tpu.memref_slice %arg8[%dma_start3A, %dma_start3A_196, %dma_start3A_197] : memref<2x1024x32xf32, #tpu.memory_space<vmem>> -> memref<1x1024x32xf32, #tpu.memory_space<vmem>>
          %dma_start3A_199 = tpu.memref_squeeze %dma_start3A_198 : memref<1x1024x32xf32, #tpu.memory_space<vmem>> -> memref<1024x32xf32, #tpu.memory_space<vmem>>
          tpu.enqueue_dma source(%dma_start3A_199 : memref<1024x32xf32, #tpu.memory_space<vmem>>) target(%dma_start3A_195 : memref<1024x32xf32, #tpu.memory_space<hbm>>) target_semaphore(%arg14 : memref<!tpu.dma_semaphore, #tpu.memory_space<semaphore_mem>>)
        } else {
        }
        %eq3A_180 = arith.constant 262 : i32
        %eq3A_181 = arith.cmpi eq, %add3A_142, %eq3A_180 : i32
        %convert_element_type3A_182 = arith.extui %eq3A_181 : i1 to i32
        %cond3A_183 = arith.constant 0 : i32
        %cond3A_184 = arith.cmpi ne, %convert_element_type3A_182, %cond3A_183 : i32
        scf.if %cond3A_184 {
          %mul3A_185 = arith.constant 16 : i32
          %mul3A_186 = arith.muli %mul3A_185, %mul3A_139 : i32
          %add3A_187 = arith.addi %arg1, %mul3A_186 : i32
          %dma_start3A = arith.constant 0 : i32
          %dma_start3A_188 = arith.constant 0 : i32
          %dma_start3A_189 = arith.constant 0 : i32
          %dma_start3A_190 = tpu.memref_slice %arg8[%dma_start3A, %dma_start3A_188, %dma_start3A_189] : memref<2x1024x32xf32, #tpu.memory_space<vmem>> -> memref<1x147x32xf32, #tpu.memory_space<vmem>>
          %dma_start3A_191 = tpu.memref_squeeze %dma_start3A_190 : memref<1x147x32xf32, #tpu.memory_space<vmem>> -> memref<147x32xf32, #tpu.memory_space<vmem>>
          %dma_start3A_192 = arith.constant 268288 : i32
          %dma_start3A_193 = tpu.memref_slice %arg4[%dma_start3A_192, %mul3A_0] : memref<268435x64xf32, #tpu.memory_space<hbm>> -> memref<147x32xf32, #tpu.memory_space<hbm>>
          %dma_start3A_194 = arith.constant 268288 : i32
          %dma_start3A_195 = tpu.memref_slice %arg4[%dma_start3A_194, %mul3A_0] : memref<268435x64xf32, #tpu.memory_space<hbm>> -> memref<147x32xf32, #tpu.memory_space<hbm>>
          %dma_start3A_196 = arith.constant 0 : i32
          %dma_start3A_197 = arith.constant 0 : i32
          %dma_start3A_198 = tpu.memref_slice %arg8[%dma_start3A, %dma_start3A_196, %dma_start3A_197] : memref<2x1024x32xf32, #tpu.memory_space<vmem>> -> memref<1x147x32xf32, #tpu.memory_space<vmem>>
          %dma_start3A_199 = tpu.memref_squeeze %dma_start3A_198 : memref<1x147x32xf32, #tpu.memory_space<vmem>> -> memref<147x32xf32, #tpu.memory_space<vmem>>
          tpu.enqueue_dma source(%dma_start3A_199 : memref<147x32xf32, #tpu.memory_space<vmem>>) target(%dma_start3A_195 : memref<147x32xf32, #tpu.memory_space<hbm>>) target_semaphore(%arg14 : memref<!tpu.dma_semaphore, #tpu.memory_space<semaphore_mem>>)
        } else {
        }
      } else {
      }
      %ge3A = arith.constant 1 : i32
      %ge3A_148 = arith.cmpi sge, %mul3A_139, %ge3A : i32
      %convert_element_type3A_149 = arith.extui %ge3A_148 : i1 to i32
      %cond3A_150 = arith.constant 0 : i32
      %cond3A_151 = arith.cmpi ne, %convert_element_type3A_149, %cond3A_150 : i32
      scf.if %cond3A_151 {
        %sub3A = arith.constant 1 : i32
        %sub3A_175 = arith.subi %mul3A_139, %sub3A : i32
        %mul3A_176 = arith.constant 16 : i32
        %mul3A_177 = arith.muli %mul3A_176, %sub3A_175 : i32
        %add3A_178 = arith.addi %arg1, %mul3A_177 : i32
        %lt3A_179 = arith.constant 262 : i32
        %lt3A_180 = arith.cmpi slt, %add3A_178, %lt3A_179 : i32
        %convert_element_type3A_181 = arith.extui %lt3A_180 : i1 to i32
        %cond3A_182 = arith.constant 0 : i32
        %cond3A_183 = arith.cmpi ne, %convert_element_type3A_181, %cond3A_182 : i32
        scf.if %cond3A_183 {
          %mul3A_189 = arith.constant 16 : i32
          %mul3A_190 = arith.muli %mul3A_189, %sub3A_175 : i32
          %add3A_191 = arith.addi %arg1, %mul3A_190 : i32
          %mul3A_192 = arith.constant 1024 : i32
          %mul3A_193 = arith.muli %add3A_191, %mul3A_192 : i32
          %dma_wait3A = arith.constant 1 : i32
          %dma_wait3A_194 = arith.constant 0 : i32
          %dma_wait3A_195 = arith.constant 0 : i32
          %dma_wait3A_196 = tpu.memref_slice %arg8[%dma_wait3A, %dma_wait3A_194, %dma_wait3A_195] : memref<2x1024x32xf32, #tpu.memory_space<vmem>> -> memref<1x1024x32xf32, #tpu.memory_space<vmem>>
          %dma_wait3A_197 = tpu.memref_squeeze %dma_wait3A_196 : memref<1x1024x32xf32, #tpu.memory_space<vmem>> -> memref<1024x32xf32, #tpu.memory_space<vmem>>
          %dma_wait3A_198 = tpu.memref_slice %arg4[%mul3A_193, %mul3A_0] : memref<268435x64xf32, #tpu.memory_space<hbm>> -> memref<1024x32xf32, #tpu.memory_space<hbm>>
          %dma_wait3A_199 = tpu.memref_slice %arg4[%mul3A_193, %mul3A_0] : memref<268435x64xf32, #tpu.memory_space<hbm>> -> memref<1024x32xf32, #tpu.memory_space<hbm>>
          %dma_wait3A_200 = arith.constant 0 : i32
          %dma_wait3A_201 = arith.constant 0 : i32
          %dma_wait3A_202 = tpu.memref_slice %arg8[%dma_wait3A, %dma_wait3A_200, %dma_wait3A_201] : memref<2x1024x32xf32, #tpu.memory_space<vmem>> -> memref<1x1024x32xf32, #tpu.memory_space<vmem>>
          %dma_wait3A_203 = tpu.memref_squeeze %dma_wait3A_202 : memref<1x1024x32xf32, #tpu.memory_space<vmem>> -> memref<1024x32xf32, #tpu.memory_space<vmem>>
          tpu.wait_dma2 semaphore(%arg15 : memref<!tpu.dma_semaphore, #tpu.memory_space<semaphore_mem>>) src(%dma_wait3A_203 : memref<1024x32xf32, #tpu.memory_space<vmem>>) dst(%dma_wait3A_199 : memref<1024x32xf32, #tpu.memory_space<hbm>>)
        } else {
        }
        %eq3A_184 = arith.constant 262 : i32
        %eq3A_185 = arith.cmpi eq, %add3A_178, %eq3A_184 : i32
        %convert_element_type3A_186 = arith.extui %eq3A_185 : i1 to i32
        %cond3A_187 = arith.constant 0 : i32
        %cond3A_188 = arith.cmpi ne, %convert_element_type3A_186, %cond3A_187 : i32
        scf.if %cond3A_188 {
          %mul3A_189 = arith.constant 16 : i32
          %mul3A_190 = arith.muli %mul3A_189, %sub3A_175 : i32
          %add3A_191 = arith.addi %arg1, %mul3A_190 : i32
          %dma_wait3A = arith.constant 1 : i32
          %dma_wait3A_192 = arith.constant 0 : i32
          %dma_wait3A_193 = arith.constant 0 : i32
          %dma_wait3A_194 = tpu.memref_slice %arg8[%dma_wait3A, %dma_wait3A_192, %dma_wait3A_193] : memref<2x1024x32xf32, #tpu.memory_space<vmem>> -> memref<1x147x32xf32, #tpu.memory_space<vmem>>
          %dma_wait3A_195 = tpu.memref_squeeze %dma_wait3A_194 : memref<1x147x32xf32, #tpu.memory_space<vmem>> -> memref<147x32xf32, #tpu.memory_space<vmem>>
          %dma_wait3A_196 = arith.constant 268288 : i32
          %dma_wait3A_197 = tpu.memref_slice %arg4[%dma_wait3A_196, %mul3A_0] : memref<268435x64xf32, #tpu.memory_space<hbm>> -> memref<147x32xf32, #tpu.memory_space<hbm>>
          %dma_wait3A_198 = arith.constant 268288 : i32
          %dma_wait3A_199 = tpu.memref_slice %arg4[%dma_wait3A_198, %mul3A_0] : memref<268435x64xf32, #tpu.memory_space<hbm>> -> memref<147x32xf32, #tpu.memory_space<hbm>>
          %dma_wait3A_200 = arith.constant 0 : i32
          %dma_wait3A_201 = arith.constant 0 : i32
          %dma_wait3A_202 = tpu.memref_slice %arg8[%dma_wait3A, %dma_wait3A_200, %dma_wait3A_201] : memref<2x1024x32xf32, #tpu.memory_space<vmem>> -> memref<1x147x32xf32, #tpu.memory_space<vmem>>
          %dma_wait3A_203 = tpu.memref_squeeze %dma_wait3A_202 : memref<1x147x32xf32, #tpu.memory_space<vmem>> -> memref<147x32xf32, #tpu.memory_space<vmem>>
          tpu.wait_dma2 semaphore(%arg15 : memref<!tpu.dma_semaphore, #tpu.memory_space<semaphore_mem>>) src(%dma_wait3A_203 : memref<147x32xf32, #tpu.memory_space<vmem>>) dst(%dma_wait3A_199 : memref<147x32xf32, #tpu.memory_space<hbm>>)
        } else {
        }
      } else {
      }
      %add3A_152 = arith.constant 1 : i32
      %add3A_153 = arith.addi %mul3A_139, %add3A_152 : i32
      %mul3A_154 = arith.constant 16 : i32
      %mul3A_155 = arith.muli %mul3A_154, %add3A_153 : i32
      %add3A_156 = arith.addi %arg1, %mul3A_155 : i32
      %lt3A_157 = arith.constant 263 : i32
      %lt3A_158 = arith.cmpi slt, %add3A_156, %lt3A_157 : i32
      %convert_element_type3A_159 = arith.extui %lt3A_158 : i1 to i32
      %cond3A_160 = arith.constant 0 : i32
      %cond3A_161 = arith.cmpi ne, %convert_element_type3A_159, %cond3A_160 : i32
      scf.if %cond3A_161 {
        %run_scoped3A = arith.constant 1 : i32
        "tpu.region"() ({
          %run_scoped3A_185 = tpu.sem_alloc : memref<!tpu.dma_semaphore, #tpu.memory_space<semaphore_mem>>
          %dma_start3A = arith.constant 0 : i32
          %dma_start3A_186 = arith.constant 0 : i32
          %dma_start3A_187 = tpu.memref_slice %arg8[%run_scoped3A, %dma_start3A, %dma_start3A_186] : memref<2x1024x32xf32, #tpu.memory_space<vmem>> -> memref<1x1024x32xf32, #tpu.memory_space<vmem>>
          %dma_start3A_188 = tpu.memref_squeeze %dma_start3A_187 : memref<1x1024x32xf32, #tpu.memory_space<vmem>> -> memref<1024x32xf32, #tpu.memory_space<vmem>>
          %dma_start3A_189 = arith.constant 0 : i32
          %dma_start3A_190 = tpu.memref_slice %arg7[%add3A_153, %dma_start3A_189] : memref<17x1024xi32, #tpu.memory_space<vmem>> -> memref<1x1024xi32, #tpu.memory_space<vmem>>
          %dma_start3A_191 = tpu.memref_squeeze %dma_start3A_190 : memref<1x1024xi32, #tpu.memory_space<vmem>> -> memref<1024xi32, #tpu.memory_space<vmem>>
          %dma_start3A_192 = arith.constant 0 : i32
          %dma_start3A_193 = arith.constant 0 : i32
          %dma_start3A_194 = tpu.memref_slice %arg5[%dma_start3A_192, %dma_start3A_193] : memref<16384x32xf32, #tpu.memory_space<vmem_shared>> -> memref<16384x32xf32, #tpu.memory_space<vmem_shared>>
          tpu.enqueue_indirect_dma source(%dma_start3A_194 : memref<16384x32xf32, #tpu.memory_space<vmem_shared>>) target(%dma_start3A_188 : memref<1024x32xf32, #tpu.memory_space<vmem>>) offsets(%dma_start3A_191 : memref<1024xi32, #tpu.memory_space<vmem>>) semaphore(%run_scoped3A_185 : memref<!tpu.dma_semaphore, #tpu.memory_space<semaphore_mem>>)
          %dma_wait3A = arith.constant 0 : i32
          %dma_wait3A_195 = arith.constant 0 : i32
          %dma_wait3A_196 = tpu.memref_slice %arg8[%run_scoped3A, %dma_wait3A, %dma_wait3A_195] : memref<2x1024x32xf32, #tpu.memory_space<vmem>> -> memref<1x1024x32xf32, #tpu.memory_space<vmem>>
          %dma_wait3A_197 = tpu.memref_squeeze %dma_wait3A_196 : memref<1x1024x32xf32, #tpu.memory_space<vmem>> -> memref<1024x32xf32, #tpu.memory_space<vmem>>
          %dma_wait3A_198 = arith.constant 0 : i32
          %dma_wait3A_199 = tpu.memref_slice %arg7[%add3A_153, %dma_wait3A_198] : memref<17x1024xi32, #tpu.memory_space<vmem>> -> memref<1x1024xi32, #tpu.memory_space<vmem>>
          %dma_wait3A_200 = tpu.memref_squeeze %dma_wait3A_199 : memref<1x1024xi32, #tpu.memory_space<vmem>> -> memref<1024xi32, #tpu.memory_space<vmem>>
          %dma_wait3A_201 = arith.constant 0 : i32
          %dma_wait3A_202 = arith.constant 0 : i32
          %dma_wait3A_203 = tpu.memref_slice %arg5[%dma_wait3A_201, %dma_wait3A_202] : memref<16384x32xf32, #tpu.memory_space<vmem_shared>> -> memref<16384x32xf32, #tpu.memory_space<vmem_shared>>
          tpu.wait_indirect_dma semaphore(%run_scoped3A_185 : memref<!tpu.dma_semaphore, #tpu.memory_space<semaphore_mem>>) src(%dma_wait3A_203 : memref<16384x32xf32, #tpu.memory_space<vmem_shared>>) dst(%dma_wait3A_197 : memref<1024x32xf32, #tpu.memory_space<vmem>>)
          tpu.yield
        }) : () -> ()
        %lt3A_175 = arith.constant 262 : i32
        %lt3A_176 = arith.cmpi slt, %add3A_156, %lt3A_175 : i32
        %convert_element_type3A_177 = arith.extui %lt3A_176 : i1 to i32
        %cond3A_178 = arith.constant 0 : i32
        %cond3A_179 = arith.cmpi ne, %convert_element_type3A_177, %cond3A_178 : i32
        scf.if %cond3A_179 {
          %mul3A_185 = arith.constant 16 : i32
          %mul3A_186 = arith.muli %mul3A_185, %add3A_153 : i32
          %add3A_187 = arith.addi %arg1, %mul3A_186 : i32
          %mul3A_188 = arith.constant 1024 : i32
          %mul3A_189 = arith.muli %add3A_187, %mul3A_188 : i32
          %dma_start3A = arith.constant 1 : i32
          %dma_start3A_190 = arith.constant 0 : i32
          %dma_start3A_191 = arith.constant 0 : i32
          %dma_start3A_192 = tpu.memref_slice %arg8[%dma_start3A, %dma_start3A_190, %dma_start3A_191] : memref<2x1024x32xf32, #tpu.memory_space<vmem>> -> memref<1x1024x32xf32, #tpu.memory_space<vmem>>
          %dma_start3A_193 = tpu.memref_squeeze %dma_start3A_192 : memref<1x1024x32xf32, #tpu.memory_space<vmem>> -> memref<1024x32xf32, #tpu.memory_space<vmem>>
          %dma_start3A_194 = tpu.memref_slice %arg4[%mul3A_189, %mul3A_0] : memref<268435x64xf32, #tpu.memory_space<hbm>> -> memref<1024x32xf32, #tpu.memory_space<hbm>>
          %dma_start3A_195 = tpu.memref_slice %arg4[%mul3A_189, %mul3A_0] : memref<268435x64xf32, #tpu.memory_space<hbm>> -> memref<1024x32xf32, #tpu.memory_space<hbm>>
          %dma_start3A_196 = arith.constant 0 : i32
          %dma_start3A_197 = arith.constant 0 : i32
          %dma_start3A_198 = tpu.memref_slice %arg8[%dma_start3A, %dma_start3A_196, %dma_start3A_197] : memref<2x1024x32xf32, #tpu.memory_space<vmem>> -> memref<1x1024x32xf32, #tpu.memory_space<vmem>>
          %dma_start3A_199 = tpu.memref_squeeze %dma_start3A_198 : memref<1x1024x32xf32, #tpu.memory_space<vmem>> -> memref<1024x32xf32, #tpu.memory_space<vmem>>
          tpu.enqueue_dma source(%dma_start3A_199 : memref<1024x32xf32, #tpu.memory_space<vmem>>) target(%dma_start3A_195 : memref<1024x32xf32, #tpu.memory_space<hbm>>) target_semaphore(%arg15 : memref<!tpu.dma_semaphore, #tpu.memory_space<semaphore_mem>>)
        } else {
        }
        %eq3A_180 = arith.constant 262 : i32
        %eq3A_181 = arith.cmpi eq, %add3A_156, %eq3A_180 : i32
        %convert_element_type3A_182 = arith.extui %eq3A_181 : i1 to i32
        %cond3A_183 = arith.constant 0 : i32
        %cond3A_184 = arith.cmpi ne, %convert_element_type3A_182, %cond3A_183 : i32
        scf.if %cond3A_184 {
          %mul3A_185 = arith.constant 16 : i32
          %mul3A_186 = arith.muli %mul3A_185, %add3A_153 : i32
          %add3A_187 = arith.addi %arg1, %mul3A_186 : i32
          %dma_start3A = arith.constant 1 : i32
          %dma_start3A_188 = arith.constant 0 : i32
          %dma_start3A_189 = arith.constant 0 : i32
          %dma_start3A_190 = tpu.memref_slice %arg8[%dma_start3A, %dma_start3A_188, %dma_start3A_189] : memref<2x1024x32xf32, #tpu.memory_space<vmem>> -> memref<1x147x32xf32, #tpu.memory_space<vmem>>
          %dma_start3A_191 = tpu.memref_squeeze %dma_start3A_190 : memref<1x147x32xf32, #tpu.memory_space<vmem>> -> memref<147x32xf32, #tpu.memory_space<vmem>>
          %dma_start3A_192 = arith.constant 268288 : i32
          %dma_start3A_193 = tpu.memref_slice %arg4[%dma_start3A_192, %mul3A_0] : memref<268435x64xf32, #tpu.memory_space<hbm>> -> memref<147x32xf32, #tpu.memory_space<hbm>>
          %dma_start3A_194 = arith.constant 268288 : i32
          %dma_start3A_195 = tpu.memref_slice %arg4[%dma_start3A_194, %mul3A_0] : memref<268435x64xf32, #tpu.memory_space<hbm>> -> memref<147x32xf32, #tpu.memory_space<hbm>>
          %dma_start3A_196 = arith.constant 0 : i32
          %dma_start3A_197 = arith.constant 0 : i32
          %dma_start3A_198 = tpu.memref_slice %arg8[%dma_start3A, %dma_start3A_196, %dma_start3A_197] : memref<2x1024x32xf32, #tpu.memory_space<vmem>> -> memref<1x147x32xf32, #tpu.memory_space<vmem>>
          %dma_start3A_199 = tpu.memref_squeeze %dma_start3A_198 : memref<1x147x32xf32, #tpu.memory_space<vmem>> -> memref<147x32xf32, #tpu.memory_space<vmem>>
          tpu.enqueue_dma source(%dma_start3A_199 : memref<147x32xf32, #tpu.memory_space<vmem>>) target(%dma_start3A_195 : memref<147x32xf32, #tpu.memory_space<hbm>>) target_semaphore(%arg15 : memref<!tpu.dma_semaphore, #tpu.memory_space<semaphore_mem>>)
        } else {
        }
      } else {
      }
      %mul3A_162 = arith.constant 16 : i32
      %mul3A_163 = arith.muli %mul3A_162, %mul3A_139 : i32
      %add3A_164 = arith.addi %arg1, %mul3A_163 : i32
      %lt3A_165 = arith.constant 262 : i32
      %lt3A_166 = arith.cmpi slt, %add3A_164, %lt3A_165 : i32
      %convert_element_type3A_167 = arith.extui %lt3A_166 : i1 to i32
      %cond3A_168 = arith.constant 0 : i32
      %cond3A_169 = arith.cmpi ne, %convert_element_type3A_167, %cond3A_168 : i32
      scf.if %cond3A_169 {
        %mul3A_175 = arith.constant 16 : i32
        %mul3A_176 = arith.muli %mul3A_175, %mul3A_139 : i32
        %add3A_177 = arith.addi %arg1, %mul3A_176 : i32
        %mul3A_178 = arith.constant 1024 : i32
        %mul3A_179 = arith.muli %add3A_177, %mul3A_178 : i32
        %dma_wait3A = arith.constant 0 : i32
        %dma_wait3A_180 = arith.constant 0 : i32
        %dma_wait3A_181 = arith.constant 0 : i32
        %dma_wait3A_182 = tpu.memref_slice %arg8[%dma_wait3A, %dma_wait3A_180, %dma_wait3A_181] : memref<2x1024x32xf32, #tpu.memory_space<vmem>> -> memref<1x1024x32xf32, #tpu.memory_space<vmem>>
        %dma_wait3A_183 = tpu.memref_squeeze %dma_wait3A_182 : memref<1x1024x32xf32, #tpu.memory_space<vmem>> -> memref<1024x32xf32, #tpu.memory_space<vmem>>
        %dma_wait3A_184 = tpu.memref_slice %arg4[%mul3A_179, %mul3A_0] : memref<268435x64xf32, #tpu.memory_space<hbm>> -> memref<1024x32xf32, #tpu.memory_space<hbm>>
        %dma_wait3A_185 = tpu.memref_slice %arg4[%mul3A_179, %mul3A_0] : memref<268435x64xf32, #tpu.memory_space<hbm>> -> memref<1024x32xf32, #tpu.memory_space<hbm>>
        %dma_wait3A_186 = arith.constant 0 : i32
        %dma_wait3A_187 = arith.constant 0 : i32
        %dma_wait3A_188 = tpu.memref_slice %arg8[%dma_wait3A, %dma_wait3A_186, %dma_wait3A_187] : memref<2x1024x32xf32, #tpu.memory_space<vmem>> -> memref<1x1024x32xf32, #tpu.memory_space<vmem>>
        %dma_wait3A_189 = tpu.memref_squeeze %dma_wait3A_188 : memref<1x1024x32xf32, #tpu.memory_space<vmem>> -> memref<1024x32xf32, #tpu.memory_space<vmem>>
        tpu.wait_dma2 semaphore(%arg14 : memref<!tpu.dma_semaphore, #tpu.memory_space<semaphore_mem>>) src(%dma_wait3A_189 : memref<1024x32xf32, #tpu.memory_space<vmem>>) dst(%dma_wait3A_185 : memref<1024x32xf32, #tpu.memory_space<hbm>>)
      } else {
      }
      %eq3A_170 = arith.constant 262 : i32
      %eq3A_171 = arith.cmpi eq, %add3A_164, %eq3A_170 : i32
      %convert_element_type3A_172 = arith.extui %eq3A_171 : i1 to i32
      %cond3A_173 = arith.constant 0 : i32
      %cond3A_174 = arith.cmpi ne, %convert_element_type3A_172, %cond3A_173 : i32
      scf.if %cond3A_174 {
        %mul3A_175 = arith.constant 16 : i32
        %mul3A_176 = arith.muli %mul3A_175, %mul3A_139 : i32
        %add3A_177 = arith.addi %arg1, %mul3A_176 : i32
        %dma_wait3A = arith.constant 0 : i32
        %dma_wait3A_178 = arith.constant 0 : i32
        %dma_wait3A_179 = arith.constant 0 : i32
        %dma_wait3A_180 = tpu.memref_slice %arg8[%dma_wait3A, %dma_wait3A_178, %dma_wait3A_179] : memref<2x1024x32xf32, #tpu.memory_space<vmem>> -> memref<1x147x32xf32, #tpu.memory_space<vmem>>
        %dma_wait3A_181 = tpu.memref_squeeze %dma_wait3A_180 : memref<1x147x32xf32, #tpu.memory_space<vmem>> -> memref<147x32xf32, #tpu.memory_space<vmem>>
        %dma_wait3A_182 = arith.constant 268288 : i32
        %dma_wait3A_183 = tpu.memref_slice %arg4[%dma_wait3A_182, %mul3A_0] : memref<268435x64xf32, #tpu.memory_space<hbm>> -> memref<147x32xf32, #tpu.memory_space<hbm>>
        %dma_wait3A_184 = arith.constant 268288 : i32
        %dma_wait3A_185 = tpu.memref_slice %arg4[%dma_wait3A_184, %mul3A_0] : memref<268435x64xf32, #tpu.memory_space<hbm>> -> memref<147x32xf32, #tpu.memory_space<hbm>>
        %dma_wait3A_186 = arith.constant 0 : i32
        %dma_wait3A_187 = arith.constant 0 : i32
        %dma_wait3A_188 = tpu.memref_slice %arg8[%dma_wait3A, %dma_wait3A_186, %dma_wait3A_187] : memref<2x1024x32xf32, #tpu.memory_space<vmem>> -> memref<1x147x32xf32, #tpu.memory_space<vmem>>
        %dma_wait3A_189 = tpu.memref_squeeze %dma_wait3A_188 : memref<1x147x32xf32, #tpu.memory_space<vmem>> -> memref<147x32xf32, #tpu.memory_space<vmem>>
        tpu.wait_dma2 semaphore(%arg14 : memref<!tpu.dma_semaphore, #tpu.memory_space<semaphore_mem>>) src(%dma_wait3A_189 : memref<147x32xf32, #tpu.memory_space<vmem>>) dst(%dma_wait3A_185 : memref<147x32xf32, #tpu.memory_space<hbm>>)
      } else {
      }
    }
    %scan3A_136 = arith.constant 9 : i32
    return
  }
}

</mosaic_0001>

<sc_bundles>
// kernel: _pool.3.cloned.1.call-start
scs
__scs_entry_jumppad:
0x0: {  	(pc) =	sbr.rel $0x88, $3  }
0x1: {  	(tag) =	ssettag $0x0;
	lr =	simm.s32 $0x1  }
0x2: {  	[smem:$0x3F9F] =	sst lr;
	_ =	strace $0xD0000000  }
0x3: {  	_ = 	snop  }
0x4: {  	_ = 	snop  }
0x5: {  	_ = 	snop  }
0x6: {  	_ = 	snop  }
0x7: {  	_ = 	snop  }
__scs_overlays_trampoline_lowered:
0x8: {  	[smem:$0x3FAE] =	sst s0  }
0x9: {  	[smem:$0x3FAF] =	sst s1  }
0xa: {  	[smem:$0x3FB0] =	sst s2  }
0xb: {  	[smem:$0x3FB1] =	sst s3  }
0xc: {  	[smem:$0x3FB2] =	sst s4  }
0xd: {  	[smem:$0x3FB3] =	sst s5  }
0xe: {  	[smem:$0x3FB4] =	sst s6  }
0xf: {  	[smem:$0x3FB5] =	sst s7  }
0x10: {  	[smem:$0x3FB6] =	sst s8  }
0x11: {  	[smem:$0x3FB7] =	sst s9;
	s0 =	simm.s32 @!p0 $0x0  }
0x12: {  	s1 =	sld [smem:$0x3F9D];
	s0 =	simm.s32 @p0 $0x1  }
0x13: {  	[smem:$0x3FB8] =	sst s0;
	s0 =	simm.s32 @!p1 $0x0  }
0x14: {  	s2 =	sld [smem:$0x3F9C];
	s0 =	simm.s32 @p1 $0x1  }
0x15: {  	[smem:$0x3FB9] =	sst s0;
	s0 =	simm.s32 @!p2 $0x0  }
0x16: {  	s3 =	sld [smem:$0x3FDB];
	s0 =	simm.s32 @p2 $0x1  }
0x17: {  	s4 =	simm.s32 $0x1BF5;
	[smem:$0x3FBB] =	sst s0  }
0x18: {  	s0 =	sld [smem:$0x3F9E];
	_ =	swait.ge [sflag:s4], $0x0  }
0x19: {  	s7 =	sld [smem:$0x3F9F]  }
0x1a: {  	s8 =	sadd.s32 $0xFFFFE003, lr  }
0x1b: {  	s9 =	sadd.s32 $0xFFFFFEF7, lr;
	s5 =	simm.s32 $0xFFFFFFFF;
	p2 =	slt.u32 s8, $0xFFFFF086  }
0x1c: {  	p1 =	slt.u32 s9, $0xF7A;
	s5 =	simm.s32 @!p2 $0x0  }
0x1d: {  	s5 =	simm.s32 @p1 $0x1;
	p0 =	seq.s32 s7, s2  }
0x1e: {  	s7 =	smul.u32 @!p0 $0xF7A, s2;
	p2 =	seq.s32 @!p0 s5, $0x0  }
0x1f: {  	s9 =	smul.u32 $0xF7A, s1;
	s8 =	simm.s32 @!p0 $0x1BF5;
	p2 =	por !p2, p0  }
0x20: {  	[sflag:s8] =	ssyncset.s32 @!p0 $0xFFFFF086;
	s6 =	sadd.s32 @!p0 s3, s7;
	s7 =	simm.s32 @!p0 $0x108  }
0x21: {  	s3 =	sadd.s32 s3, s9;
	s6 =	sadd.s32 @!p0 $0x88, s6;
	s7 =	simm.s32 @p2 $0x1082  }
0x22: {  	[simem:s7], [sflag:s8] =	dma.local @!p0 [hbm:s6], $0xF7A  }
0x23: {  	s9 =	sor.u32 $0xD0000000, s2;
	s6 =	simm.s32 $0x108;
	_ =	swait.ge @!p0 [sflag:s8], $0x0  }
0x24: {  	s3 =	sadd.s32 $0x88, s3;
	s6 =	simm.s32 @!p1 $0x1082;
	[sflag:s4] =	ssyncset.s32 $0xFFFFF086  }
0x25: {  	[simem:s6], [sflag:s4] =	dma.local [hbm:s3], $0xF7A  }
0x26: {  	[smem:$0x3F9F] =	sst s1;
	(tag) =	ssettag s2;
	_ =	strace s9  }
0x27: {  	s1 =	sld [smem:$0x3FAF]  }
0x28: {  	s2 =	sld [smem:$0x3FB0]  }
0x29: {  	s4 =	sld [smem:$0x3FB2]  }
0x2a: {  	p0 =	seq.s32 s5, $0x0;
	s5 =	sld [smem:$0x3FB3]  }
0x2b: {  	s6 =	sld [smem:$0x3FB4]  }
0x2c: {  	s7 =	sld [smem:$0x3FB5]  }
0x2d: {  	s3 =	simm.s32 $0x108;
	s8 =	sld [smem:$0x3FB6]  }
0x2e: {  	s3 =	simm.s32 @!p0 $0x1082;
	s9 =	sld [smem:$0x3FB7]  }
0x2f: {  	lr =	sadd.s32 s0, s3;
	s0 =	sld [smem:$0x3FAE]  }
0x30: {  	s3 =	sld [smem:$0x3FB1]  }
0x31: {  	[smem:$0x3FBA] =	sst s10  }
0x32: {  	s10 =	sld [smem:$0x3FB8];
	_ =	sdelay $0x3  }
0x33: {  	p0 =	seq.s32 s10, $0x1;
	s10 =	sld [smem:$0x3FBA];
	_ =	sdelay $0x3  }
0x34: {  	[smem:$0x3FBA] =	sst s10  }
0x35: {  	s10 =	sld [smem:$0x3FB9];
	_ =	sdelay $0x3  }
0x36: {  	p1 =	seq.s32 s10, $0x1;
	s10 =	sld [smem:$0x3FBA];
	_ =	sdelay $0x3  }
0x37: {  	[smem:$0x3FBA] =	sst s10  }
0x38: {  	s10 =	sld [smem:$0x3FBB]  }
0x39: {  	_ = 	snop;
	(pc) =	sbr.ind lr, $3  }
0x3a: {  	_ = 	snop  }
0x3b: {  	_ = 	snop  }
0x3c: {  	p2 =	seq.s32 s10, $0x1;
	s10 =	sld [smem:$0x3FBA]  }
0x3d: {  	_ =	shalt  }
0x3e: {  	_ =	shalt  }
0x3f: {  	_ =	shalt  }
0x40: {  	_ =	shalt  }
0x41: {  	_ =	shalt  }
0x42: {  	_ =	shalt  }
0x43: {  	_ =	shalt  }
0x44: {  	_ =	shalt  }
0x45: {  	_ =	shalt  }
0x46: {  	_ =	shalt  }
0x47: {  	_ =	shalt  }
0x48: {  	_ =	shalt  }
0x49: {  	_ =	shalt  }
0x4a: {  	_ =	shalt  }
0x4b: {  	_ =	shalt  }
0x4c: {  	_ =	shalt  }
0x4d: {  	_ =	shalt  }
0x4e: {  	_ =	shalt  }
0x4f: {  	_ =	shalt  }
0x50: {  	_ =	shalt  }
0x51: {  	_ =	shalt  }
0x52: {  	_ =	shalt  }
0x53: {  	_ =	shalt  }
0x54: {  	_ =	shalt  }
0x55: {  	_ =	shalt  }
0x56: {  	_ =	shalt  }
0x57: {  	_ =	shalt  }
0x58: {  	_ =	shalt  }
0x59: {  	_ =	shalt  }
0x5a: {  	_ =	shalt  }
0x5b: {  	_ =	shalt  }
0x5c: {  	_ =	shalt  }
0x5d: {  	_ =	shalt  }
0x5e: {  	_ =	shalt  }
0x5f: {  	_ =	shalt  }
0x60: {  	_ =	shalt  }
0x61: {  	_ =	shalt  }
0x62: {  	_ =	shalt  }
0x63: {  	_ =	shalt  }
0x64: {  	_ =	shalt  }
0x65: {  	_ =	shalt  }
0x66: {  	_ =	shalt  }
0x67: {  	_ =	shalt  }
0x68: {  	_ =	shalt  }
0x69: {  	_ =	shalt  }
0x6a: {  	_ =	shalt  }
0x6b: {  	_ =	shalt  }
0x6c: {  	_ =	shalt  }
0x6d: {  	_ =	shalt  }
0x6e: {  	_ =	shalt  }
0x6f: {  	_ =	shalt  }
0x70: {  	_ =	shalt  }
0x71: {  	_ =	shalt  }
0x72: {  	_ =	shalt  }
0x73: {  	_ =	shalt  }
0x74: {  	_ =	shalt  }
0x75: {  	_ =	shalt  }
0x76: {  	_ =	shalt  }
0x77: {  	_ =	shalt  }
0x78: {  	_ =	shalt  }
0x79: {  	_ =	shalt  }
0x7a: {  	_ =	shalt  }
0x7b: {  	_ =	shalt  }
0x7c: {  	_ =	shalt  }
0x7d: {  	_ =	shalt  }
0x7e: {  	_ =	shalt  }
0x7f: {  	_ =	shalt  }
0x80: {  	_ =	shalt  }
0x81: {  	_ =	shalt  }
0x82: {  	_ =	shalt  }
0x83: {  	_ =	shalt  }
0x84: {  	_ =	shalt  }
0x85: {  	_ =	shalt  }
0x86: {  	_ =	shalt  }
0x87: {  	_ =	shalt  }
.Lfunc_end0:
.L_simem_size_0:
called_computation.1_lowered:
.L_overlay_start_0:
0x88: {  	s2 =	sld [smem:$0x3FD9]  }
0x89: {  	s3 =	sld [smem:$0x3FFE];
	_ =	sdelay $0x1  }
0x8a: {  	s1 =	srdreg.scid  }
0x8b: {  	s0 =	sand.u32 $0x1, s1  }
0x8c: {  	s17 =	sshll.u32 s0, $0xA;
	s2 =	sadd.s32 s3, s2  }
0x8d: {  	s2 =	sadd.s32 s2, s17  }
0x8e: {  	[smem:$0x3FC6] =	sst s2  }
0x8f: {  	_ = 	snop  }
0x90: {  	s2 =	sld [smem:$0x3FD0];
	(tm) =	ssettm $0x1  }
0x91: {  	s18 =	sld [smem:$0x3FFB];
	_ =	sdelay $0x3  }
0x92: {  	_ =	strace s18  }
0x93: {  	s3 =	sld [smem:$0x3FFC];
	_ =	sdelay $0x3  }
0x94: {  	_ =	strace s3  }
0x95: {  	s3 =	sld [smem:$0x3FFD];
	_ =	sdelay $0x3  }
0x96: {  	_ =	strace s3  }
0x97: {  	_ =	strace $0x8FFFFFFF  }
0x98: {  	s19 =	sld [smem:$0x3FDB];
	_ =	sdelay $0x1  }
0x99: {  	s4 =	simm.s32 $_scs_section_size  }
0x9a: {  	s5 =	simm.s32 $_size__tile_overlayer_lowered;
	s6 =	simm.s32 $_tile_overlayer_lowered  }
0x9b: {  	s22 =	simm.s32 $0x1BFF;
	s21 =	sshll.u32 s6, $0x1;
	s3 =	sadd.s32 s4, s19  }
0x9c: {  	s7 =	simm.s32 $0x0;
	s20 =	sshll.u32 s5, $0x1;
	s5 =	sadd.s32 s21, s3  }
0x9d: {  	[timem:s7], [sflag:s22] =	dma.local [hbm:s5], s20  }
0x9e: {  	_ =	swait.ge [sflag:s22], s20  }
0x9f: {  	s4 =	ssub.s32 $0x0, s20;
	[sflag:s22] =	ssyncset.done $0x0  }
0xa0: {  	[sflag:s22] =	ssyncadd.s32 s4;
	_ =	sdelay $0x1  }
0xa1: {  	s23 =	simm.s32 $0x1B8B  }
0xa2: {  	_ =	swait.ge [sflag:s23], $0x1  }
0xa3: {  	[sflag:s23] =	ssyncset.done $0x0  }
0xa4: {  	s25 =	simm.s32 $0x1B8E;
	s24 =	sld [smem:$0x3FFE];
	[sflag:s23] =	ssyncadd.s32 $0xFFFFFFFF  }
0xa5: {  	s26 =	simm.s32 $execute0_lowered;
	[smem:$0x3FD2] =	sst s25  }
0xa6: {  	s5 =	sshll.u32 s26, $0x1;
	_ =	strace $0x80000046;
	[dreg:$0x1] =	wrdreg $0xFFFFFFFF  }
0xa7: {  	s28 =	simm.s32 $_size_execute0_lowered;
	s3 =	sadd.s32 s3, s5;
	[dreg:$0x0] =	wrdreg $0x0  }
0xa8: {  	s5 =	sshll.u32 s28, $0x1;
	[dreg:$0x2] =	wrdreg s3  }
0xa9: {  	[dreg:$0x3] =	wrdreg s5  }
0xaa: {  	[dreg:$0x4] =	wrdreg $0xC0  }
0xab: {  	_ =	task [dreg:s7], $0x5FFFF  }
0xac: {  	[dreg:$0x1] =	wrdreg $0xFFFFFFFF  }
0xad: {  	[dreg:$0x0] =	wrdreg $0x60  }
0xae: {  	[dreg:$0x2] =	wrdreg s24  }
0xaf: {  	[dreg:$0x3] =	wrdreg s2  }
0xb0: {  	[dreg:$0x4] =	wrdreg $0x0  }
0xb1: {  	[dreg:$0x5] =	wrdreg $0x80000  }
0xb2: {  	[dreg:$0x6] =	wrdreg $0x9  }
0xb3: {  	_ =	task.clear_ibuf [dreg:s7], $0x7FFFF;
	_ =	strace $0x90000046  }
0xb4: {  	s29 =	simm.s32 $0x9;
	_ =	strace $0x80000048  }
0xb5: {  	_ =	swait.ge [sflag:s29], $0x1  }
0xb6: {  	[sflag:s29] =	ssyncadd.s32 $0xFFFFFFFF  }
0xb7: {  	_ =	strace $0x90000048  }
0xb8: {  	_ =	sfence  }
0xb9: {  	s30 =	sld [smem:$0x0];
	_ =	sdelay $0x2  }
0xba: {  	s31 =	sshll.u32 s1, $0xD;
	s1 =	sshrl.u32 s1, $0x2  }
0xbb: {  	s3 =	sand.u32 $0x4000, s31;
	s1 =	sadd.s32 s1, s30  }
0xbc: {  	s0 =	sor.u32 s3, s0;
	s1 =	sshll.u32 s1, $0x11  }
0xbd: {  	s0 =	sor.u32 s1, s0  }
0xbe: {  	s0 =	sadd.s32 $0x8F2B, s0  }
0xbf: {  	[sflag:s0] =	ssyncadd.remote.s32 $0x1  }
0xc0: {  	_ =	sfence.sel $0xFFFF  }
0xc1: {  	[dreg:$0x0] =	wrdreg $0xFFFFFFFF;
	(pc) =	sbr.abs _section_cstart, $3  }
0xc2: {  	[dreg:$0x1] =	wrdreg $0xFFFFFFFF  }
0xc3: {  	_ =	task.clear_ibuf [dreg:s7], $0x2FFFF;
	_ =	strace $0x9FFFFFFF  }
0xc4: {  	(tm) =	ssettm $0x7FFFFFFF  }
0xc5: {  	_ =	shalt  }
tec
execute0_lowered:
.L_overlay_start_1:
0x0: {  	(tag) =	ssettag $0x1  }
0x1: {  	s0 =	rddreg [dreg:$0x0]  }
0x2: {  	s1 =	rddreg [dreg:$0x1]  }
0x3: {  	s2 =	rddreg [dreg:$0x2]  }
0x4: {  	s3 =	rddreg [dreg:$0x3];
	s5 =	srdreg.scid;
	s4 =	simm.s32 $0x0  }
0x5: {  	s8 =	sand.u32 $0x1, s5;
	[smem:$0x7FF] =	sst s4;
	s6 =	sadd.s32 $0xA00, s0  }
0x6: {  	s7 =	sadd.s32 $0x9200, s0;
	s5 =	stileid.u32;
	s9 =	ssub.s32 $0x2, s8  }
0x7: {  	_ =	strace $0x80000047;
	s14 =	sshll.u32 s5, $0xC;
	s15 =	sshll.u32 s5, $0x7  }
0x8: {  	s12 =	sor.u32 $0x10, s5;
	s11 =	sor.u32 $0x20, s5;
	s22 =	sor.u32 $0x30, s5  }
0x9: {  	s13 =	sor.u32 $0x40, s5;
	s26 =	sor.u32 $0x50, s5;
	s29 =	sor.u32 $0x60, s5  }
0xa: {  	s10 =	sshrl.u32 s9, $0x1;
	s16 =	sadd.s32 s15, s3;
	s17 =	sshll.u32 s12, $0xC  }
0xb: {  	s18 =	sshll.u32 s12, $0x7;
	s19 =	sshll.u32 s11, $0xC;
	s20 =	sshll.u32 s11, $0x7  }
0xc: {  	s23 =	sshll.u32 s22, $0xC;
	s24 =	sshll.u32 s13, $0xC;
	s25 =	sshll.u32 s13, $0x7  }
0xd: {  	s28 =	sshll.u32 s26, $0xC;
	s30 =	sshll.u32 s26, $0x7;
	s31 =	sshll.u32 s29, $0xC  }
0xe: {  	s0 =	ssub.s32 s9, s10;
	s9 =	sadd.s32 s14, s2;
	[dreg:$0x6] =	wrdreg s16  }
0xf: {  	s15 =	sor.u32 $0x70, s5;
	s21 =	sadd.s32 s20, s3;
	[dreg:$0x5] =	wrdreg s9  }
0x10: {  	s10 =	sadd.s32 s23, s2;
	s14 =	sadd.s32 s31, s2;
	[dreg:$0xa] =	wrdreg s21  }
0x11: {  	s16 =	sshll.u32 s29, $0x7;
	s9 =	sadd.s32 s17, s2;
	[dreg:$0xb] =	wrdreg s10  }
0x12: {  	[dreg:$0x11] =	wrdreg s14;
	s17 =	sshll.u32 s15, $0xC;
	s10 =	sadd.s32 s16, s3  }
0x13: {  	s21 =	sor.u32 $0x100, s5;
	s0 =	smax.u32 s0, $0x1;
	[dreg:$0x7] =	wrdreg s9  }
0x14: {  	s14 =	simm.s32 $0x1CC00;
	s16 =	simm.s32 $0x1DC00;
	[dreg:$0x12] =	wrdreg s10  }
0x15: {  	s9 =	sadd.s32 s18, s3;
	s18 =	sadd.s32 s17, s2;
	[dreg:$0x16] =	wrdreg s0  }
0x16: {  	p0 =	sgt.u32 s21, $0x106;
	p3 =	slt.u32 s21, $0x106;
	[dreg:$0x8] =	wrdreg s9  }
0x17: {  	s17 =	simm.s32 $0x20;
	s9 =	sadd.s32 s19, s2;
	[dreg:$0x13] =	wrdreg s18  }
0x18: {  	s19 =	sshll.u32 s5, $0x10;
	[dreg:$0x9] =	wrdreg s9;
	s9 =	sshll.u32 s22, $0x7  }
0x19: {  	s22 =	sshll.u32 s12, $0x10;
	s12 =	sshll.u32 s5, $0xA;
	s9 =	sadd.s32 s9, s3  }
0x1a: {  	p1 =	seq.s32 @!p0 s5, $0x6;
	s31 =	sadd.s32 s12, s3;
	[dreg:$0xc] =	wrdreg s9  }
0x1b: {  	s18 =	simm.s32 $0x40;
	s9 =	sadd.s32 s24, s2;
	[dreg:$0x1c] =	wrdreg s31  }
0x1c: {  	p2 =	por !p1, p0;
	p1 =	por p1, p0;
	[dreg:$0xd] =	wrdreg s9  }
0x1d: {  	s9 =	sadd.s32 s25, s3;
	s25 =	sshll.u32 s8, $0x5;
	s8 =	sshll.u32 s8, $0x2  }
0x1e: {  	[dreg:$0xe] =	wrdreg s9;
	s9 =	sadd.s32 s28, s2;
	s20 =	sadd.s32 s8, s1  }
0x1f: {  	s8 =	sadd.s32 s8, s7;
	s0 =	sor.u32 s25, s22;
	s22 =	simm.s32 $0x14800  }
0x20: {  	[dreg:$0xf] =	wrdreg s9;
	s9 =	sadd.s32 s30, s3;
	s26 =	sadd.s32 $0x20C000, s20  }
0x21: {  	s8 =	sadd.s32 $0x20C000, s8;
	s0 =	sshrl.u32 s0, $0x3;
	[dreg:$0x10] =	wrdreg s9  }
0x22: {  	s20 =	simm.s32 $0x400;
	s9 =	sshll.u32 s15, $0x7;
	[dreg:$0x15] =	wrdreg s8  }
0x23: {  	s8 =	sshll.u32 s21, $0x10;
	s0 =	sadd.s32 s7, s0;
	s15 =	simm.s32 $0x3  }
0x24: {  	s21 =	simm.s32 $0x4;
	s9 =	sadd.s32 s9, s3;
	[dreg:$0x19] =	wrdreg s0  }
0x25: {  	s8 =	sor.u32 s25, s8;
	[dreg:$0x14] =	wrdreg s9;
	s9 =	sor.u32 s25, s19  }
0x26: {  	s8 =	sshrl.u32 s8, $0x3;
	s23 =	sshrl.u32 s9, $0x3;
	s29 =	sor.u32 $0x300000, s9  }
0x27: {  	s28 =	sadd.s32 s7, s8;
	s10 =	sadd.s32 s7, s23;
	s0 =	sshrl.u32 s29, $0x3  }
0x28: {  	[dreg:$0x18] =	wrdreg s10;
	s10 =	sadd.s32 s0, s7;
	s0 =	simm.s32 @!p2 $0x0  }
0x29: {  	s19 =	simm.s32 $0xC800;
	[dreg:$0x1a] =	wrdreg s28;
	s0 =	simm.s32 @p2 $0x1  }
0x2a: {  	s30 =	sor.u32 $0x200000, s9;
	[smem:$0x7FB] =	sst s0;
	s0 =	simm.s32 @!p1 $0x0  }
0x2b: {  	v0 =	vlaneseq.u32;
	s24 =	sadd.s32 s1, s23;
	[dreg:$0x1b] =	wrdreg s30;
	s0 =	simm.s32 @p1 $0x1  }
0x2c: {  	v1 =	vmul.u32 $0xFFFFFFFF, v0;
	s23 =	simm.s32 $0x1;
	[smem:$0x7FC] =	sst s0;
	s0 =	simm.s32 @!p3 $0x0  }
0x2d: {  	[dreg:$0x17] =	wrdreg s24;
	p2 =	sne.s32 @!p3 s5, $0x6;
	s0 =	simm.s32 @p3 $0x1  }
0x2e: {  	v2 =	vimm.f32 $0.0e+00;
	v0 =	vimm.f32 $1.000000000e+00;
	v1 =	vadd.s32 $0x93, v1;
	s24 =	simm.s32 $0x2;
	p4 =	por p2, p3;
	[smem:$0x7FD] =	sst s0  }
.LBB2_1:
0x2f: {  	s0 =	simm.s32 $0x1DC80;
	s8 =	simm.s32 $0x1E080;
	s13 =	simm.s32 $0x0  }
.LBB2_2:
0x30: {  	p1 =	sne.s32 s13, $0x3F0  }
.Ltmp0:
0x31: {  	_ = 	snop;
	(pc) =	sbr.rel @p1 .LBB2_2-.Ltmp0, $4  }
0x32: {  	v3 =	vmov s13  }
0x33: {  	vm0 =	vlt.u32 v3, v1  }
0x34: {  	[tilespmem:s0+$0x0] =	vst v0;
	v3 =	vsel vm0, $0x3F800000, v2  }
0x35: {  	s0 =	sadd.s32 $0x10, s0;
	s13 =	sadd.s32 $0x10, s13;
	[tilespmem:s8+$0x0] =	vst v3;
	s8 =	sadd.s32 $0x10, s8  }
0x36: {  	s0 =	simm.s32 $0x80;
	s8 =	simm.s32 $0x0  }
.LBB2_4:
0x37: {  	p1 =	sne.s32 s0, $0x3F80;
	[tilespmem:s8+$0x1CC00] =	vst v2;
	s13 =	smov.u32 s0;
	s0 =	sadd.s32 $0x80, s0  }
.Ltmp1:
0x38: {  	[tilespmem:s8+$0x1CC10] =	vst v2;
	(pc) =	sbr.rel @p1 .LBB2_4-.Ltmp1, $2  }
0x39: {  	_ =	sdelay $0x2  }
0x3a: {  	s8 =	sshra.s32 s13, $0x2  }
0x3b: {  	[tilespmem:s8+$0x1CC00] =	vst v2  }
0x3c: {  	[tilespmem:s8+$0x1CC10] =	vst v2  }
0x3d: {  	[tilespmem:$0x1DC00] =	vst v2  }
0x3e: {  	[tilespmem:$0x1DC10] =	vst v2  }
0x3f: {  	[tilespmem:$0x1DC20] =	vst v2  }
0x40: {  	[tilespmem:$0x1DC30] =	vst v2  }
0x41: {  	[tilespmem:$0x1DC40] =	vst v2  }
0x42: {  	[tilespmem:$0x1DC50] =	vst v2  }
0x43: {  	[tilespmem:$0x1DC60] =	vst v2  }
0x44: {  	s0 =	rddreg [dreg:$0x5];
	[tilespmem:$0x1DC70] =	vst v2  }
0x45: {  	[spmem:s0] =	stream.linear.scatter [tilespmem:s14], [sflag:$0x3], $0x1000, $0x38;
	[tilespmem:$0x1E480] =	vst v63  }
0x46: {  	_ =	swait.ge [sflag:s15], $0x1000  }
0x47: {  	[sflag:s15] =	ssyncset.done $0x0  }
0x48: {  	s30 =	rddreg [dreg:$0x6];
	[sflag:s15] =	ssyncadd.s32 $0xFFFFF000  }
0x49: {  	[spmem:s30] =	stream.linear.scatter [tilespmem:s16], [sflag:$0x3], $0x80, $0x38;
	[tilespmem:$0x1E480] =	vst v63  }
0x4a: {  	_ =	swait.ge [sflag:s15], $0x80  }
0x4b: {  	[sflag:s15] =	ssyncset.done $0x0  }
0x4c: {  	s31 =	rddreg [dreg:$0x7];
	[sflag:s15] =	ssyncadd.s32 $0xFFFFFF80  }
0x4d: {  	[spmem:s31] =	stream.linear.scatter [tilespmem:s14], [sflag:$0x3], $0x1000, $0x38;
	[tilespmem:$0x1E480] =	vst v63  }
0x4e: {  	_ =	swait.ge [sflag:s15], $0x1000  }
0x4f: {  	[sflag:s15] =	ssyncset.done $0x0  }
0x50: {  	s8 =	rddreg [dreg:$0x8];
	[sflag:s15] =	ssyncadd.s32 $0xFFFFF000  }
0x51: {  	[spmem:s8] =	stream.linear.scatter [tilespmem:s16], [sflag:$0x3], $0x80, $0x38;
	[tilespmem:$0x1E480] =	vst v63  }
0x52: {  	_ =	swait.ge [sflag:s15], $0x80  }
0x53: {  	[sflag:s15] =	ssyncset.done $0x0  }
0x54: {  	s9 =	rddreg [dreg:$0x9];
	[sflag:s15] =	ssyncadd.s32 $0xFFFFFF80  }
0x55: {  	[spmem:s9] =	stream.linear.scatter [tilespmem:s14], [sflag:$0x3], $0x1000, $0x38;
	[tilespmem:$0x1E480] =	vst v63  }
0x56: {  	_ =	swait.ge [sflag:s15], $0x1000  }
0x57: {  	[sflag:s15] =	ssyncset.done $0x0  }
0x58: {  	s13 =	rddreg [dreg:$0xa];
	[sflag:s15] =	ssyncadd.s32 $0xFFFFF000  }
0x59: {  	[spmem:s13] =	stream.linear.scatter [tilespmem:s16], [sflag:$0x3], $0x80, $0x38;
	[tilespmem:$0x1E480] =	vst v63  }
0x5a: {  	_ =	swait.ge [sflag:s15], $0x80  }
0x5b: {  	[sflag:s15] =	ssyncset.done $0x0  }
0x5c: {  	s28 =	rddreg [dreg:$0xb];
	[sflag:s15] =	ssyncadd.s32 $0xFFFFFF80  }
0x5d: {  	[spmem:s28] =	stream.linear.scatter [tilespmem:s14], [sflag:$0x3], $0x1000, $0x38;
	[tilespmem:$0x1E480] =	vst v63  }
0x5e: {  	_ =	swait.ge [sflag:s15], $0x1000  }
0x5f: {  	[sflag:s15] =	ssyncset.done $0x0  }
0x60: {  	s29 =	rddreg [dreg:$0xc];
	[sflag:s15] =	ssyncadd.s32 $0xFFFFF000  }
0x61: {  	[spmem:s29] =	stream.linear.scatter [tilespmem:s16], [sflag:$0x3], $0x80, $0x38;
	[tilespmem:$0x1E480] =	vst v63  }
0x62: {  	_ =	swait.ge [sflag:s15], $0x80  }
0x63: {  	[sflag:s15] =	ssyncset.done $0x0  }
0x64: {  	s30 =	rddreg [dreg:$0xd];
	[sflag:s15] =	ssyncadd.s32 $0xFFFFFF80  }
0x65: {  	[spmem:s30] =	stream.linear.scatter [tilespmem:s14], [sflag:$0x3], $0x1000, $0x38;
	[tilespmem:$0x1E480] =	vst v63  }
0x66: {  	_ =	swait.ge [sflag:s15], $0x1000  }
0x67: {  	[sflag:s15] =	ssyncset.done $0x0  }
0x68: {  	s31 =	rddreg [dreg:$0xe];
	[sflag:s15] =	ssyncadd.s32 $0xFFFFF000  }
0x69: {  	[spmem:s31] =	stream.linear.scatter [tilespmem:s16], [sflag:$0x3], $0x80, $0x38;
	[tilespmem:$0x1E480] =	vst v63  }
0x6a: {  	_ =	swait.ge [sflag:s15], $0x80  }
0x6b: {  	[sflag:s15] =	ssyncset.done $0x0  }
0x6c: {  	s8 =	rddreg [dreg:$0xf];
	[sflag:s15] =	ssyncadd.s32 $0xFFFFFF80  }
0x6d: {  	[spmem:s8] =	stream.linear.scatter [tilespmem:s14], [sflag:$0x3], $0x1000, $0x38;
	[tilespmem:$0x1E480] =	vst v63  }
0x6e: {  	_ =	swait.ge [sflag:s15], $0x1000  }
0x6f: {  	[sflag:s15] =	ssyncset.done $0x0  }
0x70: {  	s9 =	rddreg [dreg:$0x10];
	[sflag:s15] =	ssyncadd.s32 $0xFFFFF000  }
0x71: {  	[spmem:s9] =	stream.linear.scatter [tilespmem:s16], [sflag:$0x3], $0x80, $0x38;
	[tilespmem:$0x1E480] =	vst v63  }
0x72: {  	_ =	swait.ge [sflag:s15], $0x80  }
0x73: {  	[sflag:s15] =	ssyncset.done $0x0  }
0x74: {  	s13 =	rddreg [dreg:$0x11];
	[sflag:s15] =	ssyncadd.s32 $0xFFFFFF80  }
0x75: {  	[spmem:s13] =	stream.linear.scatter [tilespmem:s14], [sflag:$0x3], $0x1000, $0x38;
	[tilespmem:$0x1E480] =	vst v63  }
0x76: {  	_ =	swait.ge [sflag:s15], $0x1000  }
0x77: {  	[sflag:s15] =	ssyncset.done $0x0  }
0x78: {  	s28 =	rddreg [dreg:$0x12];
	[sflag:s15] =	ssyncadd.s32 $0xFFFFF000  }
0x79: {  	[spmem:s28] =	stream.linear.scatter [tilespmem:s16], [sflag:$0x3], $0x80, $0x38;
	[tilespmem:$0x1E480] =	vst v63  }
0x7a: {  	_ =	swait.ge [sflag:s15], $0x80  }
0x7b: {  	[sflag:s15] =	ssyncset.done $0x0  }
0x7c: {  	s29 =	rddreg [dreg:$0x13];
	[sflag:s15] =	ssyncadd.s32 $0xFFFFFF80  }
0x7d: {  	[spmem:s29] =	stream.linear.scatter [tilespmem:s14], [sflag:$0x3], $0x1000, $0x38;
	[tilespmem:$0x1E480] =	vst v63  }
0x7e: {  	_ =	swait.ge [sflag:s15], $0x1000  }
0x7f: {  	[sflag:s15] =	ssyncset.done $0x0  }
0x80: {  	s30 =	rddreg [dreg:$0x14];
	[sflag:s15] =	ssyncadd.s32 $0xFFFFF000  }
0x81: {  	[spmem:s30] =	stream.linear.scatter [tilespmem:s16], [sflag:$0x3], $0x80, $0x38;
	[tilespmem:$0x1E480] =	vst v63  }
0x82: {  	_ =	swait.ge [sflag:s15], $0x80  }
.Ltmp2:
0x83: {  	[sflag:s15] =	ssyncset.done $0x0;
	(pc) =	sbr.rel .LBB2_6-.Ltmp2, $4  }
0x84: {  	[sflag:s15] =	ssyncadd.s32 $0xFFFFFF80  }
0x85: {  	[bflag:$0x0] =	sbarrier.arrive $0xFFFF  }
0x86: {  	s0 =	simm.s32 $0x0;
	s31 =	rddreg [dreg:$0x17]  }
0x87: {  	[tilespmem:s19], [sflag:$0x1] =	stream.strided.gather [hbm4b:s31+s17], $0x8000, s18, s17, $0x38;
	[tilespmem:$0x1E480] =	vst v63  }
.LBB2_11:
0x88: {  	s9 =	sshll.u32 s0, $0xB  }
0x89: {  	s9 =	sand.u32 $0x3FFFF800, s9  }
0x8a: {  	p3 =	por @!p6 $0x0, $0x0;
	p2 =	por @!p2 $0x1, $0x1;
	s9 =	sadd.s32 $0x8400, s9  }
0x8b: {  	[spmem:s2] =	stream.indirect.scatter.add.f32 [tilespmem:s19], [sflag:$0x4], $0x20, s9, s20, $0xb8;
	[tilespmem:$0x1E480] =	vst v63  }
0x8c: {  	p2 =	por @!p6 p3, p3;
	p3 =	por $0x0, $0x0;
	_ =	swait.ge [sflag:s21], $0x8000  }
0x8d: {  	p3 =	por @!p5 p2, p2;
	[sflag:s21] =	ssyncset.done $0x0  }
0x8e: {  	s29 =	simm.s32 @p3 $0x400;
	s30 =	simm.s32 @p3 $0x1DC80;
	[sflag:s21] =	ssyncadd.s32 $0xFFFF8000  }
0x8f: {  	[spmem:s3] =	stream.indirect.scatter.add.f32 @p3 [tilespmem:s30], [sflag:$0x4], $0x1, s9, s29, $0xb8;
	[tilespmem:$0x1E480] =	vst v63  }
0x90: {  	s29 =	simm.s32 @p3 $0x4  }
0x91: {  	_ =	swait.ge @p3 [sflag:s29], $0x400  }
0x92: {  	[sflag:s29] =	ssyncset.done @p3 $0x0  }
0x93: {  	s30 =	simm.s32 @p1 $0x1E080;
	[sflag:s29] =	ssyncadd.s32 @p3 $0xFFFFFC00;
	s29 =	simm.s32 @p1 $0x400  }
0x94: {  	[spmem:s3] =	stream.indirect.scatter.add.f32 @p1 [tilespmem:s30], [sflag:$0x4], $0x1, s9, s29, $0xb8;
	[tilespmem:$0x1E480] =	vst v63  }
0x95: {  	s9 =	simm.s32 @p1 $0x4  }
0x96: {  	_ =	swait.ge @p1 [sflag:s9], $0x400  }
0x97: {  	[sflag:s9] =	ssyncset.done @p1 $0x0  }
0x98: {  	[sflag:s9] =	ssyncadd.s32 @p1 $0xFFFFFC00  }
.LBB2_12:
0x99: {  	p1 =	sgt.u32 s13, $0x106  }
0x9a: {  	s9 =	sshll.u32 @!p1 s28, $0xA  }
0x9b: {  	s28 =	sshll.u32 @!p1 s13, $0x7;
	s9 =	sand.u32 @!p1 $0x3FFFFC00, s9  }
0x9c: {  	s29 =	simm.s32 @!p1 $0x0;
	s28 =	sadd.s32 @!p1 s6, s28;
	s9 =	sadd.s32 @!p1 $0x8400, s9  }
0x9d: {  	[tilespmem:s9], [sflag:$0x4] =	stream.linear.gather @!p1 [hbm4b:s28+s29], $0x400, $0x38;
	[tilespmem:$0x1E480] =	vst v63  }
0x9e: {  	s8 =	sadd.s32 s11, s8;
	p2 =	sgt.u32 @!p1 s13, $0x105;
	s28 =	simm.s32 @!p1 $0x4  }
0x9f: {  	p5 =	sgt.u32 s8, $0x105;
	p2 =	por p2, p1;
	_ =	swait.ge @!p1 [sflag:s28], $0x400  }
0xa0: {  	p3 =	sne.s32 @p5 s8, $0x106;
	s8 =	sshll.u32 @!p5 s8, $0x10;
	[sflag:s28] =	ssyncset.done @!p1 $0x0  }
0xa1: {  	s13 =	simm.s32 @!p2 $0x2;
	p3 =	por p3, !p5;
	[sflag:s28] =	ssyncadd.s32 @!p1 $0xFFFFFC00  }
0xa2: {  	s8 =	sor.u32 @!p5 s25, s8;
	s29 =	simm.s32 @!p3 $0x40;
	_ =	swait.ge @!p2 [sflag:s13], $0x8000  }
0xa3: {  	s30 =	simm.s32 @!p3 $0xC800;
	s8 =	sshrl.u32 @!p5 s8, $0x3;
	[sflag:s13] =	ssyncset.done @!p2 $0x0  }
0xa4: {  	s8 =	sadd.s32 @!p5 s1, s8;
	[sflag:s13] =	ssyncadd.s32 @!p2 $0xFFFF8000;
	s13 =	simm.s32 @!p3 $0x20  }
0xa5: {  	[tilespmem:s30], [sflag:$0x1] =	stream.strided.gather @!p3 [hbm4b:s26+s13], $0x1260, s29, s13, $0x38;
	[tilespmem:$0x1E480] =	vst v63  }
0xa6: {  	s13 =	simm.s32 @!p5 $0x20;
	s29 =	simm.s32 @!p5 $0x40;
	s30 =	simm.s32 @!p5 $0xC800  }
0xa7: {  	[tilespmem:s30], [sflag:$0x1] =	stream.strided.gather @!p5 [hbm4b:s8+s13], $0x8000, s29, s13, $0x38;
	[tilespmem:$0x1E480] =	vst v63  }
0xa8: {  	s8 =	simm.s32 @!p1 $0x400;
	s13 =	simm.s32 @!p1 $0x14800  }
0xa9: {  	[spmem:s2] =	stream.indirect.scatter.add.f32 @!p1 [tilespmem:s13], [sflag:$0x4], $0x20, s9, s8, $0xb8;
	[tilespmem:$0x1E480] =	vst v63  }
0xaa: {  	_ =	swait.ge @!p1 [sflag:s28], $0x8000  }
0xab: {  	s0 =	sadd.s32 $0x1, s0;
	s8 =	simm.s32 @!p2 $0x400;
	[sflag:s28] =	ssyncset.done @!p1 $0x0  }
0xac: {  	s13 =	simm.s32 @!p2 $0x1DC80;
	[sflag:s28] =	ssyncadd.s32 @!p1 $0xFFFF8000;
	p1 =	sne.s32 s0, $0x9  }
0xad: {  	[spmem:s3] =	stream.indirect.scatter.add.f32 @!p2 [tilespmem:s13], [sflag:$0x4], $0x1, s9, s8, $0xb8;
	[tilespmem:$0x1E480] =	vst v63  }
.Ltmp3:
0xae: {  	_ = 	snop;
	(pc) =	sbr.rel @!p1 .LBB2_13-.Ltmp3, $4  }
0xaf: {  	s8 =	simm.s32 @!p2 $0x4  }
0xb0: {  	_ =	swait.ge @!p2 [sflag:s8], $0x400  }
0xb1: {  	[sflag:s8] =	ssyncset.done @!p2 $0x0  }
0xb2: {  	[sflag:s8] =	ssyncadd.s32 @!p2 $0xFFFFFC00  }
.LBB2_6:
0xb3: {  	s8 =	sshll.u32 s0, $0x5  }
0xb4: {  	s13 =	sor.u32 s5, s8  }
0xb5: {  	p5 =	sgt.u32 s13, $0x106  }
0xb6: {  	s28 =	sshll.u32 @!p5 s0, $0xB  }
0xb7: {  	s29 =	sshll.u32 @!p5 s13, $0x7;
	s28 =	sand.u32 @!p5 $0x3FFFF800, s28  }
0xb8: {  	s30 =	simm.s32 @!p5 $0x0;
	s29 =	sadd.s32 @!p5 s6, s29;
	s28 =	sadd.s32 @!p5 $0x8400, s28  }
0xb9: {  	[tilespmem:s28], [sflag:$0x4] =	stream.linear.gather @!p5 [hbm4b:s29+s30], $0x400, $0x38;
	[tilespmem:$0x1E480] =	vst v63  }
0xba: {  	s29 =	simm.s32 @!p5 $0x4;
	s28 =	sshll.u32 s0, $0x1  }
0xbb: {  	p1 =	seq.s32 @!p5 s13, $0x106;
	_ =	swait.ge @!p5 [sflag:s29], $0x400;
	s28 =	sor.u32 $0x1, s28  }
0xbc: {  	p6 =	por !p1, p5;
	[sflag:s29] =	ssyncset.done @!p5 $0x0;
	s31 =	sshll.u32 s28, $0x4  }
0xbd: {  	[sflag:s29] =	ssyncadd.s32 @!p5 $0xFFFFFC00;
	s29 =	simm.s32 @!p6 $0x1;
	s13 =	sor.u32 s5, s31  }
0xbe: {  	p2 =	por p1, p5;
	_ =	swait.ge @!p6 [sflag:s29], $0x1260;
	p1 =	sgt.u32 s13, $0x105  }
0xbf: {  	[sflag:s29] =	ssyncset.done @!p6 $0x0;
	s30 =	sshll.u32 @!p1 s13, $0x10  }
.Ltmp4:
0xc0: {  	[sflag:s29] =	ssyncadd.s32 @!p6 $0xFFFFEDA0;
	s29 =	simm.s32 @!p2 $0x1;
	(pc) =	sbr.rel @p5 .LBB2_12-.Ltmp4, $4  }
0xc1: {  	s31 =	simm.s32 @!p1 $0x40;
	s30 =	sor.u32 @!p1 s25, s30;
	_ =	swait.ge @!p2 [sflag:s29], $0x8000  }
0xc2: {  	s9 =	simm.s32 @!p1 $0x14800;
	s30 =	sshrl.u32 @!p1 s30, $0x3;
	[sflag:s29] =	ssyncset.done @!p2 $0x0  }
0xc3: {  	[sflag:s29] =	ssyncadd.s32 @!p2 $0xFFFF8000;
	s29 =	sadd.s32 @!p1 s1, s30;
	s30 =	simm.s32 @!p1 $0x20  }
0xc4: {  	[tilespmem:s9], [sflag:$0x2] =	stream.strided.gather @!p1 [hbm4b:s29+s30], $0x8000, s31, s30, $0x38;
	[tilespmem:$0x1E480] =	vst v63  }
0xc5: {  	p1 =	por @!p6 $0x1, $0x1;
	p3 =	por @!p2 $0x0, $0x0  }
0xc6: {  	p3 =	por @!p6 p1, p1;
	p1 =	por $0x0, $0x0  }
0xc7: {  	p1 =	por @!p5 p3, p3  }
.Ltmp5:
0xc8: {  	_ = 	snop;
	(pc) =	sbr.rel @!p1 .LBB2_11-.Ltmp5, $1  }
0xc9: {  	_ =	sdelay $0x3  }
0xca: {  	s29 =	simm.s32 $0xFFFE4A00;
	s30 =	simm.s32 $0xFFFF9260  }
.LBB2_9:
0xcb: {  	p3 =	sne.s32 s29, $0xFFFFFF80;
	[tilespmem:s30+$0x14800] =	vst v2;
	s9 =	smov.u32 s29;
	s29 =	sadd.s32 $0x80, s29  }
.Ltmp6:
0xcc: {  	[tilespmem:s30+$0x14810] =	vst v2;
	(pc) =	sbr.rel @p3 .LBB2_9-.Ltmp6, $2  }
0xcd: {  	_ =	sdelay $0x2  }
0xce: {  	s30 =	sshra.s32 s9, $0x2  }
.Ltmp7:
0xcf: {  	(pc) =	sbr.rel .LBB2_11-.Ltmp7, $3  }
0xd0: {  	_ =	sdelay $0x1  }
0xd1: {  	[tilespmem:s30+$0x14800] =	vst v2  }
0xd2: {  	[tilespmem:s30+$0x14810] =	vst v2  }
.LBB2_13:
0xd3: {  	[bflag:$0x0] =	sbarrier.arrive $0xFFFF  }
0xd4: {  	s8 =	simm.s32 $0x1C800;
	s0 =	rddreg [dreg:$0x1c]  }
0xd5: {  	[tilespmem:s8], [sflag:$0x3] =	stream.linear.gather [spmem:s0], $0x400, $0x38;
	[tilespmem:$0x1E480] =	vst v63  }
0xd6: {  	_ =	swait.ge [sflag:s15], $0x400  }
0xd7: {  	s28 =	simm.s32 $0x0;
	[sflag:s15] =	ssyncset.done $0x0  }
0xd8: {  	s0 =	simm.s32 $0x0;
	s8 =	simm.s32 $0x40;
	[sflag:s15] =	ssyncadd.s32 $0xFFFFFC00  }
.LBB2_14:
0xd9: {  	p1 =	sne.s32 s8, $0xFC0;
	v3 =	vld [tilespmem:s0+$0x1C800];
	_ =	sdelay $0x4  }
0xda: {  	v3 =	vadd.f32 $1.000000020e-16, v3;
	_ =	sdelay $0x1  }
0xdb: {  	(erf) = vrcp.f32 v3;
	_ =	sdelay $0x5  }
.Ltmp8:
0xdc: {  	(pc) =	sbr.rel @p1 .LBB2_14-.Ltmp8, $3  }
0xdd: {  	_ =	sdelay $0x1  }
0xde: {  	v3 =	vpop (erf)  }
0xdf: {  	[tilespmem:s0+$0x1C800] =	vst v3;
	s0 =	sshra.s32 s8, $0x2;
	s8 =	sadd.s32 $0x40, s8  }
0xe0: {  	v3 =	vld [tilespmem:s0+$0x1C800];
	_ =	sdelay $0x4  }
0xe1: {  	v3 =	vadd.f32 $1.000000020e-16, v3;
	_ =	sdelay $0x1  }
0xe2: {  	(erf) = vrcp.f32 v3;
	_ =	sdelay $0x8  }
0xe3: {  	v3 =	vpop (erf)  }
0xe4: {  	s29 =	simm.s32 $0x1C800;
	[tilespmem:s0+$0x1C800] =	vst v3  }
.LBB2_16:
0xe5: {  	s0 =	sshll.u32 s28, $0x7  }
0xe6: {  	s0 =	sadd.s32 s12, s0  }
0xe7: {  	s0 =	sshll.u32 s0, $0x5  }
0xe8: {  	s0 =	sand.u32 $0x3FFFFFE0, s0  }
0xe9: {  	s30 =	sadd.s32 s0, s2  }
0xea: {  	[tilespmem:s14], [sflag:$0x3] =	stream.linear.gather [spmem:s30], $0x1000, $0x38;
	[tilespmem:$0x1E480] =	vst v63  }
0xeb: {  	_ =	swait.ge [sflag:s15], $0x1000  }
0xec: {  	[sflag:s15] =	ssyncset.done $0x0  }
0xed: {  	s31 =	simm.s32 $0x1CD00;
	[sflag:s15] =	ssyncadd.s32 $0xFFFFF000  }
0xee: {  	v9 =	vld [tilespmem:s31+$0xFFFFFFA0]  }
0xef: {  	v6 =	vld [tilespmem:s31+$0xFFFFFFF0]  }
0xf0: {  	v3 =	vld [tilespmem:s31+$0xFFFFFF60]  }
0xf1: {  	v7 =	vmov s29;
	v10 =	vld [tilespmem:s31+$0xFFFFFFD0]  }
0xf2: {  	v11 =	vld [tilespmem:s31+$0x80]  }
0xf3: {  	v14 =	vld [tilespmem:s31+$0xFFFFFF10]  }
0xf4: {  	v18 =	vld [tilespmem:s31+$0xE0]  }
0xf5: {  	s13 =	simm.s32 $0x0;
	v13 =	vld [tilespmem:s31+$0xFFFFFF40]  }
0xf6: {  	v4 =	vld.idx.msk [tilespmem:v7+s13+$0x0 ss:$0x1], $0xffff  }
0xf7: {  	v5 =	vld [tilespmem:s31+$0xFFFFFF90]  }
0xf8: {  	v12 =	vld [tilespmem:s31+$0xFFFFFFC0]  }
0xf9: {  	v15 =	vld [tilespmem:s31+$0xFFFFFF00]  }
0xfa: {  	v16 =	vld [tilespmem:s31+$0xD0]  }
0xfb: {  	v25 =	vld [tilespmem:s31+$0xC0]  }
0xfc: {  	v23 =	vld [tilespmem:s31+$0x90];
	v21 =	vbroadcast v4, $0x0;
	v8 =	vbroadcast v4, $0xF  }
0xfd: {  	v24 =	vld [tilespmem:s31+$0xFFFFFF50];
	v22 =	vbroadcast v4, $0x2;
	v20 =	vbroadcast v4, $0xE  }
0xfe: {  	v19 =	vld [tilespmem:s31+$0xB0];
	v17 =	vbroadcast v4, $0xC;
	v27 =	vmul.f32 v21, v15  }
0xff: {  	s8 =	simm.s32 $0x1CD00;
	s0 =	simm.s32 $0x40;
	v15 =	vbroadcast v4, $0xD;
	v26 =	vmul.f32 v13, v22;
	v13 =	vld [tilespmem:s31+$0x60]  }
.LBB2_17:
0x100: {  	p5 =	sne.s32 s0, $0x1C0  }
0x101: {  	[tilespmem:s31+$0xFFFFFF00] =	vst v27;
	v27 =	vld [tilespmem:s31+$0xFFFFFFB0];
	v25 =	vmul.f32 v25, v20;
	v18 =	vmul.f32 v18, v8;
	s8 =	sadd.s32 $0x200, s8;
	s13 =	smov.u32 s0;
	s0 =	sadd.s32 $0x40, s0  }
0x102: {  	[tilespmem:s31+$0xFFFFFF40] =	vst v26;
	v26 =	vbroadcast v4, $0xA;
	v23 =	vmul.f32 v23, v17;
	v28 =	vld [tilespmem:s31+$0xA0]  }
0x103: {  	v14 =	vmul.f32 v14, v21;
	v21 =	vmul.f32 v24, v22;
	v22 =	vld [tilespmem:s31+$0x70];
	[tilespmem:s31+$0xE0] =	vst v18  }
0x104: {  	v18 =	vbroadcast v4, $0x5;
	v24 =	vld [tilespmem:s31+$0xFFFFFFE0];
	v19 =	vmul.f32 v19, v15;
	[tilespmem:s31+$0xC0] =	vst v25  }
0x105: {  	v16 =	vmul.f32 v16, v20;
	[tilespmem:s31+$0xFFFFFF10] =	vst v14;
	v14 =	vbroadcast v4, $0x6;
	v25 =	vld [tilespmem:s31+$0x40]  }
0x106: {  	v29 =	vbroadcast v4, $0xB;
	v9 =	vmul.f32 v9, v18;
	v20 =	vld [tilespmem:s31+$0xFFFFFF20];
	[tilespmem:s31+$0x90] =	vst v23  }
0x107: {  	[tilespmem:s31+$0xFFFFFF50] =	vst v21;
	v21 =	vbroadcast v4, $0x9;
	v23 =	vld [tilespmem:s31+$0x20];
	v15 =	vmul.f32 v28, v15  }
0x108: {  	v18 =	vmul.f32 v27, v18;
	v27 =	vld [tilespmem:s31+$0x50];
	v22 =	vmul.f32 v22, v29;
	[tilespmem:s31+$0xD0] =	vst v16  }
0x109: {  	v11 =	vmul.f32 v11, v17;
	v16 =	vbroadcast v4, $0x7;
	v28 =	vld [tilespmem:s31+$0x30];
	[tilespmem:s31+$0xA0] =	vst v15  }
0x10a: {  	v12 =	vmul.f32 v12, v14;
	v15 =	vbroadcast v4, $0x3;
	v17 =	vld [tilespmem:s31+$0x0];
	[tilespmem:s31+$0x70] =	vst v22  }
0x10b: {  	v13 =	vmul.f32 v13, v29;
	v10 =	vmul.f32 v10, v14;
	v14 =	vld [tilespmem:s31+$0x10];
	[tilespmem:s31+$0x80] =	vst v11  }
0x10c: {  	v22 =	vbroadcast v4, $0x8;
	v25 =	vmul.f32 v25, v26;
	v11 =	vld [tilespmem:s31+$0xFFFFFF30];
	[tilespmem:s31+$0xB0] =	vst v19  }
0x10d: {  	v19 =	vbroadcast v4, $0x1;
	v29 =	vld [tilespmem:s31+$0xFFFFFF70];
	[tilespmem:s31+$0xFFFFFFD0] =	vst v10;
	v26 =	vmul.f32 v27, v26  }
0x10e: {  	v6 =	vmul.f32 v6, v16;
	v10 =	vmul.f32 v24, v16;
	[tilespmem:s31+$0xFFFFFFC0] =	vst v12;
	v12 =	vld [tilespmem:s31+$0xF0]  }
0x10f: {  	v24 =	vmul.f32 v28, v21;
	v16 =	vld [tilespmem:s31+$0xFFFFFF80];
	[tilespmem:s31+$0xFFFFFFA0] =	vst v9;
	v17 =	vmul.f32 v17, v22  }
0x110: {  	v9 =	vld [tilespmem:s8+$0xFFFFFFA0];
	[tilespmem:s31+$0xFFFFFFF0] =	vst v6;
	v22 =	vmul.f32 v14, v22;
	v14 =	vmul.f32 v23, v21  }
0x111: {  	v6 =	vmul.f32 v20, v19;
	v19 =	vmul.f32 v11, v19;
	[tilespmem:s31+$0x60] =	vst v13  }
0x112: {  	v3 =	vmul.f32 v3, v15;
	v11 =	vmul.f32 v29, v15;
	[tilespmem:s31+$0xFFFFFFB0] =	vst v18  }
0x113: {  	v4 =	vbroadcast v4, $0x4;
	[tilespmem:s31+$0xFFFFFF20] =	vst v6;
	v6 =	vmul.f32 v12, v8  }
0x114: {  	[tilespmem:s31+$0xFFFFFF60] =	vst v3  }
0x115: {  	v8 =	vmul.f32 v16, v4;
	v3 =	vmul.f32 v5, v4;
	[tilespmem:s31+$0x40] =	vst v25  }
0x116: {  	[tilespmem:s31+$0xFFFFFFE0] =	vst v10  }
0x117: {  	[tilespmem:s31+$0xF0] =	vst v6  }
0x118: {  	[tilespmem:s31+$0xFFFFFF90] =	vst v3  }
0x119: {  	[tilespmem:s31+$0xFFFFFF70] =	vst v11  }
0x11a: {  	v6 =	vld [tilespmem:s8+$0xFFFFFFF0];
	[tilespmem:s31+$0x20] =	vst v14  }
0x11b: {  	v3 =	vld [tilespmem:s8+$0xFFFFFF60];
	[tilespmem:s31+$0x30] =	vst v24  }
0x11c: {  	v10 =	vld [tilespmem:s8+$0xFFFFFFD0];
	[tilespmem:s31+$0xFFFFFF80] =	vst v8  }
0x11d: {  	v11 =	vld [tilespmem:s8+$0x80];
	[tilespmem:s31+$0x50] =	vst v26  }
0x11e: {  	v14 =	vld [tilespmem:s8+$0xFFFFFF10];
	[tilespmem:s31+$0x0] =	vst v17  }
0x11f: {  	v18 =	vld [tilespmem:s8+$0xE0];
	[tilespmem:s31+$0xFFFFFF30] =	vst v19  }
0x120: {  	s9 =	sshra.s32 s13, $0x2;
	v13 =	vld [tilespmem:s8+$0xFFFFFF40];
	[tilespmem:s31+$0x10] =	vst v22;
	s31 =	smov.u32 s8  }
0x121: {  	v4 =	vld.idx.msk [tilespmem:v7+s9+$0x0 ss:$0x1], $0xffff  }
0x122: {  	v5 =	vld [tilespmem:s8+$0xFFFFFF90]  }
0x123: {  	v12 =	vld [tilespmem:s8+$0xFFFFFFC0]  }
0x124: {  	v15 =	vld [tilespmem:s8+$0xFFFFFF00]  }
0x125: {  	v16 =	vld [tilespmem:s8+$0xD0]  }
.Ltmp9:
0x126: {  	v25 =	vld [tilespmem:s8+$0xC0];
	(pc) =	sbr.rel @p5 .LBB2_17-.Ltmp9, $4  }
0x127: {  	v21 =	vbroadcast v4, $0x0;
	v8 =	vbroadcast v4, $0xF;
	v23 =	vld [tilespmem:s8+$0x90]  }
0x128: {  	v22 =	vbroadcast v4, $0x2;
	v20 =	vbroadcast v4, $0xE;
	v24 =	vld [tilespmem:s8+$0xFFFFFF50]  }
0x129: {  	v27 =	vmul.f32 v21, v15;
	v15 =	vbroadcast v4, $0xD;
	v19 =	vld [tilespmem:s8+$0xB0]  }
0x12a: {  	v17 =	vbroadcast v4, $0xC;
	v26 =	vmul.f32 v13, v22;
	v13 =	vld [tilespmem:s8+$0x60]  }
0x12b: {  	[tilespmem:s31+$0xFFFFFF00] =	vst v27;
	v7 =	vmul.f32 v18, v8  }
0x12c: {  	v63 =	vmul.f32 v25, v20;
	[tilespmem:s31+$0xFFFFFF40] =	vst v26  }
0x12d: {  	v14 =	vmul.f32 v14, v21;
	[tilespmem:s31+$0xE0] =	vst v7  }
0x12e: {  	v32 =	vmul.f32 v16, v20;
	[tilespmem:s31+$0xC0] =	vst v63  }
0x12f: {  	v30 =	vmul.f32 v23, v17;
	[tilespmem:s31+$0xFFFFFF10] =	vst v14  }
0x130: {  	v38 =	vbroadcast v4, $0x6;
	v11 =	vmul.f32 v11, v17;
	[tilespmem:s31+$0xD0] =	vst v32  }
0x131: {  	v22 =	vmul.f32 v24, v22;
	[tilespmem:s31+$0x90] =	vst v30  }
0x132: {  	v42 =	vbroadcast v4, $0x5;
	v10 =	vmul.f32 v10, v38;
	[tilespmem:s31+$0x80] =	vst v11  }
0x133: {  	v44 =	vbroadcast v4, $0x7;
	v12 =	vmul.f32 v12, v38;
	[tilespmem:s31+$0xFFFFFF50] =	vst v22  }
0x134: {  	v51 =	vbroadcast v4, $0x3;
	v9 =	vmul.f32 v9, v42;
	[tilespmem:s31+$0xFFFFFFD0] =	vst v10  }
0x135: {  	v28 =	vld [tilespmem:s31+$0xA0];
	v56 =	vbroadcast v4, $0x4;
	v6 =	vmul.f32 v6, v44;
	[tilespmem:s31+$0xFFFFFFC0] =	vst v12  }
0x136: {  	v29 =	vld [tilespmem:s31+$0x70];
	v3 =	vmul.f32 v3, v51;
	[tilespmem:s31+$0xFFFFFFA0] =	vst v9  }
0x137: {  	v31 =	vld [tilespmem:s31+$0xFFFFFFB0];
	v34 =	vbroadcast v4, $0xB;
	v5 =	vmul.f32 v5, v56;
	[tilespmem:s31+$0xFFFFFFF0] =	vst v6  }
0x138: {  	v33 =	vld [tilespmem:s31+$0xFFFFFF20];
	v40 =	vmul.f32 v19, v15;
	[tilespmem:s31+$0xFFFFFF60] =	vst v3  }
0x139: {  	v37 =	vld [tilespmem:s31+$0x40];
	v13 =	vmul.f32 v13, v34;
	[tilespmem:s31+$0xFFFFFF90] =	vst v5  }
0x13a: {  	v35 =	vld [tilespmem:s31+$0xFFFFFFE0];
	v36 =	vmul.f32 v28, v15;
	[tilespmem:s31+$0xB0] =	vst v40  }
0x13b: {  	v49 =	vbroadcast v4, $0x1;
	v52 =	vld [tilespmem:s31+$0xF0];
	v21 =	vmul.f32 v29, v34;
	[tilespmem:s31+$0x60] =	vst v13  }
0x13c: {  	v46 =	vld [tilespmem:s31+$0xFFFFFF70];
	v53 =	vbroadcast v4, $0xA;
	v50 =	vmul.f32 v31, v42;
	[tilespmem:s31+$0xA0] =	vst v36  }
0x13d: {  	v43 =	vld [tilespmem:s31+$0x30];
	v16 =	vmul.f32 v33, v49;
	[tilespmem:s31+$0x70] =	vst v21  }
0x13e: {  	v47 =	vld [tilespmem:s31+$0xFFFFFF80];
	v55 =	vmul.f32 v37, v53;
	[tilespmem:s31+$0xFFFFFFB0] =	vst v50  }
0x13f: {  	v41 =	vld [tilespmem:s31+$0x20];
	v7 =	vmul.f32 v35, v44;
	[tilespmem:s31+$0xFFFFFF20] =	vst v16  }
0x140: {  	v45 =	vld [tilespmem:s31+$0x0];
	v57 =	vbroadcast v4, $0x9;
	v3 =	vmul.f32 v52, v8;
	[tilespmem:s31+$0x40] =	vst v55  }
0x141: {  	v39 =	vld [tilespmem:s31+$0x50];
	v58 =	vmul.f32 v46, v51;
	[tilespmem:s31+$0xFFFFFFE0] =	vst v7  }
0x142: {  	v54 =	vld [tilespmem:s31+$0xFFFFFF30];
	v59 =	vmul.f32 v43, v57;
	[tilespmem:s31+$0xF0] =	vst v3  }
0x143: {  	v48 =	vld [tilespmem:s31+$0x10];
	v60 =	vbroadcast v4, $0x8;
	v61 =	vmul.f32 v47, v56;
	[tilespmem:s31+$0xFFFFFF70] =	vst v58  }
0x144: {  	v3 =	vmul.f32 v41, v57;
	[tilespmem:s31+$0x30] =	vst v59  }
0x145: {  	v62 =	vmul.f32 v45, v60;
	[tilespmem:s31+$0xFFFFFF80] =	vst v61  }
0x146: {  	[tilespmem:s31+$0x20] =	vst v3;
	v3 =	vmul.f32 v39, v53  }
0x147: {  	v63 =	vmul.f32 v54, v49;
	[tilespmem:s31+$0x0] =	vst v62  }
0x148: {  	s28 =	sadd.s32 $0x1, s28;
	[tilespmem:s31+$0x50] =	vst v3;
	v3 =	vmul.f32 v48, v60  }
0x149: {  	p1 =	sne.s32 s28, $0x8;
	[tilespmem:s31+$0xFFFFFF30] =	vst v63  }
.Ltmp10:
0x14a: {  	[tilespmem:s31+$0x10] =	vst v3;
	(pc) =	sbr.rel @p1 .LBB2_16-.Ltmp10, $4  }
0x14b: {  	[spmem:s30] =	stream.linear.scatter [tilespmem:s14], [sflag:$0x3], $0x1000, $0x38;
	[tilespmem:$0x1E480] =	vst v63  }
0x14c: {  	_ =	swait.ge [sflag:s15], $0x1000  }
0x14d: {  	[sflag:s15] =	ssyncset.done $0x0  }
0x14e: {  	s29 =	sadd.s32 $0x80, s29;
	[sflag:s15] =	ssyncadd.s32 $0xFFFFF000  }
0x14f: {  	[bflag:$0x0] =	sbarrier.arrive $0xFFFF;
	s0 =	simm.s32 $0x8400  }
0x150: {  	[tilespmem:s19], [sflag:$0x3] =	stream.indirect.gather [spmem:s2], $0x20, s0, s20, $0xb8;
	[tilespmem:$0x1E480] =	vst v63  }
0x151: {  	_ =	swait.ge [sflag:s15], $0x8000  }
0x152: {  	[sflag:s15] =	ssyncset.done $0x0  }
0x153: {  	s13 =	rddreg [dreg:$0x18];
	[sflag:s15] =	ssyncadd.s32 $0xFFFF8000  }
0x154: {  	[hbm4b:s13+s17] =	stream.strided.scatter [tilespmem:s19], [sflag:$0x1], $0x8000, s18, s17, $0x38;
	[tilespmem:$0x1E480] =	vst v63  }
0x155: {  	s28 =	simm.s32 $0x8800  }
0x156: {  	[tilespmem:s22], [sflag:$0x3] =	stream.indirect.gather [spmem:s2], $0x20, s28, s20, $0xb8;
	[tilespmem:$0x1E480] =	vst v63  }
0x157: {  	_ =	swait.ge [sflag:s15], $0x8000  }
0x158: {  	[sflag:s15] =	ssyncset.done $0x0  }
0x159: {  	s29 =	rddreg [dreg:$0x19];
	[sflag:s15] =	ssyncadd.s32 $0xFFFF8000  }
0x15a: {  	[hbm4b:s29+s17] =	stream.strided.scatter [tilespmem:s22], [sflag:$0x2], $0x8000, s18, s17, $0x38;
	[tilespmem:$0x1E480] =	vst v63  }
0x15b: {  	_ =	swait.ge [sflag:s23], $0x8000  }
0x15c: {  	[sflag:s23] =	ssyncset.done $0x0  }
0x15d: {  	s0 =	simm.s32 $0x8C00;
	[sflag:s23] =	ssyncadd.s32 $0xFFFF8000  }
0x15e: {  	[tilespmem:s19], [sflag:$0x3] =	stream.indirect.gather [spmem:s2], $0x20, s0, s20, $0xb8;
	[tilespmem:$0x1E480] =	vst v63  }
0x15f: {  	_ =	swait.ge [sflag:s15], $0x8000  }
0x160: {  	s13 =	rddreg [dreg:$0x1b]  }
0x161: {  	[sflag:s15] =	ssyncset.done $0x0;
	s8 =	sshrl.u32 s13, $0x3  }
0x162: {  	[sflag:s15] =	ssyncadd.s32 $0xFFFF8000;
	s8 =	sadd.s32 s7, s8  }
0x163: {  	[hbm4b:s8+s17] =	stream.strided.scatter [tilespmem:s19], [sflag:$0x1], $0x8000, s18, s17, $0x38;
	[tilespmem:$0x1E480] =	vst v63  }
0x164: {  	_ =	swait.ge [sflag:s24], $0x8000  }
0x165: {  	[sflag:s24] =	ssyncset.done $0x0  }
0x166: {  	s30 =	simm.s32 $0x9000;
	[sflag:s24] =	ssyncadd.s32 $0xFFFF8000  }
0x167: {  	[tilespmem:s22], [sflag:$0x3] =	stream.indirect.gather [spmem:s2], $0x20, s30, s20, $0xb8;
	[tilespmem:$0x1E480] =	vst v63  }
0x168: {  	_ =	swait.ge [sflag:s15], $0x8000  }
0x169: {  	[sflag:s15] =	ssyncset.done $0x0  }
0x16a: {  	s31 =	sadd.s32 $0x0, s10;
	[sflag:s15] =	ssyncadd.s32 $0xFFFF8000  }
0x16b: {  	[hbm4b:s31+s17] =	stream.strided.scatter [tilespmem:s22], [sflag:$0x2], $0x8000, s18, s17, $0x38;
	[tilespmem:$0x1E480] =	vst v63  }
0x16c: {  	_ =	swait.ge [sflag:s23], $0x8000  }
0x16d: {  	s8 =	simm.s32 $0x40000;
	[sflag:s23] =	ssyncset.done $0x0  }
.LBB2_20:
0x16e: {  	[sflag:s23] =	ssyncadd.s32 $0xFFFF8000  }
0x16f: {  	s13 =	sadd.s32 $0x200000, s13;
	s0 =	sadd.s32 $0x800, s0;
	s9 =	smov.u32 s8  }
0x170: {  	[tilespmem:s19], [sflag:$0x3] =	stream.indirect.gather [spmem:s2], $0x20, s0, s20, $0xb8;
	[tilespmem:$0x1E480] =	vst v63  }
0x171: {  	p1 =	sne.s32 s8, $0x180000;
	s8 =	sadd.s32 $0x40000, s8;
	_ =	swait.ge [sflag:s15], $0x8000  }
0x172: {  	s28 =	sshrl.u32 s13, $0x3;
	[sflag:s15] =	ssyncset.done $0x0  }
0x173: {  	s28 =	sadd.s32 s7, s28;
	[sflag:s15] =	ssyncadd.s32 $0xFFFF8000  }
0x174: {  	[hbm4b:s28+s17] =	stream.strided.scatter [tilespmem:s19], [sflag:$0x1], $0x8000, s18, s17, $0x38;
	[tilespmem:$0x1E480] =	vst v63  }
0x175: {  	_ =	swait.ge [sflag:s24], $0x8000  }
0x176: {  	[sflag:s24] =	ssyncset.done $0x0  }
0x177: {  	s28 =	sadd.s32 $0x400, s0;
	[sflag:s24] =	ssyncadd.s32 $0xFFFF8000  }
0x178: {  	[tilespmem:s22], [sflag:$0x3] =	stream.indirect.gather [spmem:s2], $0x20, s28, s20, $0xb8;
	[tilespmem:$0x1E480] =	vst v63  }
0x179: {  	_ =	swait.ge [sflag:s15], $0x8000  }
.Ltmp11:
0x17a: {  	[sflag:s15] =	ssyncset.done $0x0;
	(pc) =	sbr.rel @p1 .LBB2_20-.Ltmp11, $4  }
0x17b: {  	s9 =	sadd.s32 s9, s10;
	[sflag:s15] =	ssyncadd.s32 $0xFFFF8000  }
0x17c: {  	[hbm4b:s9+s17] =	stream.strided.scatter [tilespmem:s22], [sflag:$0x2], $0x8000, s18, s17, $0x38;
	[tilespmem:$0x1E480] =	vst v63  }
0x17d: {  	_ =	swait.ge [sflag:s23], $0x8000  }
0x17e: {  	[sflag:s23] =	ssyncset.done $0x0  }
0x17f: {  	[sflag:s23] =	ssyncadd.s32 $0xFFFF8000  }
0x180: {  	s0 =	simm.s32 @!p0 $0x400;
	s8 =	simm.s32 @!p0 $0xC400;
	s9 =	simm.s32 @!p0 $0xC800  }
0x181: {  	[tilespmem:s9], [sflag:$0x3] =	stream.indirect.gather @!p0 [spmem:s2], $0x20, s8, s0, $0xb8;
	[tilespmem:$0x1E480] =	vst v63  }
0x182: {  	s0 =	simm.s32 @!p0 $0x3  }
0x183: {  	_ =	swait.ge @!p0 [sflag:s0], $0x8000  }
0x184: {  	s28 =	sld [smem:$0x7FB];
	_ =	sdelay $0x1  }
0x185: {  	[sflag:s0] =	ssyncset.done @!p0 $0x0;
	s13 =	rddreg [dreg:$0x15]  }
0x186: {  	s29 =	sld [smem:$0x7FC];
	[sflag:s0] =	ssyncadd.s32 @!p0 $0xFFFF8000;
	p1 =	seq.s32 s28, $0x1  }
0x187: {  	s0 =	simm.s32 @!p1 $0x20;
	s8 =	simm.s32 @!p1 $0x40;
	s9 =	simm.s32 @!p1 $0xC800  }
0x188: {  	[hbm4b:s13+s0] =	stream.strided.scatter @!p1 [tilespmem:s9], [sflag:$0x1], $0x1260, s8, s0, $0x38;
	[tilespmem:$0x1E480] =	vst v63  }
0x189: {  	p1 =	seq.s32 s29, $0x1;
	s13 =	rddreg [dreg:$0x1a]  }
0x18a: {  	s0 =	simm.s32 @!p1 $0x20;
	s8 =	simm.s32 @!p1 $0x40;
	s9 =	simm.s32 @!p1 $0xC800  }
0x18b: {  	[hbm4b:s13+s0] =	stream.strided.scatter @!p1 [tilespmem:s9], [sflag:$0x1], $0x8000, s8, s0, $0x38;
	[tilespmem:$0x1E480] =	vst v63  }
0x18c: {  	_ =	swait.ge [sflag:s24], $0x8000  }
0x18d: {  	s30 =	sld [smem:$0x7FD];
	_ =	sdelay $0x2  }
0x18e: {  	[sflag:s24] =	ssyncset.done $0x0;
	p1 =	seq.s32 s30, $0x1  }
0x18f: {  	[sflag:s24] =	ssyncadd.s32 $0xFFFF8000;
	s0 =	simm.s32 @p1 $0x1  }
0x190: {  	_ =	swait.ge @p1 [sflag:s0], $0x8000  }
0x191: {  	[sflag:s0] =	ssyncset.done @p1 $0x0  }
0x192: {  	[sflag:s0] =	ssyncadd.s32 @p1 $0xFFFF8000;
	s0 =	simm.s32 @!p4 $0x1  }
0x193: {  	_ =	swait.ge @!p4 [sflag:s0], $0x1260  }
0x194: {  	s4 =	sadd.s32 $0x1, s4;
	s31 =	rddreg [dreg:$0x16]  }
0x195: {  	p1 =	sne.s32 s4, s31  }
.Ltmp12:
0x196: {  	_ = 	snop;
	(pc) =	sbr.rel @p1 .LBB2_1-.Ltmp12, $3  }
0x197: {  	_ =	sdelay $0x1  }
0x198: {  	[sflag:s0] =	ssyncset.done @!p4 $0x0  }
0x199: {  	[sflag:s0] =	ssyncadd.s32 @!p4 $0xFFFFEDA0  }
0x19a: {  	_ =	sfence.sel $0x180000  }
0x19b: {  	[bflag:$0x0] =	sbarrier.arrive $0xFFFF  }
0x19c: {  	_ =	strace $0x90000047  }
0x19d: {  	[bflag:$0x2] =	sbarrier.arrive $0xFFFF  }
0x19e: {  	p0 =	sne.s32 s5, $0x0;
	s0 =	rddreg [dreg:$0x4]  }
0x19f: {  	s0 =	sadd.s32 @!p0 $0x100000, s0  }
0x1a0: {  	[sflag:s0] =	ssyncadd.tile.s32 @!p0 $0x1;
	_ =	shalt  }
.Lfunc_end2:
_tile_overlayer_lowered:
.L_overlay_start_2:
0x1a1: {  	(tag) =	ssettag $0x2  }
0x1a2: {  	s0 =	rddreg [dreg:$0x0];
	s2 =	stileid.u32  }
0x1a3: {  	s1 =	rddreg [dreg:$0x1];
	p0 =	sne.s32 s2, $0x0  }
0x1a4: {  	s3 =	rddreg [dreg:$0x2];
	[bflag:$0x3] =	sbarrier.arrive $0xFFFF;
	s2 =	simm.s32 @!p0 $0x1C03  }
0x1a5: {  	[timem:s3], [sflag:s2] =	dma.local @!p0 [hbm:s0], s1  }
0x1a6: {  	s0 =	simm.s32 @!p0 $0x3  }
0x1a7: {  	_ =	swait.ge @!p0 [sflag:s0], s1  }
0x1a8: {  	s1 =	ssub.s32 @!p0 $0x0, s1;
	[sflag:s0] =	ssyncset.done @!p0 $0x0  }
0x1a9: {  	[sflag:s0] =	ssyncadd.s32 @!p0 s1  }
0x1aa: {  	[bflag:$0x3] =	sbarrier.arrive $0xFFFF  }
0x1ab: {  	_ =	shalt  }

// kernel: sparse-core-data-format-call.cloned.1.call-start
scs
called_computation_lowered:
.L_overlay_start_0:
0x0: {  	s2 =	sld [smem:$0x3FD9]  }
0x1: {  	s3 =	sld [smem:$0x3FFE];
	_ =	sdelay $0x1  }
0x2: {  	s1 =	srdreg.scid  }
0x3: {  	s0 =	sand.u32 $0x1, s1  }
0x4: {  	s18 =	sshll.u32 s0, $0xA;
	s2 =	sadd.s32 s3, s2  }
0x5: {  	s2 =	sadd.s32 s2, s18  }
0x6: {  	[smem:$0x3FC6] =	sst s2  }
0x7: {  	_ = 	snop  }
0x8: {  	s2 =	sld [smem:$0x3FD0];
	(tm) =	ssettm $0x1  }
0x9: {  	s19 =	sld [smem:$0x3FFB];
	_ =	sdelay $0x3  }
0xa: {  	_ =	strace s19  }
0xb: {  	s3 =	sld [smem:$0x3FFC];
	_ =	sdelay $0x3  }
0xc: {  	_ =	strace s3  }
0xd: {  	s3 =	sld [smem:$0x3FFD];
	_ =	sdelay $0x3  }
0xe: {  	_ =	strace s3  }
0xf: {  	_ =	strace $0x8FFFFFFF  }
0x10: {  	s20 =	sld [smem:$0x3FDB];
	_ =	sdelay $0x1  }
0x11: {  	s4 =	simm.s32 $_scs_section_size  }
0x12: {  	s5 =	simm.s32 $_size__tile_overlayer_lowered;
	s6 =	simm.s32 $_tile_overlayer_lowered  }
0x13: {  	s23 =	simm.s32 $0x1BFF;
	s22 =	sshll.u32 s6, $0x1;
	s3 =	sadd.s32 s4, s20  }
0x14: {  	s7 =	simm.s32 $0x0;
	s21 =	sshll.u32 s5, $0x1;
	s5 =	sadd.s32 s22, s3  }
0x15: {  	[timem:s7], [sflag:s23] =	dma.local [hbm:s5], s21  }
0x16: {  	_ =	swait.ge [sflag:s23], s21  }
0x17: {  	s4 =	ssub.s32 $0x0, s21;
	[sflag:s23] =	ssyncset.done $0x0  }
0x18: {  	[sflag:s23] =	ssyncadd.s32 s4;
	_ =	sdelay $0x1  }
0x19: {  	s24 =	simm.s32 $0x1B8B  }
0x1a: {  	_ =	swait.ge [sflag:s24], $0x1  }
0x1b: {  	[sflag:s24] =	ssyncset.done $0x0  }
0x1c: {  	s26 =	simm.s32 $0x1B8E;
	s25 =	sld [smem:$0x3FFE];
	[sflag:s24] =	ssyncadd.s32 $0xFFFFFFFF  }
0x1d: {  	s27 =	simm.s32 $execute0_lowered;
	[smem:$0x3FD2] =	sst s26  }
0x1e: {  	s5 =	sshll.u32 s27, $0x1;
	_ =	strace $0x80000049;
	[dreg:$0x1] =	wrdreg $0xFFFFFFFF  }
0x1f: {  	s28 =	simm.s32 $_size_execute0_lowered;
	s3 =	sadd.s32 s3, s5;
	[dreg:$0x0] =	wrdreg $0x0  }
0x20: {  	s5 =	sshll.u32 s28, $0x1;
	[dreg:$0x2] =	wrdreg s3  }
0x21: {  	[dreg:$0x3] =	wrdreg s5  }
0x22: {  	[dreg:$0x4] =	wrdreg $0xC0  }
0x23: {  	_ =	task [dreg:s7], $0x5FFFF  }
0x24: {  	[dreg:$0x1] =	wrdreg $0xFFFFFFFF  }
0x25: {  	[dreg:$0x0] =	wrdreg $0x60  }
0x26: {  	[dreg:$0x2] =	wrdreg s25  }
0x27: {  	[dreg:$0x3] =	wrdreg s2  }
0x28: {  	[dreg:$0x4] =	wrdreg $0x9  }
0x29: {  	_ =	task.clear_ibuf [dreg:s7], $0x5FFFF;
	_ =	strace $0x90000049  }
0x2a: {  	s29 =	simm.s32 $0x9;
	_ =	strace $0x8000004B  }
0x2b: {  	_ =	swait.ge [sflag:s29], $0x1  }
0x2c: {  	[sflag:s29] =	ssyncadd.s32 $0xFFFFFFFF  }
0x2d: {  	_ =	strace $0x9000004B  }
0x2e: {  	_ =	sfence  }
0x2f: {  	s30 =	sld [smem:$0x0];
	_ =	sdelay $0x2  }
0x30: {  	s31 =	sshll.u32 s1, $0xD;
	s1 =	sshrl.u32 s1, $0x2  }
0x31: {  	s3 =	sand.u32 $0x4000, s31;
	s1 =	sadd.s32 s1, s30  }
0x32: {  	s0 =	sor.u32 s3, s0;
	s1 =	sshll.u32 s1, $0x11  }
0x33: {  	s0 =	sor.u32 s1, s0  }
0x34: {  	s0 =	sadd.s32 $0x8F2B, s0  }
0x35: {  	[sflag:s0] =	ssyncadd.remote.s32 $0x1  }
0x36: {  	_ =	sfence.sel $0xFFFF  }
0x37: {  	[dreg:$0x0] =	wrdreg $0xFFFFFFFF;
	(pc) =	sbr.abs _section_cstart, $3  }
0x38: {  	[dreg:$0x1] =	wrdreg $0xFFFFFFFF  }
0x39: {  	_ =	task.clear_ibuf [dreg:s7], $0x2FFFF;
	_ =	strace $0x9FFFFFFF  }
0x3a: {  	(tm) =	ssettm $0x7FFFFFFF  }
0x3b: {  	_ =	shalt  }
tec
execute0_lowered:
.L_overlay_start_1:
0x0: {  	(tag) =	ssettag $0x1  }
0x1: {  	s4 =	rddreg [dreg:$0x0]  }
0x2: {  	s0 =	srdreg.scid;
	s2 =	rddreg [dreg:$0x1]  }
0x3: {  	s1 =	stileid.u32;
	s5 =	simm.s32 $0x1;
	s0 =	sshll.u32 s0, $0x4  }
0x4: {  	s7 =	simm.s32 $0x2;
	s11 =	simm.s32 $0x0;
	s3 =	sand.u32 $0x10, s0  }
.Ltmp0:
0x5: {  	p0 =	por $0x0, $0x0;
	s3 =	sor.u32 s1, s3;
	(pc) =	sbr.rel .LBB1_1-.Ltmp0, $4  }
0x6: {  	s8 =	simm.s32 $0x20C800;
	s10 =	simm.s32 $0x0;
	s3 =	sshll.u32 s3, $0x7  }
0x7: {  	s0 =	rddreg [dreg:$0x2];
	_ =	strace $0x8000004A;
	s6 =	ssub.s32 $0x41880, s3  }
0x8: {  	s4 =	sadd.s32 $0x215800, s4;
	[sflag:s5] =	ssyncpa.u1 $0x0;
	s6 =	sshrl.u32 s6, $0xC  }
0x9: {  	[sflag:s7] =	ssyncpa.u1 $0x0;
	s9 =	smov.u32 s3;
	s7 =	sor.u32 $0x2, s6  }
.LBB1_5:
0xa: {  	s13 =	sadd.s32 $0x1000, s9  }
0xb: {  	p2 =	sgt.s32 s13, $0x41892  }
0xc: {  	s13 =	smov.u32 @p2 s3;
	p2 =	sne.s32 s10, s7  }
.Ltmp1:
0xd: {  	p1 =	slt.u32 s10, $0x2;
	(pc) =	sbr.rel @!p2 .LBB1_6-.Ltmp1, $4  }
0xe: {  	s12 =	simm.s32 @!p1 $0x2  }
0xf: {  	s14 =	sadd.s32 $0x1, s10;
	_ =	swait.ge @!p1 [sflag:s12], $0x2000  }
0x10: {  	s11 =	smov.u32 s9;
	p0 =	por !p0, !p0;
	[sflag:s12] =	ssyncset.done @!p1 $0x0  }
0x11: {  	s10 =	smov.u32 s14;
	s9 =	smov.u32 s13;
	[sflag:s12] =	ssyncadd.s32 @!p1 $0xFFFFE000  }
.LBB1_1:
0x12: {  	p1 =	sgt.u32 s10, s6  }
0x13: {  	s13 =	smov.u32 s9;
	p2 =	sgt.s32 @!p1 s9, $0x41818  }
0x14: {  	s12 =	sand.u32 @!p1 $0x1FFFFFF, s9;
	s14 =	sshra.s32 @!p1 s9, $0x1F;
	p2 =	por !p2, p1  }
0x15: {  	s15 =	smulhi.u32 @!p1 $0xF9FEEB, s12;
	s14 =	sand.u32 @!p1 s14, s9;
	s13 =	simm.s32 @p2 $0x41818  }
0x16: {  	s13 =	ssub.s32 @!p1 s13, s14  }
0x17: {  	s14 =	sshrl.u32 @!p1 s15, $0xA;
	s13 =	sadd.s32 @!p1 $0xFFFBE7E8, s13  }
0x18: {  	s15 =	sxor.u32 @!p1 $0xFFFFFFFF, s10;
	s14 =	smul.u32 @!p1 $0x41898, s14;
	s16 =	sshll.u32 @!p1 s13, $0x8  }
0x19: {  	s15 =	sshll.u32 @!p1 s15, $0xD;
	p2 =	sgt.s32 @!p1 s13, $0x7F;
	s13 =	ssub.s32 @!p1 $0x8000, s16  }
0x1a: {  	s12 =	ssub.s32 @!p1 s12, s14;
	p2 =	por !p2, p1;
	s14 =	sand.u32 @!p1 $0x2000, s15  }
0x1b: {  	s15 =	simm.s32 @!p1 $0x40;
	s13 =	sshrl.u32 @!p1 s13, $0x2;
	s12 =	sshll.u32 @!p1 s12, $0x4  }
0x1c: {  	s16 =	simm.s32 @!p1 $0x80;
	s13 =	simm.s32 @!p2 $0x0;
	s12 =	sadd.s32 @!p1 s4, s12  }
0x1d: {  	[tilespmem:s14], [sflag:$0x1] =	stream.strided.gather @!p1 [hbm4b:s12+s15], s13, s16, s15, $0x38;
	[tilespmem:$0x8080] =	vst v63  }
0x1e: {  	p1 =	seq.s32 s10, $0x0  }
0x1f: {  	p2 =	sge.u32 @!p1 s10, s7  }
0x20: {  	p1 =	por p1, p2  }
.Ltmp2:
0x21: {  	_ = 	snop;
	(pc) =	sbr.rel @p1 .LBB1_5-.Ltmp2, $1  }
0x22: {  	_ =	sdelay $0x3  }
0x23: {  	p1 =	sgt.s32 s11, $0x41818;
	s12 =	smov.u32 s11;
	s13 =	sshra.s32 s11, $0x1F  }
0x24: {  	s12 =	simm.s32 @!p1 $0x41818;
	s13 =	sand.u32 s13, s11  }
0x25: {  	s12 =	ssub.s32 s12, s13  }
0x26: {  	s12 =	sadd.s32 $0xFFFBE7E8, s12  }
0x27: {  	s28 =	sshll.u32 s12, $0x8  }
0x28: {  	s13 =	ssub.s32 $0x8000, s28  }
0x29: {  	p1 =	sgt.s32 s12, $0x7F;
	s12 =	sshrl.u32 s13, $0x2  }
0x2a: {  	s13 =	simm.s32 $0x1;
	s12 =	simm.s32 @p1 $0x0  }
0x2b: {  	s13 =	simm.s32 @!p0 $0x0;
	_ =	swait.ge [sflag:s5], s12  }
0x2c: {  	s14 =	sshll.u32 s13, $0xD;
	s12 =	ssub.s32 $0x0, s12;
	[sflag:s5] =	ssyncset.done $0x0  }
0x2d: {  	s16 =	sor.u32 $0x20, s14;
	[sflag:s5] =	ssyncadd.s32 s12  }
0x2e: {  	s29 =	smul.u32 $0x8100, s13;
	v3 =	vld [tilespmem:s16+$0x10]  }
0x2f: {  	s30 =	sand.u32 $0x1, s10;
	v2 =	vld [tilespmem:s16+$0xFFFFFFF0]  }
0x30: {  	s13 =	smul.u32 $0x8100, s30;
	s12 =	sshrl.u32 s29, $0x2;
	v0 =	vld [tilespmem:s16+$0x0]  }
0x31: {  	s14 =	sor.u32 $0x4000, s12;
	v1 =	vld [tilespmem:s16+$0xFFFFFFE0]  }
0x32: {  	s31 =	sshrl.u32 s13, $0x2;
	s13 =	sadd.s32 $0x0, s14  }
0x33: {  	s15 =	simm.s32 $0x4;
	s12 =	sor.u32 $0x4000, s31;
	s16 =	sadd.s32 $0x40, s16;
	[tilespmem:s13+$0x1830 ss:$0x81] =	vst.msk $0xffff, v3  }
.LBB1_3:
0x34: {  	v3 =	vld [tilespmem:s16+$0x10];
	p1 =	sne.s32 s15, $0x1FC;
	[tilespmem:s13+$0x810 ss:$0x81] =	vst.msk $0xffff, v2;
	s17 =	smov.u32 s15;
	s15 =	sadd.s32 $0x4, s15  }
.Ltmp3:
0x35: {  	v2 =	vld [tilespmem:s16+$0xFFFFFFF0];
	[tilespmem:s13+$0x1020 ss:$0x81] =	vst.msk $0xffff, v0;
	(pc) =	sbr.rel @p1 .LBB1_3-.Ltmp3, $4  }
0x36: {  	v0 =	vld [tilespmem:s16+$0x0];
	[tilespmem:s13+$0x0 ss:$0x81] =	vst.msk $0xffff, v1  }
0x37: {  	s13 =	sshra.s32 s17, $0x2;
	v1 =	vld [tilespmem:s16+$0xFFFFFFE0]  }
0x38: {  	s13 =	sadd.s32 s13, s14  }
0x39: {  	s16 =	sadd.s32 $0x40, s16;
	[tilespmem:s13+$0x1830 ss:$0x81] =	vst.msk $0xffff, v3  }
0x3a: {  	s14 =	sshll.u32 s11, $0x3  }
0x3b: {  	s30 =	sand.u32 $0x7F, s11;
	s14 =	sand.u32 $0xFFFFFC00, s14  }
0x3c: {  	s11 =	sor.u32 s30, s14  }
0x3d: {  	s15 =	smulhi.u32 $0x7CF310D7, s11;
	_ =	sdelay $0x1  }
0x3e: {  	s14 =	smulhi.u32 $0x7CF310D7, s14;
	s15 =	sshrl.u32 s15, $0x11  }
0x3f: {  	s15 =	smul.u32 $0x41900, s15  }
0x40: {  	s14 =	sshrl.u32 s14, $0x11  }
.Ltmp4:
0x41: {  	s14 =	sand.u32 $0x3F, s14;
	s11 =	ssub.s32 s11, s15;
	(pc) =	sbr.rel .LBB1_5-.Ltmp4, $4  }
0x42: {  	[tilespmem:s13+$0x810 ss:$0x81] =	vst.msk $0xffff, v2;
	s14 =	smul.u32 $0x8320, s14;
	s15 =	sshrl.u32 s11, $0x3;
	s11 =	sand.u32 $0x7, s11  }
0x43: {  	[tilespmem:s13+$0x1020 ss:$0x81] =	vst.msk $0xffff, v0;
	s15 =	sadd.s32 s2, s15;
	s11 =	sshll.u32 s11, $0x12  }
0x44: {  	[tilespmem:s13+$0x0 ss:$0x81] =	vst.msk $0xffff, v1;
	s31 =	sadd.s32 s14, s15;
	s11 =	sor.u32 $0x400, s11  }
0x45: {  	[hbm4b:s31+s11] =	stream.strided.scatter [tilespmem:s12], [sflag:$0x2], $0x2000, s8, s11, $0x20;
	[tilespmem:$0x8080] =	vst v63  }
.LBB1_6:
0x46: {  	_ =	sfence.sel $0x180000  }
0x47: {  	s2 =	simm.s32 $0x1;
	[bflag:$0x0] =	sbarrier.arrive $0xFFFF  }
0x48: {  	s31 =	simm.s32 $0x2;
	[sflag:s2] =	ssyncpa.u1 $0x1  }
0x49: {  	[sflag:s31] =	ssyncpa.u1 $0x1  }
0x4a: {  	p0 =	sne.s32 s1, $0x0;
	_ =	strace $0x9000004A  }
0x4b: {  	s0 =	sadd.s32 @!p0 $0x100000, s0;
	[bflag:$0x2] =	sbarrier.arrive $0xFFFF  }
0x4c: {  	[sflag:s0] =	ssyncadd.tile.s32 @!p0 $0x1;
	_ =	shalt  }
.Lfunc_end1:
_tile_overlayer_lowered:
.L_overlay_start_2:
0x4d: {  	(tag) =	ssettag $0x2  }
0x4e: {  	s0 =	rddreg [dreg:$0x0];
	s2 =	stileid.u32  }
0x4f: {  	s1 =	rddreg [dreg:$0x1];
	p0 =	sne.s32 s2, $0x0  }
0x50: {  	s3 =	rddreg [dreg:$0x2];
	[bflag:$0x3] =	sbarrier.arrive $0xFFFF;
	s2 =	simm.s32 @!p0 $0x1C01  }
0x51: {  	[timem:s3], [sflag:s2] =	dma.local @!p0 [hbm:s0], s1  }
0x52: {  	s0 =	simm.s32 @!p0 $0x1  }
0x53: {  	_ =	swait.ge @!p0 [sflag:s0], s1  }
0x54: {  	s1 =	ssub.s32 @!p0 $0x0, s1;
	[sflag:s0] =	ssyncset.done @!p0 $0x0  }
0x55: {  	[sflag:s0] =	ssyncadd.s32 @!p0 s1  }
0x56: {  	[bflag:$0x3] =	sbarrier.arrive $0xFFFF  }
0x57: {  	_ =	shalt  }

</sc_bundles>
